<compile_context>
chip_gen: v7x
topology: tpu7x:2x2x1
jax: 0.10.2.dev20260603
libtpu: 0.0.44.dev20260713+nightly
codegen_flags: <defaults>
</compile_context>

<pallas_src>
import functools

import jax
import jax.numpy as jnp
from jax import lax
from jax.experimental import pallas as pl
from jax.experimental.pallas import tpu as pltpu
from jax.experimental.pallas import tpu_sc as plsc

NC = 2
NS = 16
L = 16
NW = NC * NS
BATCH = 16384
D = 64
BW = BATCH // NW
G = BW // L


def _sc_body(uidx_hbm, iidx_hbm, utab_hbm, itab_hbm, dummy_hbm, out_hbm,
             uidx_v, iidx_v, urows_v, irows_v, out_v,
             sem0, sem1, sem2, sem3):
    wid = lax.axis_index("s") * NC + lax.axis_index("c")
    base = wid * BW
    sems = (sem0, sem1, sem2, sem3)

    pltpu.sync_copy(uidx_hbm.at[pl.ds(base, BW)], uidx_v)
    pltpu.sync_copy(iidx_hbm.at[pl.ds(base, BW)], iidx_v)

    def fire(g, carry):
        u16 = uidx_v[pl.ds(g * L, L)]
        i16 = iidx_v[pl.ds(g * L, L)]
        for r in range(L):
            r2 = g * (L // 2) + (r // 2)
            half = (r % 2) * D
            pltpu.make_async_copy(
                utab_hbm.at[u16[r]], urows_v.at[r2, pl.ds(half, D)],
                sems[r % 4]).start()
            pltpu.make_async_copy(
                itab_hbm.at[i16[r]], irows_v.at[r2, pl.ds(half, D)],
                sems[r % 4]).start()
        return carry

    lax.fori_loop(0, G, fire, 0)
    for k in range(4):
        pltpu.make_async_copy(dummy_hbm.at[pl.ds(0, 2 * D)],
                              urows_v.at[pl.ds(0, 2 * D)], sems[k]).wait()

    lane = lax.iota(jnp.int32, L)

    def group(g, carry):
        tot = jnp.zeros((L,), jnp.float32)
        for r in range(L):
            r2 = g * (L // 2) + (r // 2)
            half = (r % 2) * D
            s = urows_v[r2, pl.ds(half, L)] * irows_v[r2, pl.ds(half, L)]
            for j in range(1, D // L):
                s = s + (urows_v[r2, pl.ds(half + j * L, L)]
                         * irows_v[r2, pl.ds(half + j * L, L)])
            tot = jnp.where(lane == r, jnp.sum(s), tot)
        out_v[pl.ds(g * L, L)] = 1.0 / (1.0 + jnp.exp(-tot))
        return carry

    lax.fori_loop(0, G, group, 0)

    pltpu.sync_copy(out_v, out_hbm.at[pl.ds(base, BW)])


@jax.jit
def kernel(user_indices, item_indices, user_table, item_table):
    uidx = user_indices.astype(jnp.int32)
    iidx = item_indices.astype(jnp.int32)
    mesh = plsc.VectorSubcoreMesh(core_axis_name="c", subcore_axis_name="s")
    run = functools.partial(
        pl.kernel,
        out_type=jax.ShapeDtypeStruct((BATCH,), jnp.float32),
        mesh=mesh,
        compiler_params=pltpu.CompilerParams(
            needs_layout_passes=False, use_tc_tiling_on_sc=True),
        scratch_types=[
            pltpu.VMEM((BW,), jnp.int32),
            pltpu.VMEM((BW,), jnp.int32),
            pltpu.VMEM((BW // 2, 2 * D), jnp.float32),
            pltpu.VMEM((BW // 2, 2 * D), jnp.float32),
            pltpu.VMEM((BW,), jnp.float32),
            pltpu.SemaphoreType.DMA,
            pltpu.SemaphoreType.DMA,
            pltpu.SemaphoreType.DMA,
            pltpu.SemaphoreType.DMA,
        ],
    )(_sc_body)
    dummy = jnp.zeros((BW // 2, 2 * D), jnp.float32)
    return run(uidx, iidx, user_table, item_table, dummy)

# --- scband reference (transcript-rebuilt; emitter-appended) ---
"""Pipeline reference for scband-cf-71562745086491 (READ-ONLY COPY).

The authoritative reference and input builder live on the scoring server;
editing this copy changes nothing except your own understanding.
"""

import jax, jax.numpy as jnp
import numpy as np

NUM_USERS = 100000
NUM_ITEMS = 100000
EMBED_DIM = 64
BATCH = 16384

def setup_inputs(seed: int = 0) -> dict:
    key = jax.random.key(seed)
    k1, k2, k3, k4 = jax.random.split(key, 4)
    user_indices = jax.random.randint(k1, (BATCH,), 0, NUM_USERS, dtype=jnp.int64) if jax.config.jax_enable_x64 else jax.random.randint(k1, (BATCH,), 0, NUM_USERS, dtype=jnp.int32)
    item_indices = jax.random.randint(k2, (BATCH,), 0, NUM_ITEMS, dtype=user_indices.dtype)
    user_table = jax.random.normal(k3, (NUM_USERS + 1, EMBED_DIM), dtype=jnp.float32) * 0.1
    item_table = jax.random.normal(k4, (NUM_ITEMS + 1, EMBED_DIM), dtype=jnp.float32) * 0.1
    return {"user_indices": user_indices, "item_indices": item_indices, "user_table": user_table, "item_table": item_table}

def reference(user_indices, item_indices, user_table, item_table):
    user_embeds = jnp.take(user_table, user_indices, axis=0)
    item_embeds = jnp.take(item_table, item_indices, axis=0)
    predictions = jnp.sum(user_embeds * item_embeds, axis=1)
    return jax.nn.sigmoid(predictions)

if __name__ == "__main__":
    import jax
    _d = setup_inputs()
    print(jax.jit(kernel)(*tuple(_d.values())))

</pallas_src>

<mosaic_0001>
#map = affine_map<(d0, d1) -> (0)>
#map1 = affine_map<(d0, d1) -> (0, 0)>
module attributes {stable_mosaic.version = 14 : i64} {
  func.func @_sc_body(%arg0: i32, %arg1: i32, %arg2: memref<16384xi32, #tpu.memory_space<hbm>>, %arg3: memref<16384xi32, #tpu.memory_space<hbm>>, %arg4: memref<100001x64xf32, #tpu.memory_space<hbm>>, %arg5: memref<100001x64xf32, #tpu.memory_space<hbm>>, %arg6: memref<256x128xf32, #tpu.memory_space<hbm>>, %arg7: memref<16384xf32, #tpu.memory_space<hbm>>, %arg8: memref<512xi32, #tpu.memory_space<vmem>>, %arg9: memref<512xi32, #tpu.memory_space<vmem>>, %arg10: memref<256x128xf32, #tpu.memory_space<vmem>>, %arg11: memref<256x128xf32, #tpu.memory_space<vmem>>, %arg12: memref<512xf32, #tpu.memory_space<vmem>>, %arg13: memref<!tpu.dma_semaphore, #tpu.memory_space<semaphore_mem>>, %arg14: memref<!tpu.dma_semaphore, #tpu.memory_space<semaphore_mem>>, %arg15: memref<!tpu.dma_semaphore, #tpu.memory_space<semaphore_mem>>, %arg16: memref<!tpu.dma_semaphore, #tpu.memory_space<semaphore_mem>>) attributes {dimension_semantics = [#tpu.dimension_semantics<core_parallel>, #tpu.dimension_semantics<subcore_parallel>], iteration_bounds = array<i64: 2, 16>, scalar_prefetch = 0 : i64, scratch_operands = 9 : i64, tpu.core_type = #tpu.core_type<sc_vector_subcore>, window_params = [{transform_indices = #map}, {transform_indices = #map}, {transform_indices = #map1}, {transform_indices = #map1}, {transform_indices = #map1}, {transform_indices = #map}]} {
    %mul3A = arith.constant 2 : i32
    %mul3A_0 = arith.muli %arg1, %mul3A : i32
    %add3A = arith.addi %mul3A_0, %arg0 : i32
    %mul3A_1 = arith.constant 512 : i32
    %mul3A_2 = arith.muli %add3A, %mul3A_1 : i32
    "tpu.region"() ({
      %run_scoped3A = tpu.sem_alloc : memref<!tpu.dma_semaphore, #tpu.memory_space<semaphore_mem>>
      %dma_start3A = tpu.memref_slice %arg2[%mul3A_2] : memref<16384xi32, #tpu.memory_space<hbm>> -> memref<512xi32, #tpu.memory_space<hbm>>
      %dma_start3A_61 = tpu.memref_slice %arg2[%mul3A_2] : memref<16384xi32, #tpu.memory_space<hbm>> -> memref<512xi32, #tpu.memory_space<hbm>>
      tpu.enqueue_dma source(%dma_start3A_61 : memref<512xi32, #tpu.memory_space<hbm>>) target(%arg8 : memref<512xi32, #tpu.memory_space<vmem>>) target_semaphore(%run_scoped3A : memref<!tpu.dma_semaphore, #tpu.memory_space<semaphore_mem>>)
      %dma_wait3A_62 = tpu.memref_slice %arg2[%mul3A_2] : memref<16384xi32, #tpu.memory_space<hbm>> -> memref<512xi32, #tpu.memory_space<hbm>>
      %dma_wait3A_63 = tpu.memref_slice %arg2[%mul3A_2] : memref<16384xi32, #tpu.memory_space<hbm>> -> memref<512xi32, #tpu.memory_space<hbm>>
      tpu.wait_dma2 semaphore(%run_scoped3A : memref<!tpu.dma_semaphore, #tpu.memory_space<semaphore_mem>>) src(%dma_wait3A_63 : memref<512xi32, #tpu.memory_space<hbm>>) dst(%arg8 : memref<512xi32, #tpu.memory_space<vmem>>)
      tpu.yield
    }) : () -> ()
    "tpu.region"() ({
      %run_scoped3A = tpu.sem_alloc : memref<!tpu.dma_semaphore, #tpu.memory_space<semaphore_mem>>
      %dma_start3A = tpu.memref_slice %arg3[%mul3A_2] : memref<16384xi32, #tpu.memory_space<hbm>> -> memref<512xi32, #tpu.memory_space<hbm>>
      %dma_start3A_61 = tpu.memref_slice %arg3[%mul3A_2] : memref<16384xi32, #tpu.memory_space<hbm>> -> memref<512xi32, #tpu.memory_space<hbm>>
      tpu.enqueue_dma source(%dma_start3A_61 : memref<512xi32, #tpu.memory_space<hbm>>) target(%arg9 : memref<512xi32, #tpu.memory_space<vmem>>) target_semaphore(%run_scoped3A : memref<!tpu.dma_semaphore, #tpu.memory_space<semaphore_mem>>)
      %dma_wait3A_62 = tpu.memref_slice %arg3[%mul3A_2] : memref<16384xi32, #tpu.memory_space<hbm>> -> memref<512xi32, #tpu.memory_space<hbm>>
      %dma_wait3A_63 = tpu.memref_slice %arg3[%mul3A_2] : memref<16384xi32, #tpu.memory_space<hbm>> -> memref<512xi32, #tpu.memory_space<hbm>>
      tpu.wait_dma2 semaphore(%run_scoped3A : memref<!tpu.dma_semaphore, #tpu.memory_space<semaphore_mem>>) src(%dma_wait3A_63 : memref<512xi32, #tpu.memory_space<hbm>>) dst(%arg9 : memref<512xi32, #tpu.memory_space<vmem>>)
      tpu.yield
    }) : () -> ()
    %scan3A = arith.constant 0 : i32
    %scan3A_3 = arith.constant 0 : i32
    %scan3A_4 = arith.constant 32 : i32
    %scan3A_5 = arith.addi %scan3A_3, %scan3A_4 : i32
    %scan3A_6 = arith.constant 1 : i32
    scf.for %scan3A_61 = %scan3A_3 to %scan3A_5 step %scan3A_6  : i32 {
      %mul3A_62 = arith.constant 16 : i32
      %mul3A_63 = arith.muli %scan3A_61, %mul3A_62 : i32
      %get3A = arith.index_cast %mul3A_63 : i32 to index
      %get3A_64 = tpu.vector_load %arg8[%get3A] {strides = array<i32>} : memref<512xi32, #tpu.memory_space<vmem>>, vector<16xi32>,
      %mul3A_65 = arith.constant 16 : i32
      %mul3A_66 = arith.muli %scan3A_61, %mul3A_65 : i32
      %get3A_67 = arith.index_cast %mul3A_66 : i32 to index
      %get3A_68 = tpu.vector_load %arg9[%get3A_67] {strides = array<i32>} : memref<512xi32, #tpu.memory_space<vmem>>, vector<16xi32>,
      %mul3A_69 = arith.constant 8 : i32
      %mul3A_70 = arith.muli %scan3A_61, %mul3A_69 : i32
      %add3A_71 = arith.constant 0 : i32
      %add3A_72 = arith.addi %mul3A_70, %add3A_71 : i32
      %slice3A = vector.extract_strided_slice %get3A_64 {offsets = [0], sizes = [1], strides = [1]} : vector<16xi32> to vector<1xi32>
      %squeeze3A = vector.extract %slice3A[0] : i32 from vector<1xi32>
      %dma_start3A = arith.constant 0 : i32
      %dma_start3A_73 = tpu.memref_slice %arg10[%add3A_72, %dma_start3A] : memref<256x128xf32, #tpu.memory_space<vmem>> -> memref<1x64xf32, #tpu.memory_space<vmem>>
      %dma_start3A_74 = tpu.memref_squeeze %dma_start3A_73 : memref<1x64xf32, #tpu.memory_space<vmem>> -> memref<64xf32, #tpu.memory_space<vmem>>
      %dma_start3A_75 = arith.constant 0 : i32
      %dma_start3A_76 = tpu.memref_slice %arg4[%squeeze3A, %dma_start3A_75] : memref<100001x64xf32, #tpu.memory_space<hbm>> -> memref<1x64xf32, #tpu.memory_space<hbm>>
      %dma_start3A_77 = tpu.memref_squeeze %dma_start3A_76 : memref<1x64xf32, #tpu.memory_space<hbm>> -> memref<64xf32, #tpu.memory_space<hbm>>
      %dma_start3A_78 = arith.constant 0 : i32
      %dma_start3A_79 = tpu.memref_slice %arg10[%add3A_72, %dma_start3A_78] : memref<256x128xf32, #tpu.memory_space<vmem>> -> memref<1x64xf32, #tpu.memory_space<vmem>>
      %dma_start3A_80 = tpu.memref_squeeze %dma_start3A_79 : memref<1x64xf32, #tpu.memory_space<vmem>> -> memref<64xf32, #tpu.memory_space<vmem>>
      %dma_start3A_81 = arith.constant 0 : i32
      %dma_start3A_82 = tpu.memref_slice %arg4[%squeeze3A, %dma_start3A_81] : memref<100001x64xf32, #tpu.memory_space<hbm>> -> memref<1x64xf32, #tpu.memory_space<hbm>>
      %dma_start3A_83 = tpu.memref_squeeze %dma_start3A_82 : memref<1x64xf32, #tpu.memory_space<hbm>> -> memref<64xf32, #tpu.memory_space<hbm>>
      tpu.enqueue_dma source(%dma_start3A_83 : memref<64xf32, #tpu.memory_space<hbm>>) target(%dma_start3A_80 : memref<64xf32, #tpu.memory_space<vmem>>) target_semaphore(%arg13 : memref<!tpu.dma_semaphore, #tpu.memory_space<semaphore_mem>>)
      %slice3A_84 = vector.extract_strided_slice %get3A_68 {offsets = [0], sizes = [1], strides = [1]} : vector<16xi32> to vector<1xi32>
      %squeeze3A_85 = vector.extract %slice3A_84[0] : i32 from vector<1xi32>
      %dma_start3A_86 = arith.constant 0 : i32
      %dma_start3A_87 = tpu.memref_slice %arg11[%add3A_72, %dma_start3A_86] : memref<256x128xf32, #tpu.memory_space<vmem>> -> memref<1x64xf32, #tpu.memory_space<vmem>>
      %dma_start3A_88 = tpu.memref_squeeze %dma_start3A_87 : memref<1x64xf32, #tpu.memory_space<vmem>> -> memref<64xf32, #tpu.memory_space<vmem>>
      %dma_start3A_89 = arith.constant 0 : i32
      %dma_start3A_90 = tpu.memref_slice %arg5[%squeeze3A_85, %dma_start3A_89] : memref<100001x64xf32, #tpu.memory_space<hbm>> -> memref<1x64xf32, #tpu.memory_space<hbm>>
      %dma_start3A_91 = tpu.memref_squeeze %dma_start3A_90 : memref<1x64xf32, #tpu.memory_space<hbm>> -> memref<64xf32, #tpu.memory_space<hbm>>
      %dma_start3A_92 = arith.constant 0 : i32
      %dma_start3A_93 = tpu.memref_slice %arg11[%add3A_72, %dma_start3A_92] : memref<256x128xf32, #tpu.memory_space<vmem>> -> memref<1x64xf32, #tpu.memory_space<vmem>>
      %dma_start3A_94 = tpu.memref_squeeze %dma_start3A_93 : memref<1x64xf32, #tpu.memory_space<vmem>> -> memref<64xf32, #tpu.memory_space<vmem>>
      %dma_start3A_95 = arith.constant 0 : i32
      %dma_start3A_96 = tpu.memref_slice %arg5[%squeeze3A_85, %dma_start3A_95] : memref<100001x64xf32, #tpu.memory_space<hbm>> -> memref<1x64xf32, #tpu.memory_space<hbm>>
      %dma_start3A_97 = tpu.memref_squeeze %dma_start3A_96 : memref<1x64xf32, #tpu.memory_space<hbm>> -> memref<64xf32, #tpu.memory_space<hbm>>
      tpu.enqueue_dma source(%dma_start3A_97 : memref<64xf32, #tpu.memory_space<hbm>>) target(%dma_start3A_94 : memref<64xf32, #tpu.memory_space<vmem>>) target_semaphore(%arg13 : memref<!tpu.dma_semaphore, #tpu.memory_space<semaphore_mem>>)
      %mul3A_98 = arith.constant 8 : i32
      %mul3A_99 = arith.muli %scan3A_61, %mul3A_98 : i32
      %add3A_100 = arith.constant 0 : i32
      %add3A_101 = arith.addi %mul3A_99, %add3A_100 : i32
      %slice3A_102 = vector.extract_strided_slice %get3A_64 {offsets = [1], sizes = [1], strides = [1]} : vector<16xi32> to vector<1xi32>
      %squeeze3A_103 = vector.extract %slice3A_102[0] : i32 from vector<1xi32>
      %dma_start3A_104 = arith.constant 64 : i32
      %dma_start3A_105 = tpu.memref_slice %arg10[%add3A_101, %dma_start3A_104] : memref<256x128xf32, #tpu.memory_space<vmem>> -> memref<1x64xf32, #tpu.memory_space<vmem>>
      %dma_start3A_106 = tpu.memref_squeeze %dma_start3A_105 : memref<1x64xf32, #tpu.memory_space<vmem>> -> memref<64xf32, #tpu.memory_space<vmem>>
      %dma_start3A_107 = arith.constant 0 : i32
      %dma_start3A_108 = tpu.memref_slice %arg4[%squeeze3A_103, %dma_start3A_107] : memref<100001x64xf32, #tpu.memory_space<hbm>> -> memref<1x64xf32, #tpu.memory_space<hbm>>
      %dma_start3A_109 = tpu.memref_squeeze %dma_start3A_108 : memref<1x64xf32, #tpu.memory_space<hbm>> -> memref<64xf32, #tpu.memory_space<hbm>>
      %dma_start3A_110 = arith.constant 64 : i32
      %dma_start3A_111 = tpu.memref_slice %arg10[%add3A_101, %dma_start3A_110] : memref<256x128xf32, #tpu.memory_space<vmem>> -> memref<1x64xf32, #tpu.memory_space<vmem>>
      %dma_start3A_112 = tpu.memref_squeeze %dma_start3A_111 : memref<1x64xf32, #tpu.memory_space<vmem>> -> memref<64xf32, #tpu.memory_space<vmem>>
      %dma_start3A_113 = arith.constant 0 : i32
      %dma_start3A_114 = tpu.memref_slice %arg4[%squeeze3A_103, %dma_start3A_113] : memref<100001x64xf32, #tpu.memory_space<hbm>> -> memref<1x64xf32, #tpu.memory_space<hbm>>
      %dma_start3A_115 = tpu.memref_squeeze %dma_start3A_114 : memref<1x64xf32, #tpu.memory_space<hbm>> -> memref<64xf32, #tpu.memory_space<hbm>>
      tpu.enqueue_dma source(%dma_start3A_115 : memref<64xf32, #tpu.memory_space<hbm>>) target(%dma_start3A_112 : memref<64xf32, #tpu.memory_space<vmem>>) target_semaphore(%arg14 : memref<!tpu.dma_semaphore, #tpu.memory_space<semaphore_mem>>)
      %slice3A_116 = vector.extract_strided_slice %get3A_68 {offsets = [1], sizes = [1], strides = [1]} : vector<16xi32> to vector<1xi32>
      %squeeze3A_117 = vector.extract %slice3A_116[0] : i32 from vector<1xi32>
      %dma_start3A_118 = arith.constant 64 : i32
      %dma_start3A_119 = tpu.memref_slice %arg11[%add3A_101, %dma_start3A_118] : memref<256x128xf32, #tpu.memory_space<vmem>> -> memref<1x64xf32, #tpu.memory_space<vmem>>
      %dma_start3A_120 = tpu.memref_squeeze %dma_start3A_119 : memref<1x64xf32, #tpu.memory_space<vmem>> -> memref<64xf32, #tpu.memory_space<vmem>>
      %dma_start3A_121 = arith.constant 0 : i32
      %dma_start3A_122 = tpu.memref_slice %arg5[%squeeze3A_117, %dma_start3A_121] : memref<100001x64xf32, #tpu.memory_space<hbm>> -> memref<1x64xf32, #tpu.memory_space<hbm>>
      %dma_start3A_123 = tpu.memref_squeeze %dma_start3A_122 : memref<1x64xf32, #tpu.memory_space<hbm>> -> memref<64xf32, #tpu.memory_space<hbm>>
      %dma_start3A_124 = arith.constant 64 : i32
      %dma_start3A_125 = tpu.memref_slice %arg11[%add3A_101, %dma_start3A_124] : memref<256x128xf32, #tpu.memory_space<vmem>> -> memref<1x64xf32, #tpu.memory_space<vmem>>
      %dma_start3A_126 = tpu.memref_squeeze %dma_start3A_125 : memref<1x64xf32, #tpu.memory_space<vmem>> -> memref<64xf32, #tpu.memory_space<vmem>>
      %dma_start3A_127 = arith.constant 0 : i32
      %dma_start3A_128 = tpu.memref_slice %arg5[%squeeze3A_117, %dma_start3A_127] : memref<100001x64xf32, #tpu.memory_space<hbm>> -> memref<1x64xf32, #tpu.memory_space<hbm>>
      %dma_start3A_129 = tpu.memref_squeeze %dma_start3A_128 : memref<1x64xf32, #tpu.memory_space<hbm>> -> memref<64xf32, #tpu.memory_space<hbm>>
      tpu.enqueue_dma source(%dma_start3A_129 : memref<64xf32, #tpu.memory_space<hbm>>) target(%dma_start3A_126 : memref<64xf32, #tpu.memory_space<vmem>>) target_semaphore(%arg14 : memref<!tpu.dma_semaphore, #tpu.memory_space<semaphore_mem>>)
      %mul3A_130 = arith.constant 8 : i32
      %mul3A_131 = arith.muli %scan3A_61, %mul3A_130 : i32
      %add3A_132 = arith.constant 1 : i32
      %add3A_133 = arith.addi %mul3A_131, %add3A_132 : i32
      %slice3A_134 = vector.extract_strided_slice %get3A_64 {offsets = [2], sizes = [1], strides = [1]} : vector<16xi32> to vector<1xi32>
      %squeeze3A_135 = vector.extract %slice3A_134[0] : i32 from vector<1xi32>
      %dma_start3A_136 = arith.constant 0 : i32
      %dma_start3A_137 = tpu.memref_slice %arg10[%add3A_133, %dma_start3A_136] : memref<256x128xf32, #tpu.memory_space<vmem>> -> memref<1x64xf32, #tpu.memory_space<vmem>>
      %dma_start3A_138 = tpu.memref_squeeze %dma_start3A_137 : memref<1x64xf32, #tpu.memory_space<vmem>> -> memref<64xf32, #tpu.memory_space<vmem>>
      %dma_start3A_139 = arith.constant 0 : i32
      %dma_start3A_140 = tpu.memref_slice %arg4[%squeeze3A_135, %dma_start3A_139] : memref<100001x64xf32, #tpu.memory_space<hbm>> -> memref<1x64xf32, #tpu.memory_space<hbm>>
      %dma_start3A_141 = tpu.memref_squeeze %dma_start3A_140 : memref<1x64xf32, #tpu.memory_space<hbm>> -> memref<64xf32, #tpu.memory_space<hbm>>
      %dma_start3A_142 = arith.constant 0 : i32
      %dma_start3A_143 = tpu.memref_slice %arg10[%add3A_133, %dma_start3A_142] : memref<256x128xf32, #tpu.memory_space<vmem>> -> memref<1x64xf32, #tpu.memory_space<vmem>>
      %dma_start3A_144 = tpu.memref_squeeze %dma_start3A_143 : memref<1x64xf32, #tpu.memory_space<vmem>> -> memref<64xf32, #tpu.memory_space<vmem>>
      %dma_start3A_145 = arith.constant 0 : i32
      %dma_start3A_146 = tpu.memref_slice %arg4[%squeeze3A_135, %dma_start3A_145] : memref<100001x64xf32, #tpu.memory_space<hbm>> -> memref<1x64xf32, #tpu.memory_space<hbm>>
      %dma_start3A_147 = tpu.memref_squeeze %dma_start3A_146 : memref<1x64xf32, #tpu.memory_space<hbm>> -> memref<64xf32, #tpu.memory_space<hbm>>
      tpu.enqueue_dma source(%dma_start3A_147 : memref<64xf32, #tpu.memory_space<hbm>>) target(%dma_start3A_144 : memref<64xf32, #tpu.memory_space<vmem>>) target_semaphore(%arg15 : memref<!tpu.dma_semaphore, #tpu.memory_space<semaphore_mem>>)
      %slice3A_148 = vector.extract_strided_slice %get3A_68 {offsets = [2], sizes = [1], strides = [1]} : vector<16xi32> to vector<1xi32>
      %squeeze3A_149 = vector.extract %slice3A_148[0] : i32 from vector<1xi32>
      %dma_start3A_150 = arith.constant 0 : i32
      %dma_start3A_151 = tpu.memref_slice %arg11[%add3A_133, %dma_start3A_150] : memref<256x128xf32, #tpu.memory_space<vmem>> -> memref<1x64xf32, #tpu.memory_space<vmem>>
      %dma_start3A_152 = tpu.memref_squeeze %dma_start3A_151 : memref<1x64xf32, #tpu.memory_space<vmem>> -> memref<64xf32, #tpu.memory_space<vmem>>
      %dma_start3A_153 = arith.constant 0 : i32
      %dma_start3A_154 = tpu.memref_slice %arg5[%squeeze3A_149, %dma_start3A_153] : memref<100001x64xf32, #tpu.memory_space<hbm>> -> memref<1x64xf32, #tpu.memory_space<hbm>>
      %dma_start3A_155 = tpu.memref_squeeze %dma_start3A_154 : memref<1x64xf32, #tpu.memory_space<hbm>> -> memref<64xf32, #tpu.memory_space<hbm>>
      %dma_start3A_156 = arith.constant 0 : i32
      %dma_start3A_157 = tpu.memref_slice %arg11[%add3A_133, %dma_start3A_156] : memref<256x128xf32, #tpu.memory_space<vmem>> -> memref<1x64xf32, #tpu.memory_space<vmem>>
      %dma_start3A_158 = tpu.memref_squeeze %dma_start3A_157 : memref<1x64xf32, #tpu.memory_space<vmem>> -> memref<64xf32, #tpu.memory_space<vmem>>
      %dma_start3A_159 = arith.constant 0 : i32
      %dma_start3A_160 = tpu.memref_slice %arg5[%squeeze3A_149, %dma_start3A_159] : memref<100001x64xf32, #tpu.memory_space<hbm>> -> memref<1x64xf32, #tpu.memory_space<hbm>>
      %dma_start3A_161 = tpu.memref_squeeze %dma_start3A_160 : memref<1x64xf32, #tpu.memory_space<hbm>> -> memref<64xf32, #tpu.memory_space<hbm>>
      tpu.enqueue_dma source(%dma_start3A_161 : memref<64xf32, #tpu.memory_space<hbm>>) target(%dma_start3A_158 : memref<64xf32, #tpu.memory_space<vmem>>) target_semaphore(%arg15 : memref<!tpu.dma_semaphore, #tpu.memory_space<semaphore_mem>>)
      %mul3A_162 = arith.constant 8 : i32
      %mul3A_163 = arith.muli %scan3A_61, %mul3A_162 : i32
      %add3A_164 = arith.constant 1 : i32
      %add3A_165 = arith.addi %mul3A_163, %add3A_164 : i32
      %slice3A_166 = vector.extract_strided_slice %get3A_64 {offsets = [3], sizes = [1], strides = [1]} : vector<16xi32> to vector<1xi32>
      %squeeze3A_167 = vector.extract %slice3A_166[0] : i32 from vector<1xi32>
      %dma_start3A_168 = arith.constant 64 : i32
      %dma_start3A_169 = tpu.memref_slice %arg10[%add3A_165, %dma_start3A_168] : memref<256x128xf32, #tpu.memory_space<vmem>> -> memref<1x64xf32, #tpu.memory_space<vmem>>
      %dma_start3A_170 = tpu.memref_squeeze %dma_start3A_169 : memref<1x64xf32, #tpu.memory_space<vmem>> -> memref<64xf32, #tpu.memory_space<vmem>>
      %dma_start3A_171 = arith.constant 0 : i32
      %dma_start3A_172 = tpu.memref_slice %arg4[%squeeze3A_167, %dma_start3A_171] : memref<100001x64xf32, #tpu.memory_space<hbm>> -> memref<1x64xf32, #tpu.memory_space<hbm>>
      %dma_start3A_173 = tpu.memref_squeeze %dma_start3A_172 : memref<1x64xf32, #tpu.memory_space<hbm>> -> memref<64xf32, #tpu.memory_space<hbm>>
      %dma_start3A_174 = arith.constant 64 : i32
      %dma_start3A_175 = tpu.memref_slice %arg10[%add3A_165, %dma_start3A_174] : memref<256x128xf32, #tpu.memory_space<vmem>> -> memref<1x64xf32, #tpu.memory_space<vmem>>
      %dma_start3A_176 = tpu.memref_squeeze %dma_start3A_175 : memref<1x64xf32, #tpu.memory_space<vmem>> -> memref<64xf32, #tpu.memory_space<vmem>>
      %dma_start3A_177 = arith.constant 0 : i32
      %dma_start3A_178 = tpu.memref_slice %arg4[%squeeze3A_167, %dma_start3A_177] : memref<100001x64xf32, #tpu.memory_space<hbm>> -> memref<1x64xf32, #tpu.memory_space<hbm>>
      %dma_start3A_179 = tpu.memref_squeeze %dma_start3A_178 : memref<1x64xf32, #tpu.memory_space<hbm>> -> memref<64xf32, #tpu.memory_space<hbm>>
      tpu.enqueue_dma source(%dma_start3A_179 : memref<64xf32, #tpu.memory_space<hbm>>) target(%dma_start3A_176 : memref<64xf32, #tpu.memory_space<vmem>>) target_semaphore(%arg16 : memref<!tpu.dma_semaphore, #tpu.memory_space<semaphore_mem>>)
      %slice3A_180 = vector.extract_strided_slice %get3A_68 {offsets = [3], sizes = [1], strides = [1]} : vector<16xi32> to vector<1xi32>
      %squeeze3A_181 = vector.extract %slice3A_180[0] : i32 from vector<1xi32>
      %dma_start3A_182 = arith.constant 64 : i32
      %dma_start3A_183 = tpu.memref_slice %arg11[%add3A_165, %dma_start3A_182] : memref<256x128xf32, #tpu.memory_space<vmem>> -> memref<1x64xf32, #tpu.memory_space<vmem>>
      %dma_start3A_184 = tpu.memref_squeeze %dma_start3A_183 : memref<1x64xf32, #tpu.memory_space<vmem>> -> memref<64xf32, #tpu.memory_space<vmem>>
      %dma_start3A_185 = arith.constant 0 : i32
      %dma_start3A_186 = tpu.memref_slice %arg5[%squeeze3A_181, %dma_start3A_185] : memref<100001x64xf32, #tpu.memory_space<hbm>> -> memref<1x64xf32, #tpu.memory_space<hbm>>
      %dma_start3A_187 = tpu.memref_squeeze %dma_start3A_186 : memref<1x64xf32, #tpu.memory_space<hbm>> -> memref<64xf32, #tpu.memory_space<hbm>>
      %dma_start3A_188 = arith.constant 64 : i32
      %dma_start3A_189 = tpu.memref_slice %arg11[%add3A_165, %dma_start3A_188] : memref<256x128xf32, #tpu.memory_space<vmem>> -> memref<1x64xf32, #tpu.memory_space<vmem>>
      %dma_start3A_190 = tpu.memref_squeeze %dma_start3A_189 : memref<1x64xf32, #tpu.memory_space<vmem>> -> memref<64xf32, #tpu.memory_space<vmem>>
      %dma_start3A_191 = arith.constant 0 : i32
      %dma_start3A_192 = tpu.memref_slice %arg5[%squeeze3A_181, %dma_start3A_191] : memref<100001x64xf32, #tpu.memory_space<hbm>> -> memref<1x64xf32, #tpu.memory_space<hbm>>
      %dma_start3A_193 = tpu.memref_squeeze %dma_start3A_192 : memref<1x64xf32, #tpu.memory_space<hbm>> -> memref<64xf32, #tpu.memory_space<hbm>>
      tpu.enqueue_dma source(%dma_start3A_193 : memref<64xf32, #tpu.memory_space<hbm>>) target(%dma_start3A_190 : memref<64xf32, #tpu.memory_space<vmem>>) target_semaphore(%arg16 : memref<!tpu.dma_semaphore, #tpu.memory_space<semaphore_mem>>)
      %mul3A_194 = arith.constant 8 : i32
      %mul3A_195 = arith.muli %scan3A_61, %mul3A_194 : i32
      %add3A_196 = arith.constant 2 : i32
      %add3A_197 = arith.addi %mul3A_195, %add3A_196 : i32
      %slice3A_198 = vector.extract_strided_slice %get3A_64 {offsets = [4], sizes = [1], strides = [1]} : vector<16xi32> to vector<1xi32>
      %squeeze3A_199 = vector.extract %slice3A_198[0] : i32 from vector<1xi32>
      %dma_start3A_200 = arith.constant 0 : i32
      %dma_start3A_201 = tpu.memref_slice %arg10[%add3A_197, %dma_start3A_200] : memref<256x128xf32, #tpu.memory_space<vmem>> -> memref<1x64xf32, #tpu.memory_space<vmem>>
      %dma_start3A_202 = tpu.memref_squeeze %dma_start3A_201 : memref<1x64xf32, #tpu.memory_space<vmem>> -> memref<64xf32, #tpu.memory_space<vmem>>
      %dma_start3A_203 = arith.constant 0 : i32
      %dma_start3A_204 = tpu.memref_slice %arg4[%squeeze3A_199, %dma_start3A_203] : memref<100001x64xf32, #tpu.memory_space<hbm>> -> memref<1x64xf32, #tpu.memory_space<hbm>>
      %dma_start3A_205 = tpu.memref_squeeze %dma_start3A_204 : memref<1x64xf32, #tpu.memory_space<hbm>> -> memref<64xf32, #tpu.memory_space<hbm>>
      %dma_start3A_206 = arith.constant 0 : i32
      %dma_start3A_207 = tpu.memref_slice %arg10[%add3A_197, %dma_start3A_206] : memref<256x128xf32, #tpu.memory_space<vmem>> -> memref<1x64xf32, #tpu.memory_space<vmem>>
      %dma_start3A_208 = tpu.memref_squeeze %dma_start3A_207 : memref<1x64xf32, #tpu.memory_space<vmem>> -> memref<64xf32, #tpu.memory_space<vmem>>
      %dma_start3A_209 = arith.constant 0 : i32
      %dma_start3A_210 = tpu.memref_slice %arg4[%squeeze3A_199, %dma_start3A_209] : memref<100001x64xf32, #tpu.memory_space<hbm>> -> memref<1x64xf32, #tpu.memory_space<hbm>>
      %dma_start3A_211 = tpu.memref_squeeze %dma_start3A_210 : memref<1x64xf32, #tpu.memory_space<hbm>> -> memref<64xf32, #tpu.memory_space<hbm>>
      tpu.enqueue_dma source(%dma_start3A_211 : memref<64xf32, #tpu.memory_space<hbm>>) target(%dma_start3A_208 : memref<64xf32, #tpu.memory_space<vmem>>) target_semaphore(%arg13 : memref<!tpu.dma_semaphore, #tpu.memory_space<semaphore_mem>>)
      %slice3A_212 = vector.extract_strided_slice %get3A_68 {offsets = [4], sizes = [1], strides = [1]} : vector<16xi32> to vector<1xi32>
      %squeeze3A_213 = vector.extract %slice3A_212[0] : i32 from vector<1xi32>
      %dma_start3A_214 = arith.constant 0 : i32
      %dma_start3A_215 = tpu.memref_slice %arg11[%add3A_197, %dma_start3A_214] : memref<256x128xf32, #tpu.memory_space<vmem>> -> memref<1x64xf32, #tpu.memory_space<vmem>>
      %dma_start3A_216 = tpu.memref_squeeze %dma_start3A_215 : memref<1x64xf32, #tpu.memory_space<vmem>> -> memref<64xf32, #tpu.memory_space<vmem>>
      %dma_start3A_217 = arith.constant 0 : i32
      %dma_start3A_218 = tpu.memref_slice %arg5[%squeeze3A_213, %dma_start3A_217] : memref<100001x64xf32, #tpu.memory_space<hbm>> -> memref<1x64xf32, #tpu.memory_space<hbm>>
      %dma_start3A_219 = tpu.memref_squeeze %dma_start3A_218 : memref<1x64xf32, #tpu.memory_space<hbm>> -> memref<64xf32, #tpu.memory_space<hbm>>
      %dma_start3A_220 = arith.constant 0 : i32
      %dma_start3A_221 = tpu.memref_slice %arg11[%add3A_197, %dma_start3A_220] : memref<256x128xf32, #tpu.memory_space<vmem>> -> memref<1x64xf32, #tpu.memory_space<vmem>>
      %dma_start3A_222 = tpu.memref_squeeze %dma_start3A_221 : memref<1x64xf32, #tpu.memory_space<vmem>> -> memref<64xf32, #tpu.memory_space<vmem>>
      %dma_start3A_223 = arith.constant 0 : i32
      %dma_start3A_224 = tpu.memref_slice %arg5[%squeeze3A_213, %dma_start3A_223] : memref<100001x64xf32, #tpu.memory_space<hbm>> -> memref<1x64xf32, #tpu.memory_space<hbm>>
      %dma_start3A_225 = tpu.memref_squeeze %dma_start3A_224 : memref<1x64xf32, #tpu.memory_space<hbm>> -> memref<64xf32, #tpu.memory_space<hbm>>
      tpu.enqueue_dma source(%dma_start3A_225 : memref<64xf32, #tpu.memory_space<hbm>>) target(%dma_start3A_222 : memref<64xf32, #tpu.memory_space<vmem>>) target_semaphore(%arg13 : memref<!tpu.dma_semaphore, #tpu.memory_space<semaphore_mem>>)
      %mul3A_226 = arith.constant 8 : i32
      %mul3A_227 = arith.muli %scan3A_61, %mul3A_226 : i32
      %add3A_228 = arith.constant 2 : i32
      %add3A_229 = arith.addi %mul3A_227, %add3A_228 : i32
      %slice3A_230 = vector.extract_strided_slice %get3A_64 {offsets = [5], sizes = [1], strides = [1]} : vector<16xi32> to vector<1xi32>
      %squeeze3A_231 = vector.extract %slice3A_230[0] : i32 from vector<1xi32>
      %dma_start3A_232 = arith.constant 64 : i32
      %dma_start3A_233 = tpu.memref_slice %arg10[%add3A_229, %dma_start3A_232] : memref<256x128xf32, #tpu.memory_space<vmem>> -> memref<1x64xf32, #tpu.memory_space<vmem>>
      %dma_start3A_234 = tpu.memref_squeeze %dma_start3A_233 : memref<1x64xf32, #tpu.memory_space<vmem>> -> memref<64xf32, #tpu.memory_space<vmem>>
      %dma_start3A_235 = arith.constant 0 : i32
      %dma_start3A_236 = tpu.memref_slice %arg4[%squeeze3A_231, %dma_start3A_235] : memref<100001x64xf32, #tpu.memory_space<hbm>> -> memref<1x64xf32, #tpu.memory_space<hbm>>
      %dma_start3A_237 = tpu.memref_squeeze %dma_start3A_236 : memref<1x64xf32, #tpu.memory_space<hbm>> -> memref<64xf32, #tpu.memory_space<hbm>>
      %dma_start3A_238 = arith.constant 64 : i32
      %dma_start3A_239 = tpu.memref_slice %arg10[%add3A_229, %dma_start3A_238] : memref<256x128xf32, #tpu.memory_space<vmem>> -> memref<1x64xf32, #tpu.memory_space<vmem>>
      %dma_start3A_240 = tpu.memref_squeeze %dma_start3A_239 : memref<1x64xf32, #tpu.memory_space<vmem>> -> memref<64xf32, #tpu.memory_space<vmem>>
      %dma_start3A_241 = arith.constant 0 : i32
      %dma_start3A_242 = tpu.memref_slice %arg4[%squeeze3A_231, %dma_start3A_241] : memref<100001x64xf32, #tpu.memory_space<hbm>> -> memref<1x64xf32, #tpu.memory_space<hbm>>
      %dma_start3A_243 = tpu.memref_squeeze %dma_start3A_242 : memref<1x64xf32, #tpu.memory_space<hbm>> -> memref<64xf32, #tpu.memory_space<hbm>>
      tpu.enqueue_dma source(%dma_start3A_243 : memref<64xf32, #tpu.memory_space<hbm>>) target(%dma_start3A_240 : memref<64xf32, #tpu.memory_space<vmem>>) target_semaphore(%arg14 : memref<!tpu.dma_semaphore, #tpu.memory_space<semaphore_mem>>)
      %slice3A_244 = vector.extract_strided_slice %get3A_68 {offsets = [5], sizes = [1], strides = [1]} : vector<16xi32> to vector<1xi32>
      %squeeze3A_245 = vector.extract %slice3A_244[0] : i32 from vector<1xi32>
      %dma_start3A_246 = arith.constant 64 : i32
      %dma_start3A_247 = tpu.memref_slice %arg11[%add3A_229, %dma_start3A_246] : memref<256x128xf32, #tpu.memory_space<vmem>> -> memref<1x64xf32, #tpu.memory_space<vmem>>
      %dma_start3A_248 = tpu.memref_squeeze %dma_start3A_247 : memref<1x64xf32, #tpu.memory_space<vmem>> -> memref<64xf32, #tpu.memory_space<vmem>>
      %dma_start3A_249 = arith.constant 0 : i32
      %dma_start3A_250 = tpu.memref_slice %arg5[%squeeze3A_245, %dma_start3A_249] : memref<100001x64xf32, #tpu.memory_space<hbm>> -> memref<1x64xf32, #tpu.memory_space<hbm>>
      %dma_start3A_251 = tpu.memref_squeeze %dma_start3A_250 : memref<1x64xf32, #tpu.memory_space<hbm>> -> memref<64xf32, #tpu.memory_space<hbm>>
      %dma_start3A_252 = arith.constant 64 : i32
      %dma_start3A_253 = tpu.memref_slice %arg11[%add3A_229, %dma_start3A_252] : memref<256x128xf32, #tpu.memory_space<vmem>> -> memref<1x64xf32, #tpu.memory_space<vmem>>
      %dma_start3A_254 = tpu.memref_squeeze %dma_start3A_253 : memref<1x64xf32, #tpu.memory_space<vmem>> -> memref<64xf32, #tpu.memory_space<vmem>>
      %dma_start3A_255 = arith.constant 0 : i32
      %dma_start3A_256 = tpu.memref_slice %arg5[%squeeze3A_245, %dma_start3A_255] : memref<100001x64xf32, #tpu.memory_space<hbm>> -> memref<1x64xf32, #tpu.memory_space<hbm>>
      %dma_start3A_257 = tpu.memref_squeeze %dma_start3A_256 : memref<1x64xf32, #tpu.memory_space<hbm>> -> memref<64xf32, #tpu.memory_space<hbm>>
      tpu.enqueue_dma source(%dma_start3A_257 : memref<64xf32, #tpu.memory_space<hbm>>) target(%dma_start3A_254 : memref<64xf32, #tpu.memory_space<vmem>>) target_semaphore(%arg14 : memref<!tpu.dma_semaphore, #tpu.memory_space<semaphore_mem>>)
      %mul3A_258 = arith.constant 8 : i32
      %mul3A_259 = arith.muli %scan3A_61, %mul3A_258 : i32
      %add3A_260 = arith.constant 3 : i32
      %add3A_261 = arith.addi %mul3A_259, %add3A_260 : i32
      %slice3A_262 = vector.extract_strided_slice %get3A_64 {offsets = [6], sizes = [1], strides = [1]} : vector<16xi32> to vector<1xi32>
      %squeeze3A_263 = vector.extract %slice3A_262[0] : i32 from vector<1xi32>
      %dma_start3A_264 = arith.constant 0 : i32
      %dma_start3A_265 = tpu.memref_slice %arg10[%add3A_261, %dma_start3A_264] : memref<256x128xf32, #tpu.memory_space<vmem>> -> memref<1x64xf32, #tpu.memory_space<vmem>>
      %dma_start3A_266 = tpu.memref_squeeze %dma_start3A_265 : memref<1x64xf32, #tpu.memory_space<vmem>> -> memref<64xf32, #tpu.memory_space<vmem>>
      %dma_start3A_267 = arith.constant 0 : i32
      %dma_start3A_268 = tpu.memref_slice %arg4[%squeeze3A_263, %dma_start3A_267] : memref<100001x64xf32, #tpu.memory_space<hbm>> -> memref<1x64xf32, #tpu.memory_space<hbm>>
      %dma_start3A_269 = tpu.memref_squeeze %dma_start3A_268 : memref<1x64xf32, #tpu.memory_space<hbm>> -> memref<64xf32, #tpu.memory_space<hbm>>
      %dma_start3A_270 = arith.constant 0 : i32
      %dma_start3A_271 = tpu.memref_slice %arg10[%add3A_261, %dma_start3A_270] : memref<256x128xf32, #tpu.memory_space<vmem>> -> memref<1x64xf32, #tpu.memory_space<vmem>>
      %dma_start3A_272 = tpu.memref_squeeze %dma_start3A_271 : memref<1x64xf32, #tpu.memory_space<vmem>> -> memref<64xf32, #tpu.memory_space<vmem>>
      %dma_start3A_273 = arith.constant 0 : i32
      %dma_start3A_274 = tpu.memref_slice %arg4[%squeeze3A_263, %dma_start3A_273] : memref<100001x64xf32, #tpu.memory_space<hbm>> -> memref<1x64xf32, #tpu.memory_space<hbm>>
      %dma_start3A_275 = tpu.memref_squeeze %dma_start3A_274 : memref<1x64xf32, #tpu.memory_space<hbm>> -> memref<64xf32, #tpu.memory_space<hbm>>
      tpu.enqueue_dma source(%dma_start3A_275 : memref<64xf32, #tpu.memory_space<hbm>>) target(%dma_start3A_272 : memref<64xf32, #tpu.memory_space<vmem>>) target_semaphore(%arg15 : memref<!tpu.dma_semaphore, #tpu.memory_space<semaphore_mem>>)
      %slice3A_276 = vector.extract_strided_slice %get3A_68 {offsets = [6], sizes = [1], strides = [1]} : vector<16xi32> to vector<1xi32>
      %squeeze3A_277 = vector.extract %slice3A_276[0] : i32 from vector<1xi32>
      %dma_start3A_278 = arith.constant 0 : i32
      %dma_start3A_279 = tpu.memref_slice %arg11[%add3A_261, %dma_start3A_278] : memref<256x128xf32, #tpu.memory_space<vmem>> -> memref<1x64xf32, #tpu.memory_space<vmem>>
      %dma_start3A_280 = tpu.memref_squeeze %dma_start3A_279 : memref<1x64xf32, #tpu.memory_space<vmem>> -> memref<64xf32, #tpu.memory_space<vmem>>
      %dma_start3A_281 = arith.constant 0 : i32
      %dma_start3A_282 = tpu.memref_slice %arg5[%squeeze3A_277, %dma_start3A_281] : memref<100001x64xf32, #tpu.memory_space<hbm>> -> memref<1x64xf32, #tpu.memory_space<hbm>>
      %dma_start3A_283 = tpu.memref_squeeze %dma_start3A_282 : memref<1x64xf32, #tpu.memory_space<hbm>> -> memref<64xf32, #tpu.memory_space<hbm>>
      %dma_start3A_284 = arith.constant 0 : i32
      %dma_start3A_285 = tpu.memref_slice %arg11[%add3A_261, %dma_start3A_284] : memref<256x128xf32, #tpu.memory_space<vmem>> -> memref<1x64xf32, #tpu.memory_space<vmem>>
      %dma_start3A_286 = tpu.memref_squeeze %dma_start3A_285 : memref<1x64xf32, #tpu.memory_space<vmem>> -> memref<64xf32, #tpu.memory_space<vmem>>
      %dma_start3A_287 = arith.constant 0 : i32
      %dma_start3A_288 = tpu.memref_slice %arg5[%squeeze3A_277, %dma_start3A_287] : memref<100001x64xf32, #tpu.memory_space<hbm>> -> memref<1x64xf32, #tpu.memory_space<hbm>>
      %dma_start3A_289 = tpu.memref_squeeze %dma_start3A_288 : memref<1x64xf32, #tpu.memory_space<hbm>> -> memref<64xf32, #tpu.memory_space<hbm>>
      tpu.enqueue_dma source(%dma_start3A_289 : memref<64xf32, #tpu.memory_space<hbm>>) target(%dma_start3A_286 : memref<64xf32, #tpu.memory_space<vmem>>) target_semaphore(%arg15 : memref<!tpu.dma_semaphore, #tpu.memory_space<semaphore_mem>>)
      %mul3A_290 = arith.constant 8 : i32
      %mul3A_291 = arith.muli %scan3A_61, %mul3A_290 : i32
      %add3A_292 = arith.constant 3 : i32
      %add3A_293 = arith.addi %mul3A_291, %add3A_292 : i32
      %slice3A_294 = vector.extract_strided_slice %get3A_64 {offsets = [7], sizes = [1], strides = [1]} : vector<16xi32> to vector<1xi32>
      %squeeze3A_295 = vector.extract %slice3A_294[0] : i32 from vector<1xi32>
      %dma_start3A_296 = arith.constant 64 : i32
      %dma_start3A_297 = tpu.memref_slice %arg10[%add3A_293, %dma_start3A_296] : memref<256x128xf32, #tpu.memory_space<vmem>> -> memref<1x64xf32, #tpu.memory_space<vmem>>
      %dma_start3A_298 = tpu.memref_squeeze %dma_start3A_297 : memref<1x64xf32, #tpu.memory_space<vmem>> -> memref<64xf32, #tpu.memory_space<vmem>>
      %dma_start3A_299 = arith.constant 0 : i32
      %dma_start3A_300 = tpu.memref_slice %arg4[%squeeze3A_295, %dma_start3A_299] : memref<100001x64xf32, #tpu.memory_space<hbm>> -> memref<1x64xf32, #tpu.memory_space<hbm>>
      %dma_start3A_301 = tpu.memref_squeeze %dma_start3A_300 : memref<1x64xf32, #tpu.memory_space<hbm>> -> memref<64xf32, #tpu.memory_space<hbm>>
      %dma_start3A_302 = arith.constant 64 : i32
      %dma_start3A_303 = tpu.memref_slice %arg10[%add3A_293, %dma_start3A_302] : memref<256x128xf32, #tpu.memory_space<vmem>> -> memref<1x64xf32, #tpu.memory_space<vmem>>
      %dma_start3A_304 = tpu.memref_squeeze %dma_start3A_303 : memref<1x64xf32, #tpu.memory_space<vmem>> -> memref<64xf32, #tpu.memory_space<vmem>>
      %dma_start3A_305 = arith.constant 0 : i32
      %dma_start3A_306 = tpu.memref_slice %arg4[%squeeze3A_295, %dma_start3A_305] : memref<100001x64xf32, #tpu.memory_space<hbm>> -> memref<1x64xf32, #tpu.memory_space<hbm>>
      %dma_start3A_307 = tpu.memref_squeeze %dma_start3A_306 : memref<1x64xf32, #tpu.memory_space<hbm>> -> memref<64xf32, #tpu.memory_space<hbm>>
      tpu.enqueue_dma source(%dma_start3A_307 : memref<64xf32, #tpu.memory_space<hbm>>) target(%dma_start3A_304 : memref<64xf32, #tpu.memory_space<vmem>>) target_semaphore(%arg16 : memref<!tpu.dma_semaphore, #tpu.memory_space<semaphore_mem>>)
      %slice3A_308 = vector.extract_strided_slice %get3A_68 {offsets = [7], sizes = [1], strides = [1]} : vector<16xi32> to vector<1xi32>
      %squeeze3A_309 = vector.extract %slice3A_308[0] : i32 from vector<1xi32>
      %dma_start3A_310 = arith.constant 64 : i32
      %dma_start3A_311 = tpu.memref_slice %arg11[%add3A_293, %dma_start3A_310] : memref<256x128xf32, #tpu.memory_space<vmem>> -> memref<1x64xf32, #tpu.memory_space<vmem>>
      %dma_start3A_312 = tpu.memref_squeeze %dma_start3A_311 : memref<1x64xf32, #tpu.memory_space<vmem>> -> memref<64xf32, #tpu.memory_space<vmem>>
      %dma_start3A_313 = arith.constant 0 : i32
      %dma_start3A_314 = tpu.memref_slice %arg5[%squeeze3A_309, %dma_start3A_313] : memref<100001x64xf32, #tpu.memory_space<hbm>> -> memref<1x64xf32, #tpu.memory_space<hbm>>
      %dma_start3A_315 = tpu.memref_squeeze %dma_start3A_314 : memref<1x64xf32, #tpu.memory_space<hbm>> -> memref<64xf32, #tpu.memory_space<hbm>>
      %dma_start3A_316 = arith.constant 64 : i32
      %dma_start3A_317 = tpu.memref_slice %arg11[%add3A_293, %dma_start3A_316] : memref<256x128xf32, #tpu.memory_space<vmem>> -> memref<1x64xf32, #tpu.memory_space<vmem>>
      %dma_start3A_318 = tpu.memref_squeeze %dma_start3A_317 : memref<1x64xf32, #tpu.memory_space<vmem>> -> memref<64xf32, #tpu.memory_space<vmem>>
      %dma_start3A_319 = arith.constant 0 : i32
      %dma_start3A_320 = tpu.memref_slice %arg5[%squeeze3A_309, %dma_start3A_319] : memref<100001x64xf32, #tpu.memory_space<hbm>> -> memref<1x64xf32, #tpu.memory_space<hbm>>
      %dma_start3A_321 = tpu.memref_squeeze %dma_start3A_320 : memref<1x64xf32, #tpu.memory_space<hbm>> -> memref<64xf32, #tpu.memory_space<hbm>>
      tpu.enqueue_dma source(%dma_start3A_321 : memref<64xf32, #tpu.memory_space<hbm>>) target(%dma_start3A_318 : memref<64xf32, #tpu.memory_space<vmem>>) target_semaphore(%arg16 : memref<!tpu.dma_semaphore, #tpu.memory_space<semaphore_mem>>)
      %mul3A_322 = arith.constant 8 : i32
      %mul3A_323 = arith.muli %scan3A_61, %mul3A_322 : i32
      %add3A_324 = arith.constant 4 : i32
      %add3A_325 = arith.addi %mul3A_323, %add3A_324 : i32
      %slice3A_326 = vector.extract_strided_slice %get3A_64 {offsets = [8], sizes = [1], strides = [1]} : vector<16xi32> to vector<1xi32>
      %squeeze3A_327 = vector.extract %slice3A_326[0] : i32 from vector<1xi32>
      %dma_start3A_328 = arith.constant 0 : i32
      %dma_start3A_329 = tpu.memref_slice %arg10[%add3A_325, %dma_start3A_328] : memref<256x128xf32, #tpu.memory_space<vmem>> -> memref<1x64xf32, #tpu.memory_space<vmem>>
      %dma_start3A_330 = tpu.memref_squeeze %dma_start3A_329 : memref<1x64xf32, #tpu.memory_space<vmem>> -> memref<64xf32, #tpu.memory_space<vmem>>
      %dma_start3A_331 = arith.constant 0 : i32
      %dma_start3A_332 = tpu.memref_slice %arg4[%squeeze3A_327, %dma_start3A_331] : memref<100001x64xf32, #tpu.memory_space<hbm>> -> memref<1x64xf32, #tpu.memory_space<hbm>>
      %dma_start3A_333 = tpu.memref_squeeze %dma_start3A_332 : memref<1x64xf32, #tpu.memory_space<hbm>> -> memref<64xf32, #tpu.memory_space<hbm>>
      %dma_start3A_334 = arith.constant 0 : i32
      %dma_start3A_335 = tpu.memref_slice %arg10[%add3A_325, %dma_start3A_334] : memref<256x128xf32, #tpu.memory_space<vmem>> -> memref<1x64xf32, #tpu.memory_space<vmem>>
      %dma_start3A_336 = tpu.memref_squeeze %dma_start3A_335 : memref<1x64xf32, #tpu.memory_space<vmem>> -> memref<64xf32, #tpu.memory_space<vmem>>
      %dma_start3A_337 = arith.constant 0 : i32
      %dma_start3A_338 = tpu.memref_slice %arg4[%squeeze3A_327, %dma_start3A_337] : memref<100001x64xf32, #tpu.memory_space<hbm>> -> memref<1x64xf32, #tpu.memory_space<hbm>>
      %dma_start3A_339 = tpu.memref_squeeze %dma_start3A_338 : memref<1x64xf32, #tpu.memory_space<hbm>> -> memref<64xf32, #tpu.memory_space<hbm>>
      tpu.enqueue_dma source(%dma_start3A_339 : memref<64xf32, #tpu.memory_space<hbm>>) target(%dma_start3A_336 : memref<64xf32, #tpu.memory_space<vmem>>) target_semaphore(%arg13 : memref<!tpu.dma_semaphore, #tpu.memory_space<semaphore_mem>>)
      %slice3A_340 = vector.extract_strided_slice %get3A_68 {offsets = [8], sizes = [1], strides = [1]} : vector<16xi32> to vector<1xi32>
      %squeeze3A_341 = vector.extract %slice3A_340[0] : i32 from vector<1xi32>
      %dma_start3A_342 = arith.constant 0 : i32
      %dma_start3A_343 = tpu.memref_slice %arg11[%add3A_325, %dma_start3A_342] : memref<256x128xf32, #tpu.memory_space<vmem>> -> memref<1x64xf32, #tpu.memory_space<vmem>>
      %dma_start3A_344 = tpu.memref_squeeze %dma_start3A_343 : memref<1x64xf32, #tpu.memory_space<vmem>> -> memref<64xf32, #tpu.memory_space<vmem>>
      %dma_start3A_345 = arith.constant 0 : i32
      %dma_start3A_346 = tpu.memref_slice %arg5[%squeeze3A_341, %dma_start3A_345] : memref<100001x64xf32, #tpu.memory_space<hbm>> -> memref<1x64xf32, #tpu.memory_space<hbm>>
      %dma_start3A_347 = tpu.memref_squeeze %dma_start3A_346 : memref<1x64xf32, #tpu.memory_space<hbm>> -> memref<64xf32, #tpu.memory_space<hbm>>
      %dma_start3A_348 = arith.constant 0 : i32
      %dma_start3A_349 = tpu.memref_slice %arg11[%add3A_325, %dma_start3A_348] : memref<256x128xf32, #tpu.memory_space<vmem>> -> memref<1x64xf32, #tpu.memory_space<vmem>>
      %dma_start3A_350 = tpu.memref_squeeze %dma_start3A_349 : memref<1x64xf32, #tpu.memory_space<vmem>> -> memref<64xf32, #tpu.memory_space<vmem>>
      %dma_start3A_351 = arith.constant 0 : i32
      %dma_start3A_352 = tpu.memref_slice %arg5[%squeeze3A_341, %dma_start3A_351] : memref<100001x64xf32, #tpu.memory_space<hbm>> -> memref<1x64xf32, #tpu.memory_space<hbm>>
      %dma_start3A_353 = tpu.memref_squeeze %dma_start3A_352 : memref<1x64xf32, #tpu.memory_space<hbm>> -> memref<64xf32, #tpu.memory_space<hbm>>
      tpu.enqueue_dma source(%dma_start3A_353 : memref<64xf32, #tpu.memory_space<hbm>>) target(%dma_start3A_350 : memref<64xf32, #tpu.memory_space<vmem>>) target_semaphore(%arg13 : memref<!tpu.dma_semaphore, #tpu.memory_space<semaphore_mem>>)
      %mul3A_354 = arith.constant 8 : i32
      %mul3A_355 = arith.muli %scan3A_61, %mul3A_354 : i32
      %add3A_356 = arith.constant 4 : i32
      %add3A_357 = arith.addi %mul3A_355, %add3A_356 : i32
      %slice3A_358 = vector.extract_strided_slice %get3A_64 {offsets = [9], sizes = [1], strides = [1]} : vector<16xi32> to vector<1xi32>
      %squeeze3A_359 = vector.extract %slice3A_358[0] : i32 from vector<1xi32>
      %dma_start3A_360 = arith.constant 64 : i32
      %dma_start3A_361 = tpu.memref_slice %arg10[%add3A_357, %dma_start3A_360] : memref<256x128xf32, #tpu.memory_space<vmem>> -> memref<1x64xf32, #tpu.memory_space<vmem>>
      %dma_start3A_362 = tpu.memref_squeeze %dma_start3A_361 : memref<1x64xf32, #tpu.memory_space<vmem>> -> memref<64xf32, #tpu.memory_space<vmem>>
      %dma_start3A_363 = arith.constant 0 : i32
      %dma_start3A_364 = tpu.memref_slice %arg4[%squeeze3A_359, %dma_start3A_363] : memref<100001x64xf32, #tpu.memory_space<hbm>> -> memref<1x64xf32, #tpu.memory_space<hbm>>
      %dma_start3A_365 = tpu.memref_squeeze %dma_start3A_364 : memref<1x64xf32, #tpu.memory_space<hbm>> -> memref<64xf32, #tpu.memory_space<hbm>>
      %dma_start3A_366 = arith.constant 64 : i32
      %dma_start3A_367 = tpu.memref_slice %arg10[%add3A_357, %dma_start3A_366] : memref<256x128xf32, #tpu.memory_space<vmem>> -> memref<1x64xf32, #tpu.memory_space<vmem>>
      %dma_start3A_368 = tpu.memref_squeeze %dma_start3A_367 : memref<1x64xf32, #tpu.memory_space<vmem>> -> memref<64xf32, #tpu.memory_space<vmem>>
      %dma_start3A_369 = arith.constant 0 : i32
      %dma_start3A_370 = tpu.memref_slice %arg4[%squeeze3A_359, %dma_start3A_369] : memref<100001x64xf32, #tpu.memory_space<hbm>> -> memref<1x64xf32, #tpu.memory_space<hbm>>
      %dma_start3A_371 = tpu.memref_squeeze %dma_start3A_370 : memref<1x64xf32, #tpu.memory_space<hbm>> -> memref<64xf32, #tpu.memory_space<hbm>>
      tpu.enqueue_dma source(%dma_start3A_371 : memref<64xf32, #tpu.memory_space<hbm>>) target(%dma_start3A_368 : memref<64xf32, #tpu.memory_space<vmem>>) target_semaphore(%arg14 : memref<!tpu.dma_semaphore, #tpu.memory_space<semaphore_mem>>)
      %slice3A_372 = vector.extract_strided_slice %get3A_68 {offsets = [9], sizes = [1], strides = [1]} : vector<16xi32> to vector<1xi32>
      %squeeze3A_373 = vector.extract %slice3A_372[0] : i32 from vector<1xi32>
      %dma_start3A_374 = arith.constant 64 : i32
      %dma_start3A_375 = tpu.memref_slice %arg11[%add3A_357, %dma_start3A_374] : memref<256x128xf32, #tpu.memory_space<vmem>> -> memref<1x64xf32, #tpu.memory_space<vmem>>
      %dma_start3A_376 = tpu.memref_squeeze %dma_start3A_375 : memref<1x64xf32, #tpu.memory_space<vmem>> -> memref<64xf32, #tpu.memory_space<vmem>>
      %dma_start3A_377 = arith.constant 0 : i32
      %dma_start3A_378 = tpu.memref_slice %arg5[%squeeze3A_373, %dma_start3A_377] : memref<100001x64xf32, #tpu.memory_space<hbm>> -> memref<1x64xf32, #tpu.memory_space<hbm>>
      %dma_start3A_379 = tpu.memref_squeeze %dma_start3A_378 : memref<1x64xf32, #tpu.memory_space<hbm>> -> memref<64xf32, #tpu.memory_space<hbm>>
      %dma_start3A_380 = arith.constant 64 : i32
      %dma_start3A_381 = tpu.memref_slice %arg11[%add3A_357, %dma_start3A_380] : memref<256x128xf32, #tpu.memory_space<vmem>> -> memref<1x64xf32, #tpu.memory_space<vmem>>
      %dma_start3A_382 = tpu.memref_squeeze %dma_start3A_381 : memref<1x64xf32, #tpu.memory_space<vmem>> -> memref<64xf32, #tpu.memory_space<vmem>>
      %dma_start3A_383 = arith.constant 0 : i32
      %dma_start3A_384 = tpu.memref_slice %arg5[%squeeze3A_373, %dma_start3A_383] : memref<100001x64xf32, #tpu.memory_space<hbm>> -> memref<1x64xf32, #tpu.memory_space<hbm>>
      %dma_start3A_385 = tpu.memref_squeeze %dma_start3A_384 : memref<1x64xf32, #tpu.memory_space<hbm>> -> memref<64xf32, #tpu.memory_space<hbm>>
      tpu.enqueue_dma source(%dma_start3A_385 : memref<64xf32, #tpu.memory_space<hbm>>) target(%dma_start3A_382 : memref<64xf32, #tpu.memory_space<vmem>>) target_semaphore(%arg14 : memref<!tpu.dma_semaphore, #tpu.memory_space<semaphore_mem>>)
      %mul3A_386 = arith.constant 8 : i32
      %mul3A_387 = arith.muli %scan3A_61, %mul3A_386 : i32
      %add3A_388 = arith.constant 5 : i32
      %add3A_389 = arith.addi %mul3A_387, %add3A_388 : i32
      %slice3A_390 = vector.extract_strided_slice %get3A_64 {offsets = [10], sizes = [1], strides = [1]} : vector<16xi32> to vector<1xi32>
      %squeeze3A_391 = vector.extract %slice3A_390[0] : i32 from vector<1xi32>
      %dma_start3A_392 = arith.constant 0 : i32
      %dma_start3A_393 = tpu.memref_slice %arg10[%add3A_389, %dma_start3A_392] : memref<256x128xf32, #tpu.memory_space<vmem>> -> memref<1x64xf32, #tpu.memory_space<vmem>>
      %dma_start3A_394 = tpu.memref_squeeze %dma_start3A_393 : memref<1x64xf32, #tpu.memory_space<vmem>> -> memref<64xf32, #tpu.memory_space<vmem>>
      %dma_start3A_395 = arith.constant 0 : i32
      %dma_start3A_396 = tpu.memref_slice %arg4[%squeeze3A_391, %dma_start3A_395] : memref<100001x64xf32, #tpu.memory_space<hbm>> -> memref<1x64xf32, #tpu.memory_space<hbm>>
      %dma_start3A_397 = tpu.memref_squeeze %dma_start3A_396 : memref<1x64xf32, #tpu.memory_space<hbm>> -> memref<64xf32, #tpu.memory_space<hbm>>
      %dma_start3A_398 = arith.constant 0 : i32
      %dma_start3A_399 = tpu.memref_slice %arg10[%add3A_389, %dma_start3A_398] : memref<256x128xf32, #tpu.memory_space<vmem>> -> memref<1x64xf32, #tpu.memory_space<vmem>>
      %dma_start3A_400 = tpu.memref_squeeze %dma_start3A_399 : memref<1x64xf32, #tpu.memory_space<vmem>> -> memref<64xf32, #tpu.memory_space<vmem>>
      %dma_start3A_401 = arith.constant 0 : i32
      %dma_start3A_402 = tpu.memref_slice %arg4[%squeeze3A_391, %dma_start3A_401] : memref<100001x64xf32, #tpu.memory_space<hbm>> -> memref<1x64xf32, #tpu.memory_space<hbm>>
      %dma_start3A_403 = tpu.memref_squeeze %dma_start3A_402 : memref<1x64xf32, #tpu.memory_space<hbm>> -> memref<64xf32, #tpu.memory_space<hbm>>
      tpu.enqueue_dma source(%dma_start3A_403 : memref<64xf32, #tpu.memory_space<hbm>>) target(%dma_start3A_400 : memref<64xf32, #tpu.memory_space<vmem>>) target_semaphore(%arg15 : memref<!tpu.dma_semaphore, #tpu.memory_space<semaphore_mem>>)
      %slice3A_404 = vector.extract_strided_slice %get3A_68 {offsets = [10], sizes = [1], strides = [1]} : vector<16xi32> to vector<1xi32>
      %squeeze3A_405 = vector.extract %slice3A_404[0] : i32 from vector<1xi32>
      %dma_start3A_406 = arith.constant 0 : i32
      %dma_start3A_407 = tpu.memref_slice %arg11[%add3A_389, %dma_start3A_406] : memref<256x128xf32, #tpu.memory_space<vmem>> -> memref<1x64xf32, #tpu.memory_space<vmem>>
      %dma_start3A_408 = tpu.memref_squeeze %dma_start3A_407 : memref<1x64xf32, #tpu.memory_space<vmem>> -> memref<64xf32, #tpu.memory_space<vmem>>
      %dma_start3A_409 = arith.constant 0 : i32
      %dma_start3A_410 = tpu.memref_slice %arg5[%squeeze3A_405, %dma_start3A_409] : memref<100001x64xf32, #tpu.memory_space<hbm>> -> memref<1x64xf32, #tpu.memory_space<hbm>>
      %dma_start3A_411 = tpu.memref_squeeze %dma_start3A_410 : memref<1x64xf32, #tpu.memory_space<hbm>> -> memref<64xf32, #tpu.memory_space<hbm>>
      %dma_start3A_412 = arith.constant 0 : i32
      %dma_start3A_413 = tpu.memref_slice %arg11[%add3A_389, %dma_start3A_412] : memref<256x128xf32, #tpu.memory_space<vmem>> -> memref<1x64xf32, #tpu.memory_space<vmem>>
      %dma_start3A_414 = tpu.memref_squeeze %dma_start3A_413 : memref<1x64xf32, #tpu.memory_space<vmem>> -> memref<64xf32, #tpu.memory_space<vmem>>
      %dma_start3A_415 = arith.constant 0 : i32
      %dma_start3A_416 = tpu.memref_slice %arg5[%squeeze3A_405, %dma_start3A_415] : memref<100001x64xf32, #tpu.memory_space<hbm>> -> memref<1x64xf32, #tpu.memory_space<hbm>>
      %dma_start3A_417 = tpu.memref_squeeze %dma_start3A_416 : memref<1x64xf32, #tpu.memory_space<hbm>> -> memref<64xf32, #tpu.memory_space<hbm>>
      tpu.enqueue_dma source(%dma_start3A_417 : memref<64xf32, #tpu.memory_space<hbm>>) target(%dma_start3A_414 : memref<64xf32, #tpu.memory_space<vmem>>) target_semaphore(%arg15 : memref<!tpu.dma_semaphore, #tpu.memory_space<semaphore_mem>>)
      %mul3A_418 = arith.constant 8 : i32
      %mul3A_419 = arith.muli %scan3A_61, %mul3A_418 : i32
      %add3A_420 = arith.constant 5 : i32
      %add3A_421 = arith.addi %mul3A_419, %add3A_420 : i32
      %slice3A_422 = vector.extract_strided_slice %get3A_64 {offsets = [11], sizes = [1], strides = [1]} : vector<16xi32> to vector<1xi32>
      %squeeze3A_423 = vector.extract %slice3A_422[0] : i32 from vector<1xi32>
      %dma_start3A_424 = arith.constant 64 : i32
      %dma_start3A_425 = tpu.memref_slice %arg10[%add3A_421, %dma_start3A_424] : memref<256x128xf32, #tpu.memory_space<vmem>> -> memref<1x64xf32, #tpu.memory_space<vmem>>
      %dma_start3A_426 = tpu.memref_squeeze %dma_start3A_425 : memref<1x64xf32, #tpu.memory_space<vmem>> -> memref<64xf32, #tpu.memory_space<vmem>>
      %dma_start3A_427 = arith.constant 0 : i32
      %dma_start3A_428 = tpu.memref_slice %arg4[%squeeze3A_423, %dma_start3A_427] : memref<100001x64xf32, #tpu.memory_space<hbm>> -> memref<1x64xf32, #tpu.memory_space<hbm>>
      %dma_start3A_429 = tpu.memref_squeeze %dma_start3A_428 : memref<1x64xf32, #tpu.memory_space<hbm>> -> memref<64xf32, #tpu.memory_space<hbm>>
      %dma_start3A_430 = arith.constant 64 : i32
      %dma_start3A_431 = tpu.memref_slice %arg10[%add3A_421, %dma_start3A_430] : memref<256x128xf32, #tpu.memory_space<vmem>> -> memref<1x64xf32, #tpu.memory_space<vmem>>
      %dma_start3A_432 = tpu.memref_squeeze %dma_start3A_431 : memref<1x64xf32, #tpu.memory_space<vmem>> -> memref<64xf32, #tpu.memory_space<vmem>>
      %dma_start3A_433 = arith.constant 0 : i32
      %dma_start3A_434 = tpu.memref_slice %arg4[%squeeze3A_423, %dma_start3A_433] : memref<100001x64xf32, #tpu.memory_space<hbm>> -> memref<1x64xf32, #tpu.memory_space<hbm>>
      %dma_start3A_435 = tpu.memref_squeeze %dma_start3A_434 : memref<1x64xf32, #tpu.memory_space<hbm>> -> memref<64xf32, #tpu.memory_space<hbm>>
      tpu.enqueue_dma source(%dma_start3A_435 : memref<64xf32, #tpu.memory_space<hbm>>) target(%dma_start3A_432 : memref<64xf32, #tpu.memory_space<vmem>>) target_semaphore(%arg16 : memref<!tpu.dma_semaphore, #tpu.memory_space<semaphore_mem>>)
      %slice3A_436 = vector.extract_strided_slice %get3A_68 {offsets = [11], sizes = [1], strides = [1]} : vector<16xi32> to vector<1xi32>
      %squeeze3A_437 = vector.extract %slice3A_436[0] : i32 from vector<1xi32>
      %dma_start3A_438 = arith.constant 64 : i32
      %dma_start3A_439 = tpu.memref_slice %arg11[%add3A_421, %dma_start3A_438] : memref<256x128xf32, #tpu.memory_space<vmem>> -> memref<1x64xf32, #tpu.memory_space<vmem>>
      %dma_start3A_440 = tpu.memref_squeeze %dma_start3A_439 : memref<1x64xf32, #tpu.memory_space<vmem>> -> memref<64xf32, #tpu.memory_space<vmem>>
      %dma_start3A_441 = arith.constant 0 : i32
      %dma_start3A_442 = tpu.memref_slice %arg5[%squeeze3A_437, %dma_start3A_441] : memref<100001x64xf32, #tpu.memory_space<hbm>> -> memref<1x64xf32, #tpu.memory_space<hbm>>
      %dma_start3A_443 = tpu.memref_squeeze %dma_start3A_442 : memref<1x64xf32, #tpu.memory_space<hbm>> -> memref<64xf32, #tpu.memory_space<hbm>>
      %dma_start3A_444 = arith.constant 64 : i32
      %dma_start3A_445 = tpu.memref_slice %arg11[%add3A_421, %dma_start3A_444] : memref<256x128xf32, #tpu.memory_space<vmem>> -> memref<1x64xf32, #tpu.memory_space<vmem>>
      %dma_start3A_446 = tpu.memref_squeeze %dma_start3A_445 : memref<1x64xf32, #tpu.memory_space<vmem>> -> memref<64xf32, #tpu.memory_space<vmem>>
      %dma_start3A_447 = arith.constant 0 : i32
      %dma_start3A_448 = tpu.memref_slice %arg5[%squeeze3A_437, %dma_start3A_447] : memref<100001x64xf32, #tpu.memory_space<hbm>> -> memref<1x64xf32, #tpu.memory_space<hbm>>
      %dma_start3A_449 = tpu.memref_squeeze %dma_start3A_448 : memref<1x64xf32, #tpu.memory_space<hbm>> -> memref<64xf32, #tpu.memory_space<hbm>>
      tpu.enqueue_dma source(%dma_start3A_449 : memref<64xf32, #tpu.memory_space<hbm>>) target(%dma_start3A_446 : memref<64xf32, #tpu.memory_space<vmem>>) target_semaphore(%arg16 : memref<!tpu.dma_semaphore, #tpu.memory_space<semaphore_mem>>)
      %mul3A_450 = arith.constant 8 : i32
      %mul3A_451 = arith.muli %scan3A_61, %mul3A_450 : i32
      %add3A_452 = arith.constant 6 : i32
      %add3A_453 = arith.addi %mul3A_451, %add3A_452 : i32
      %slice3A_454 = vector.extract_strided_slice %get3A_64 {offsets = [12], sizes = [1], strides = [1]} : vector<16xi32> to vector<1xi32>
      %squeeze3A_455 = vector.extract %slice3A_454[0] : i32 from vector<1xi32>
      %dma_start3A_456 = arith.constant 0 : i32
      %dma_start3A_457 = tpu.memref_slice %arg10[%add3A_453, %dma_start3A_456] : memref<256x128xf32, #tpu.memory_space<vmem>> -> memref<1x64xf32, #tpu.memory_space<vmem>>
      %dma_start3A_458 = tpu.memref_squeeze %dma_start3A_457 : memref<1x64xf32, #tpu.memory_space<vmem>> -> memref<64xf32, #tpu.memory_space<vmem>>
      %dma_start3A_459 = arith.constant 0 : i32
      %dma_start3A_460 = tpu.memref_slice %arg4[%squeeze3A_455, %dma_start3A_459] : memref<100001x64xf32, #tpu.memory_space<hbm>> -> memref<1x64xf32, #tpu.memory_space<hbm>>
      %dma_start3A_461 = tpu.memref_squeeze %dma_start3A_460 : memref<1x64xf32, #tpu.memory_space<hbm>> -> memref<64xf32, #tpu.memory_space<hbm>>
      %dma_start3A_462 = arith.constant 0 : i32
      %dma_start3A_463 = tpu.memref_slice %arg10[%add3A_453, %dma_start3A_462] : memref<256x128xf32, #tpu.memory_space<vmem>> -> memref<1x64xf32, #tpu.memory_space<vmem>>
      %dma_start3A_464 = tpu.memref_squeeze %dma_start3A_463 : memref<1x64xf32, #tpu.memory_space<vmem>> -> memref<64xf32, #tpu.memory_space<vmem>>
      %dma_start3A_465 = arith.constant 0 : i32
      %dma_start3A_466 = tpu.memref_slice %arg4[%squeeze3A_455, %dma_start3A_465] : memref<100001x64xf32, #tpu.memory_space<hbm>> -> memref<1x64xf32, #tpu.memory_space<hbm>>
      %dma_start3A_467 = tpu.memref_squeeze %dma_start3A_466 : memref<1x64xf32, #tpu.memory_space<hbm>> -> memref<64xf32, #tpu.memory_space<hbm>>
      tpu.enqueue_dma source(%dma_start3A_467 : memref<64xf32, #tpu.memory_space<hbm>>) target(%dma_start3A_464 : memref<64xf32, #tpu.memory_space<vmem>>) target_semaphore(%arg13 : memref<!tpu.dma_semaphore, #tpu.memory_space<semaphore_mem>>)
      %slice3A_468 = vector.extract_strided_slice %get3A_68 {offsets = [12], sizes = [1], strides = [1]} : vector<16xi32> to vector<1xi32>
      %squeeze3A_469 = vector.extract %slice3A_468[0] : i32 from vector<1xi32>
      %dma_start3A_470 = arith.constant 0 : i32
      %dma_start3A_471 = tpu.memref_slice %arg11[%add3A_453, %dma_start3A_470] : memref<256x128xf32, #tpu.memory_space<vmem>> -> memref<1x64xf32, #tpu.memory_space<vmem>>
      %dma_start3A_472 = tpu.memref_squeeze %dma_start3A_471 : memref<1x64xf32, #tpu.memory_space<vmem>> -> memref<64xf32, #tpu.memory_space<vmem>>
      %dma_start3A_473 = arith.constant 0 : i32
      %dma_start3A_474 = tpu.memref_slice %arg5[%squeeze3A_469, %dma_start3A_473] : memref<100001x64xf32, #tpu.memory_space<hbm>> -> memref<1x64xf32, #tpu.memory_space<hbm>>
      %dma_start3A_475 = tpu.memref_squeeze %dma_start3A_474 : memref<1x64xf32, #tpu.memory_space<hbm>> -> memref<64xf32, #tpu.memory_space<hbm>>
      %dma_start3A_476 = arith.constant 0 : i32
      %dma_start3A_477 = tpu.memref_slice %arg11[%add3A_453, %dma_start3A_476] : memref<256x128xf32, #tpu.memory_space<vmem>> -> memref<1x64xf32, #tpu.memory_space<vmem>>
      %dma_start3A_478 = tpu.memref_squeeze %dma_start3A_477 : memref<1x64xf32, #tpu.memory_space<vmem>> -> memref<64xf32, #tpu.memory_space<vmem>>
      %dma_start3A_479 = arith.constant 0 : i32
      %dma_start3A_480 = tpu.memref_slice %arg5[%squeeze3A_469, %dma_start3A_479] : memref<100001x64xf32, #tpu.memory_space<hbm>> -> memref<1x64xf32, #tpu.memory_space<hbm>>
      %dma_start3A_481 = tpu.memref_squeeze %dma_start3A_480 : memref<1x64xf32, #tpu.memory_space<hbm>> -> memref<64xf32, #tpu.memory_space<hbm>>
      tpu.enqueue_dma source(%dma_start3A_481 : memref<64xf32, #tpu.memory_space<hbm>>) target(%dma_start3A_478 : memref<64xf32, #tpu.memory_space<vmem>>) target_semaphore(%arg13 : memref<!tpu.dma_semaphore, #tpu.memory_space<semaphore_mem>>)
      %mul3A_482 = arith.constant 8 : i32
      %mul3A_483 = arith.muli %scan3A_61, %mul3A_482 : i32
      %add3A_484 = arith.constant 6 : i32
      %add3A_485 = arith.addi %mul3A_483, %add3A_484 : i32
      %slice3A_486 = vector.extract_strided_slice %get3A_64 {offsets = [13], sizes = [1], strides = [1]} : vector<16xi32> to vector<1xi32>
      %squeeze3A_487 = vector.extract %slice3A_486[0] : i32 from vector<1xi32>
      %dma_start3A_488 = arith.constant 64 : i32
      %dma_start3A_489 = tpu.memref_slice %arg10[%add3A_485, %dma_start3A_488] : memref<256x128xf32, #tpu.memory_space<vmem>> -> memref<1x64xf32, #tpu.memory_space<vmem>>
      %dma_start3A_490 = tpu.memref_squeeze %dma_start3A_489 : memref<1x64xf32, #tpu.memory_space<vmem>> -> memref<64xf32, #tpu.memory_space<vmem>>
      %dma_start3A_491 = arith.constant 0 : i32
      %dma_start3A_492 = tpu.memref_slice %arg4[%squeeze3A_487, %dma_start3A_491] : memref<100001x64xf32, #tpu.memory_space<hbm>> -> memref<1x64xf32, #tpu.memory_space<hbm>>
      %dma_start3A_493 = tpu.memref_squeeze %dma_start3A_492 : memref<1x64xf32, #tpu.memory_space<hbm>> -> memref<64xf32, #tpu.memory_space<hbm>>
      %dma_start3A_494 = arith.constant 64 : i32
      %dma_start3A_495 = tpu.memref_slice %arg10[%add3A_485, %dma_start3A_494] : memref<256x128xf32, #tpu.memory_space<vmem>> -> memref<1x64xf32, #tpu.memory_space<vmem>>
      %dma_start3A_496 = tpu.memref_squeeze %dma_start3A_495 : memref<1x64xf32, #tpu.memory_space<vmem>> -> memref<64xf32, #tpu.memory_space<vmem>>
      %dma_start3A_497 = arith.constant 0 : i32
      %dma_start3A_498 = tpu.memref_slice %arg4[%squeeze3A_487, %dma_start3A_497] : memref<100001x64xf32, #tpu.memory_space<hbm>> -> memref<1x64xf32, #tpu.memory_space<hbm>>
      %dma_start3A_499 = tpu.memref_squeeze %dma_start3A_498 : memref<1x64xf32, #tpu.memory_space<hbm>> -> memref<64xf32, #tpu.memory_space<hbm>>
      tpu.enqueue_dma source(%dma_start3A_499 : memref<64xf32, #tpu.memory_space<hbm>>) target(%dma_start3A_496 : memref<64xf32, #tpu.memory_space<vmem>>) target_semaphore(%arg14 : memref<!tpu.dma_semaphore, #tpu.memory_space<semaphore_mem>>)
      %slice3A_500 = vector.extract_strided_slice %get3A_68 {offsets = [13], sizes = [1], strides = [1]} : vector<16xi32> to vector<1xi32>
      %squeeze3A_501 = vector.extract %slice3A_500[0] : i32 from vector<1xi32>
      %dma_start3A_502 = arith.constant 64 : i32
      %dma_start3A_503 = tpu.memref_slice %arg11[%add3A_485, %dma_start3A_502] : memref<256x128xf32, #tpu.memory_space<vmem>> -> memref<1x64xf32, #tpu.memory_space<vmem>>
      %dma_start3A_504 = tpu.memref_squeeze %dma_start3A_503 : memref<1x64xf32, #tpu.memory_space<vmem>> -> memref<64xf32, #tpu.memory_space<vmem>>
      %dma_start3A_505 = arith.constant 0 : i32
      %dma_start3A_506 = tpu.memref_slice %arg5[%squeeze3A_501, %dma_start3A_505] : memref<100001x64xf32, #tpu.memory_space<hbm>> -> memref<1x64xf32, #tpu.memory_space<hbm>>
      %dma_start3A_507 = tpu.memref_squeeze %dma_start3A_506 : memref<1x64xf32, #tpu.memory_space<hbm>> -> memref<64xf32, #tpu.memory_space<hbm>>
      %dma_start3A_508 = arith.constant 64 : i32
      %dma_start3A_509 = tpu.memref_slice %arg11[%add3A_485, %dma_start3A_508] : memref<256x128xf32, #tpu.memory_space<vmem>> -> memref<1x64xf32, #tpu.memory_space<vmem>>
      %dma_start3A_510 = tpu.memref_squeeze %dma_start3A_509 : memref<1x64xf32, #tpu.memory_space<vmem>> -> memref<64xf32, #tpu.memory_space<vmem>>
      %dma_start3A_511 = arith.constant 0 : i32
      %dma_start3A_512 = tpu.memref_slice %arg5[%squeeze3A_501, %dma_start3A_511] : memref<100001x64xf32, #tpu.memory_space<hbm>> -> memref<1x64xf32, #tpu.memory_space<hbm>>
      %dma_start3A_513 = tpu.memref_squeeze %dma_start3A_512 : memref<1x64xf32, #tpu.memory_space<hbm>> -> memref<64xf32, #tpu.memory_space<hbm>>
      tpu.enqueue_dma source(%dma_start3A_513 : memref<64xf32, #tpu.memory_space<hbm>>) target(%dma_start3A_510 : memref<64xf32, #tpu.memory_space<vmem>>) target_semaphore(%arg14 : memref<!tpu.dma_semaphore, #tpu.memory_space<semaphore_mem>>)
      %mul3A_514 = arith.constant 8 : i32
      %mul3A_515 = arith.muli %scan3A_61, %mul3A_514 : i32
      %add3A_516 = arith.constant 7 : i32
      %add3A_517 = arith.addi %mul3A_515, %add3A_516 : i32
      %slice3A_518 = vector.extract_strided_slice %get3A_64 {offsets = [14], sizes = [1], strides = [1]} : vector<16xi32> to vector<1xi32>
      %squeeze3A_519 = vector.extract %slice3A_518[0] : i32 from vector<1xi32>
      %dma_start3A_520 = arith.constant 0 : i32
      %dma_start3A_521 = tpu.memref_slice %arg10[%add3A_517, %dma_start3A_520] : memref<256x128xf32, #tpu.memory_space<vmem>> -> memref<1x64xf32, #tpu.memory_space<vmem>>
      %dma_start3A_522 = tpu.memref_squeeze %dma_start3A_521 : memref<1x64xf32, #tpu.memory_space<vmem>> -> memref<64xf32, #tpu.memory_space<vmem>>
      %dma_start3A_523 = arith.constant 0 : i32
      %dma_start3A_524 = tpu.memref_slice %arg4[%squeeze3A_519, %dma_start3A_523] : memref<100001x64xf32, #tpu.memory_space<hbm>> -> memref<1x64xf32, #tpu.memory_space<hbm>>
      %dma_start3A_525 = tpu.memref_squeeze %dma_start3A_524 : memref<1x64xf32, #tpu.memory_space<hbm>> -> memref<64xf32, #tpu.memory_space<hbm>>
      %dma_start3A_526 = arith.constant 0 : i32
      %dma_start3A_527 = tpu.memref_slice %arg10[%add3A_517, %dma_start3A_526] : memref<256x128xf32, #tpu.memory_space<vmem>> -> memref<1x64xf32, #tpu.memory_space<vmem>>
      %dma_start3A_528 = tpu.memref_squeeze %dma_start3A_527 : memref<1x64xf32, #tpu.memory_space<vmem>> -> memref<64xf32, #tpu.memory_space<vmem>>
      %dma_start3A_529 = arith.constant 0 : i32
      %dma_start3A_530 = tpu.memref_slice %arg4[%squeeze3A_519, %dma_start3A_529] : memref<100001x64xf32, #tpu.memory_space<hbm>> -> memref<1x64xf32, #tpu.memory_space<hbm>>
      %dma_start3A_531 = tpu.memref_squeeze %dma_start3A_530 : memref<1x64xf32, #tpu.memory_space<hbm>> -> memref<64xf32, #tpu.memory_space<hbm>>
      tpu.enqueue_dma source(%dma_start3A_531 : memref<64xf32, #tpu.memory_space<hbm>>) target(%dma_start3A_528 : memref<64xf32, #tpu.memory_space<vmem>>) target_semaphore(%arg15 : memref<!tpu.dma_semaphore, #tpu.memory_space<semaphore_mem>>)
      %slice3A_532 = vector.extract_strided_slice %get3A_68 {offsets = [14], sizes = [1], strides = [1]} : vector<16xi32> to vector<1xi32>
      %squeeze3A_533 = vector.extract %slice3A_532[0] : i32 from vector<1xi32>
      %dma_start3A_534 = arith.constant 0 : i32
      %dma_start3A_535 = tpu.memref_slice %arg11[%add3A_517, %dma_start3A_534] : memref<256x128xf32, #tpu.memory_space<vmem>> -> memref<1x64xf32, #tpu.memory_space<vmem>>
      %dma_start3A_536 = tpu.memref_squeeze %dma_start3A_535 : memref<1x64xf32, #tpu.memory_space<vmem>> -> memref<64xf32, #tpu.memory_space<vmem>>
      %dma_start3A_537 = arith.constant 0 : i32
      %dma_start3A_538 = tpu.memref_slice %arg5[%squeeze3A_533, %dma_start3A_537] : memref<100001x64xf32, #tpu.memory_space<hbm>> -> memref<1x64xf32, #tpu.memory_space<hbm>>
      %dma_start3A_539 = tpu.memref_squeeze %dma_start3A_538 : memref<1x64xf32, #tpu.memory_space<hbm>> -> memref<64xf32, #tpu.memory_space<hbm>>
      %dma_start3A_540 = arith.constant 0 : i32
      %dma_start3A_541 = tpu.memref_slice %arg11[%add3A_517, %dma_start3A_540] : memref<256x128xf32, #tpu.memory_space<vmem>> -> memref<1x64xf32, #tpu.memory_space<vmem>>
      %dma_start3A_542 = tpu.memref_squeeze %dma_start3A_541 : memref<1x64xf32, #tpu.memory_space<vmem>> -> memref<64xf32, #tpu.memory_space<vmem>>
      %dma_start3A_543 = arith.constant 0 : i32
      %dma_start3A_544 = tpu.memref_slice %arg5[%squeeze3A_533, %dma_start3A_543] : memref<100001x64xf32, #tpu.memory_space<hbm>> -> memref<1x64xf32, #tpu.memory_space<hbm>>
      %dma_start3A_545 = tpu.memref_squeeze %dma_start3A_544 : memref<1x64xf32, #tpu.memory_space<hbm>> -> memref<64xf32, #tpu.memory_space<hbm>>
      tpu.enqueue_dma source(%dma_start3A_545 : memref<64xf32, #tpu.memory_space<hbm>>) target(%dma_start3A_542 : memref<64xf32, #tpu.memory_space<vmem>>) target_semaphore(%arg15 : memref<!tpu.dma_semaphore, #tpu.memory_space<semaphore_mem>>)
      %mul3A_546 = arith.constant 8 : i32
      %mul3A_547 = arith.muli %scan3A_61, %mul3A_546 : i32
      %add3A_548 = arith.constant 7 : i32
      %add3A_549 = arith.addi %mul3A_547, %add3A_548 : i32
      %slice3A_550 = vector.extract_strided_slice %get3A_64 {offsets = [15], sizes = [1], strides = [1]} : vector<16xi32> to vector<1xi32>
      %squeeze3A_551 = vector.extract %slice3A_550[0] : i32 from vector<1xi32>
      %dma_start3A_552 = arith.constant 64 : i32
      %dma_start3A_553 = tpu.memref_slice %arg10[%add3A_549, %dma_start3A_552] : memref<256x128xf32, #tpu.memory_space<vmem>> -> memref<1x64xf32, #tpu.memory_space<vmem>>
      %dma_start3A_554 = tpu.memref_squeeze %dma_start3A_553 : memref<1x64xf32, #tpu.memory_space<vmem>> -> memref<64xf32, #tpu.memory_space<vmem>>
      %dma_start3A_555 = arith.constant 0 : i32
      %dma_start3A_556 = tpu.memref_slice %arg4[%squeeze3A_551, %dma_start3A_555] : memref<100001x64xf32, #tpu.memory_space<hbm>> -> memref<1x64xf32, #tpu.memory_space<hbm>>
      %dma_start3A_557 = tpu.memref_squeeze %dma_start3A_556 : memref<1x64xf32, #tpu.memory_space<hbm>> -> memref<64xf32, #tpu.memory_space<hbm>>
      %dma_start3A_558 = arith.constant 64 : i32
      %dma_start3A_559 = tpu.memref_slice %arg10[%add3A_549, %dma_start3A_558] : memref<256x128xf32, #tpu.memory_space<vmem>> -> memref<1x64xf32, #tpu.memory_space<vmem>>
      %dma_start3A_560 = tpu.memref_squeeze %dma_start3A_559 : memref<1x64xf32, #tpu.memory_space<vmem>> -> memref<64xf32, #tpu.memory_space<vmem>>
      %dma_start3A_561 = arith.constant 0 : i32
      %dma_start3A_562 = tpu.memref_slice %arg4[%squeeze3A_551, %dma_start3A_561] : memref<100001x64xf32, #tpu.memory_space<hbm>> -> memref<1x64xf32, #tpu.memory_space<hbm>>
      %dma_start3A_563 = tpu.memref_squeeze %dma_start3A_562 : memref<1x64xf32, #tpu.memory_space<hbm>> -> memref<64xf32, #tpu.memory_space<hbm>>
      tpu.enqueue_dma source(%dma_start3A_563 : memref<64xf32, #tpu.memory_space<hbm>>) target(%dma_start3A_560 : memref<64xf32, #tpu.memory_space<vmem>>) target_semaphore(%arg16 : memref<!tpu.dma_semaphore, #tpu.memory_space<semaphore_mem>>)
      %slice3A_564 = vector.extract_strided_slice %get3A_68 {offsets = [15], sizes = [1], strides = [1]} : vector<16xi32> to vector<1xi32>
      %squeeze3A_565 = vector.extract %slice3A_564[0] : i32 from vector<1xi32>
      %dma_start3A_566 = arith.constant 64 : i32
      %dma_start3A_567 = tpu.memref_slice %arg11[%add3A_549, %dma_start3A_566] : memref<256x128xf32, #tpu.memory_space<vmem>> -> memref<1x64xf32, #tpu.memory_space<vmem>>
      %dma_start3A_568 = tpu.memref_squeeze %dma_start3A_567 : memref<1x64xf32, #tpu.memory_space<vmem>> -> memref<64xf32, #tpu.memory_space<vmem>>
      %dma_start3A_569 = arith.constant 0 : i32
      %dma_start3A_570 = tpu.memref_slice %arg5[%squeeze3A_565, %dma_start3A_569] : memref<100001x64xf32, #tpu.memory_space<hbm>> -> memref<1x64xf32, #tpu.memory_space<hbm>>
      %dma_start3A_571 = tpu.memref_squeeze %dma_start3A_570 : memref<1x64xf32, #tpu.memory_space<hbm>> -> memref<64xf32, #tpu.memory_space<hbm>>
      %dma_start3A_572 = arith.constant 64 : i32
      %dma_start3A_573 = tpu.memref_slice %arg11[%add3A_549, %dma_start3A_572] : memref<256x128xf32, #tpu.memory_space<vmem>> -> memref<1x64xf32, #tpu.memory_space<vmem>>
      %dma_start3A_574 = tpu.memref_squeeze %dma_start3A_573 : memref<1x64xf32, #tpu.memory_space<vmem>> -> memref<64xf32, #tpu.memory_space<vmem>>
      %dma_start3A_575 = arith.constant 0 : i32
      %dma_start3A_576 = tpu.memref_slice %arg5[%squeeze3A_565, %dma_start3A_575] : memref<100001x64xf32, #tpu.memory_space<hbm>> -> memref<1x64xf32, #tpu.memory_space<hbm>>
      %dma_start3A_577 = tpu.memref_squeeze %dma_start3A_576 : memref<1x64xf32, #tpu.memory_space<hbm>> -> memref<64xf32, #tpu.memory_space<hbm>>
      tpu.enqueue_dma source(%dma_start3A_577 : memref<64xf32, #tpu.memory_space<hbm>>) target(%dma_start3A_574 : memref<64xf32, #tpu.memory_space<vmem>>) target_semaphore(%arg16 : memref<!tpu.dma_semaphore, #tpu.memory_space<semaphore_mem>>)
    }
    %scan3A_7 = arith.constant 32 : i32
    %dma_wait3A = arith.constant 0 : i32
    %dma_wait3A_8 = arith.constant 0 : i32
    %dma_wait3A_9 = tpu.memref_slice %arg10[%dma_wait3A, %dma_wait3A_8] : memref<256x128xf32, #tpu.memory_space<vmem>> -> memref<128x128xf32, #tpu.memory_space<vmem>>
    %dma_wait3A_10 = arith.constant 0 : i32
    %dma_wait3A_11 = arith.constant 0 : i32
    %dma_wait3A_12 = tpu.memref_slice %arg6[%dma_wait3A_10, %dma_wait3A_11] : memref<256x128xf32, #tpu.memory_space<hbm>> -> memref<128x128xf32, #tpu.memory_space<hbm>>
    %dma_wait3A_13 = arith.constant 0 : i32
    %dma_wait3A_14 = arith.constant 0 : i32
    %dma_wait3A_15 = tpu.memref_slice %arg10[%dma_wait3A_13, %dma_wait3A_14] : memref<256x128xf32, #tpu.memory_space<vmem>> -> memref<128x128xf32, #tpu.memory_space<vmem>>
    %dma_wait3A_16 = arith.constant 0 : i32
    %dma_wait3A_17 = arith.constant 0 : i32
    %dma_wait3A_18 = tpu.memref_slice %arg6[%dma_wait3A_16, %dma_wait3A_17] : memref<256x128xf32, #tpu.memory_space<hbm>> -> memref<128x128xf32, #tpu.memory_space<hbm>>
    tpu.wait_dma2 semaphore(%arg13 : memref<!tpu.dma_semaphore, #tpu.memory_space<semaphore_mem>>) src(%dma_wait3A_18 : memref<128x128xf32, #tpu.memory_space<hbm>>) dst(%dma_wait3A_15 : memref<128x128xf32, #tpu.memory_space<vmem>>)
    %dma_wait3A_19 = arith.constant 0 : i32
    %dma_wait3A_20 = arith.constant 0 : i32
    %dma_wait3A_21 = tpu.memref_slice %arg10[%dma_wait3A_19, %dma_wait3A_20] : memref<256x128xf32, #tpu.memory_space<vmem>> -> memref<128x128xf32, #tpu.memory_space<vmem>>
    %dma_wait3A_22 = arith.constant 0 : i32
    %dma_wait3A_23 = arith.constant 0 : i32
    %dma_wait3A_24 = tpu.memref_slice %arg6[%dma_wait3A_22, %dma_wait3A_23] : memref<256x128xf32, #tpu.memory_space<hbm>> -> memref<128x128xf32, #tpu.memory_space<hbm>>
    %dma_wait3A_25 = arith.constant 0 : i32
    %dma_wait3A_26 = arith.constant 0 : i32
    %dma_wait3A_27 = tpu.memref_slice %arg10[%dma_wait3A_25, %dma_wait3A_26] : memref<256x128xf32, #tpu.memory_space<vmem>> -> memref<128x128xf32, #tpu.memory_space<vmem>>
    %dma_wait3A_28 = arith.constant 0 : i32
    %dma_wait3A_29 = arith.constant 0 : i32
    %dma_wait3A_30 = tpu.memref_slice %arg6[%dma_wait3A_28, %dma_wait3A_29] : memref<256x128xf32, #tpu.memory_space<hbm>> -> memref<128x128xf32, #tpu.memory_space<hbm>>
    tpu.wait_dma2 semaphore(%arg14 : memref<!tpu.dma_semaphore, #tpu.memory_space<semaphore_mem>>) src(%dma_wait3A_30 : memref<128x128xf32, #tpu.memory_space<hbm>>) dst(%dma_wait3A_27 : memref<128x128xf32, #tpu.memory_space<vmem>>)
    %dma_wait3A_31 = arith.constant 0 : i32
    %dma_wait3A_32 = arith.constant 0 : i32
    %dma_wait3A_33 = tpu.memref_slice %arg10[%dma_wait3A_31, %dma_wait3A_32] : memref<256x128xf32, #tpu.memory_space<vmem>> -> memref<128x128xf32, #tpu.memory_space<vmem>>
    %dma_wait3A_34 = arith.constant 0 : i32
    %dma_wait3A_35 = arith.constant 0 : i32
    %dma_wait3A_36 = tpu.memref_slice %arg6[%dma_wait3A_34, %dma_wait3A_35] : memref<256x128xf32, #tpu.memory_space<hbm>> -> memref<128x128xf32, #tpu.memory_space<hbm>>
    %dma_wait3A_37 = arith.constant 0 : i32
    %dma_wait3A_38 = arith.constant 0 : i32
    %dma_wait3A_39 = tpu.memref_slice %arg10[%dma_wait3A_37, %dma_wait3A_38] : memref<256x128xf32, #tpu.memory_space<vmem>> -> memref<128x128xf32, #tpu.memory_space<vmem>>
    %dma_wait3A_40 = arith.constant 0 : i32
    %dma_wait3A_41 = arith.constant 0 : i32
    %dma_wait3A_42 = tpu.memref_slice %arg6[%dma_wait3A_40, %dma_wait3A_41] : memref<256x128xf32, #tpu.memory_space<hbm>> -> memref<128x128xf32, #tpu.memory_space<hbm>>
    tpu.wait_dma2 semaphore(%arg15 : memref<!tpu.dma_semaphore, #tpu.memory_space<semaphore_mem>>) src(%dma_wait3A_42 : memref<128x128xf32, #tpu.memory_space<hbm>>) dst(%dma_wait3A_39 : memref<128x128xf32, #tpu.memory_space<vmem>>)
    %dma_wait3A_43 = arith.constant 0 : i32
    %dma_wait3A_44 = arith.constant 0 : i32
    %dma_wait3A_45 = tpu.memref_slice %arg10[%dma_wait3A_43, %dma_wait3A_44] : memref<256x128xf32, #tpu.memory_space<vmem>> -> memref<128x128xf32, #tpu.memory_space<vmem>>
    %dma_wait3A_46 = arith.constant 0 : i32
    %dma_wait3A_47 = arith.constant 0 : i32
    %dma_wait3A_48 = tpu.memref_slice %arg6[%dma_wait3A_46, %dma_wait3A_47] : memref<256x128xf32, #tpu.memory_space<hbm>> -> memref<128x128xf32, #tpu.memory_space<hbm>>
    %dma_wait3A_49 = arith.constant 0 : i32
    %dma_wait3A_50 = arith.constant 0 : i32
    %dma_wait3A_51 = tpu.memref_slice %arg10[%dma_wait3A_49, %dma_wait3A_50] : memref<256x128xf32, #tpu.memory_space<vmem>> -> memref<128x128xf32, #tpu.memory_space<vmem>>
    %dma_wait3A_52 = arith.constant 0 : i32
    %dma_wait3A_53 = arith.constant 0 : i32
    %dma_wait3A_54 = tpu.memref_slice %arg6[%dma_wait3A_52, %dma_wait3A_53] : memref<256x128xf32, #tpu.memory_space<hbm>> -> memref<128x128xf32, #tpu.memory_space<hbm>>
    tpu.wait_dma2 semaphore(%arg16 : memref<!tpu.dma_semaphore, #tpu.memory_space<semaphore_mem>>) src(%dma_wait3A_54 : memref<128x128xf32, #tpu.memory_space<hbm>>) dst(%dma_wait3A_51 : memref<128x128xf32, #tpu.memory_space<vmem>>)
    %iota3A = tpu.iota {dimensions = array<i32: 0>} : vector<16xi32>
    %scan3A_55 = arith.constant 0 : i32
    %scan3A_56 = arith.constant 0 : i32
    %scan3A_57 = arith.constant 32 : i32
    %scan3A_58 = arith.addi %scan3A_56, %scan3A_57 : i32
    %scan3A_59 = arith.constant 1 : i32
    scf.for %scan3A_61 = %scan3A_56 to %scan3A_58 step %scan3A_59  : i32 {
      %broadcast_in_dim3A = arith.constant 0.000000e+00 : f32
      %broadcast_in_dim3A_62 = vector.broadcast %broadcast_in_dim3A : f32 to vector<16xf32>
      %mul3A_63 = arith.constant 8 : i32
      %mul3A_64 = arith.muli %scan3A_61, %mul3A_63 : i32
      %add3A_65 = arith.constant 0 : i32
      %add3A_66 = arith.addi %mul3A_64, %add3A_65 : i32
      %get3A = arith.index_cast %add3A_66 : i32 to index
      %get3A_67 = arith.constant 0 : index
      %get3A_68 = tpu.vector_load %arg10[%get3A, %get3A_67] {strides = array<i32>} : memref<256x128xf32, #tpu.memory_space<vmem>>, vector<16xf32>,
      %get3A_69 = arith.index_cast %add3A_66 : i32 to index
      %get3A_70 = arith.constant 0 : index
      %get3A_71 = tpu.vector_load %arg11[%get3A_69, %get3A_70] {strides = array<i32>} : memref<256x128xf32, #tpu.memory_space<vmem>>, vector<16xf32>,
      %mul3A_72 = arith.mulf %get3A_68, %get3A_71 : vector<16xf32>
      %get3A_73 = arith.index_cast %add3A_66 : i32 to index
      %get3A_74 = arith.constant 16 : index
      %get3A_75 = tpu.vector_load %arg10[%get3A_73, %get3A_74] {strides = array<i32>} : memref<256x128xf32, #tpu.memory_space<vmem>>, vector<16xf32>,
      %get3A_76 = arith.index_cast %add3A_66 : i32 to index
      %get3A_77 = arith.constant 16 : index
      %get3A_78 = tpu.vector_load %arg11[%get3A_76, %get3A_77] {strides = array<i32>} : memref<256x128xf32, #tpu.memory_space<vmem>>, vector<16xf32>,
      %mul3A_79 = arith.mulf %get3A_75, %get3A_78 : vector<16xf32>
      %add3A_80 = arith.addf %mul3A_72, %mul3A_79 : vector<16xf32>
      %get3A_81 = arith.index_cast %add3A_66 : i32 to index
      %get3A_82 = arith.constant 32 : index
      %get3A_83 = tpu.vector_load %arg10[%get3A_81, %get3A_82] {strides = array<i32>} : memref<256x128xf32, #tpu.memory_space<vmem>>, vector<16xf32>,
      %get3A_84 = arith.index_cast %add3A_66 : i32 to index
      %get3A_85 = arith.constant 32 : index
      %get3A_86 = tpu.vector_load %arg11[%get3A_84, %get3A_85] {strides = array<i32>} : memref<256x128xf32, #tpu.memory_space<vmem>>, vector<16xf32>,
      %mul3A_87 = arith.mulf %get3A_83, %get3A_86 : vector<16xf32>
      %add3A_88 = arith.addf %add3A_80, %mul3A_87 : vector<16xf32>
      %get3A_89 = arith.index_cast %add3A_66 : i32 to index
      %get3A_90 = arith.constant 48 : index
      %get3A_91 = tpu.vector_load %arg10[%get3A_89, %get3A_90] {strides = array<i32>} : memref<256x128xf32, #tpu.memory_space<vmem>>, vector<16xf32>,
      %get3A_92 = arith.index_cast %add3A_66 : i32 to index
      %get3A_93 = arith.constant 48 : index
      %get3A_94 = tpu.vector_load %arg11[%get3A_92, %get3A_93] {strides = array<i32>} : memref<256x128xf32, #tpu.memory_space<vmem>>, vector<16xf32>,
      %mul3A_95 = arith.mulf %get3A_91, %get3A_94 : vector<16xf32>
      %add3A_96 = arith.addf %add3A_88, %mul3A_95 : vector<16xf32>
      %eq3A = arith.constant 0 : i32
      %eq3A_97 = vector.broadcast %eq3A : i32 to vector<16xi32>
      %eq3A_98 = arith.cmpi eq, %iota3A, %eq3A_97 : vector<16xi32>
      %reduce_sum3A = arith.constant true
      %reduce_sum3A_99 = vector.broadcast %reduce_sum3A : i1 to vector<16xi1>
      %reduce_sum3A_100 = tpu.scan <sum>, %add3A_96 masked %reduce_sum3A_99 : vector<16xf32>, vector<16xi1> -> vector<16xf32>
      %reduce_sum3A_101 = vector.extract %reduce_sum3A_100[15] : f32 from vector<16xf32>
      %broadcast_in_dim3A_102 = vector.broadcast %reduce_sum3A_101 : f32 to vector<16xf32>
      %select_n3A = arith.select %eq3A_98, %broadcast_in_dim3A_102, %broadcast_in_dim3A_62 : vector<16xi1>, vector<16xf32>
      %mul3A_103 = arith.constant 8 : i32
      %mul3A_104 = arith.muli %scan3A_61, %mul3A_103 : i32
      %add3A_105 = arith.constant 0 : i32
      %add3A_106 = arith.addi %mul3A_104, %add3A_105 : i32
      %get3A_107 = arith.index_cast %add3A_106 : i32 to index
      %get3A_108 = arith.constant 64 : index
      %get3A_109 = tpu.vector_load %arg10[%get3A_107, %get3A_108] {strides = array<i32>} : memref<256x128xf32, #tpu.memory_space<vmem>>, vector<16xf32>,
      %get3A_110 = arith.index_cast %add3A_106 : i32 to index
      %get3A_111 = arith.constant 64 : index
      %get3A_112 = tpu.vector_load %arg11[%get3A_110, %get3A_111] {strides = array<i32>} : memref<256x128xf32, #tpu.memory_space<vmem>>, vector<16xf32>,
      %mul3A_113 = arith.mulf %get3A_109, %get3A_112 : vector<16xf32>
      %get3A_114 = arith.index_cast %add3A_106 : i32 to index
      %get3A_115 = arith.constant 80 : index
      %get3A_116 = tpu.vector_load %arg10[%get3A_114, %get3A_115] {strides = array<i32>} : memref<256x128xf32, #tpu.memory_space<vmem>>, vector<16xf32>,
      %get3A_117 = arith.index_cast %add3A_106 : i32 to index
      %get3A_118 = arith.constant 80 : index
      %get3A_119 = tpu.vector_load %arg11[%get3A_117, %get3A_118] {strides = array<i32>} : memref<256x128xf32, #tpu.memory_space<vmem>>, vector<16xf32>,
      %mul3A_120 = arith.mulf %get3A_116, %get3A_119 : vector<16xf32>
      %add3A_121 = arith.addf %mul3A_113, %mul3A_120 : vector<16xf32>
      %get3A_122 = arith.index_cast %add3A_106 : i32 to index
      %get3A_123 = arith.constant 96 : index
      %get3A_124 = tpu.vector_load %arg10[%get3A_122, %get3A_123] {strides = array<i32>} : memref<256x128xf32, #tpu.memory_space<vmem>>, vector<16xf32>,
      %get3A_125 = arith.index_cast %add3A_106 : i32 to index
      %get3A_126 = arith.constant 96 : index
      %get3A_127 = tpu.vector_load %arg11[%get3A_125, %get3A_126] {strides = array<i32>} : memref<256x128xf32, #tpu.memory_space<vmem>>, vector<16xf32>,
      %mul3A_128 = arith.mulf %get3A_124, %get3A_127 : vector<16xf32>
      %add3A_129 = arith.addf %add3A_121, %mul3A_128 : vector<16xf32>
      %get3A_130 = arith.index_cast %add3A_106 : i32 to index
      %get3A_131 = arith.constant 112 : index
      %get3A_132 = tpu.vector_load %arg10[%get3A_130, %get3A_131] {strides = array<i32>} : memref<256x128xf32, #tpu.memory_space<vmem>>, vector<16xf32>,
      %get3A_133 = arith.index_cast %add3A_106 : i32 to index
      %get3A_134 = arith.constant 112 : index
      %get3A_135 = tpu.vector_load %arg11[%get3A_133, %get3A_134] {strides = array<i32>} : memref<256x128xf32, #tpu.memory_space<vmem>>, vector<16xf32>,
      %mul3A_136 = arith.mulf %get3A_132, %get3A_135 : vector<16xf32>
      %add3A_137 = arith.addf %add3A_129, %mul3A_136 : vector<16xf32>
      %eq3A_138 = arith.constant 1 : i32
      %eq3A_139 = vector.broadcast %eq3A_138 : i32 to vector<16xi32>
      %eq3A_140 = arith.cmpi eq, %iota3A, %eq3A_139 : vector<16xi32>
      %reduce_sum3A_141 = arith.constant true
      %reduce_sum3A_142 = vector.broadcast %reduce_sum3A_141 : i1 to vector<16xi1>
      %reduce_sum3A_143 = tpu.scan <sum>, %add3A_137 masked %reduce_sum3A_142 : vector<16xf32>, vector<16xi1> -> vector<16xf32>
      %reduce_sum3A_144 = vector.extract %reduce_sum3A_143[15] : f32 from vector<16xf32>
      %broadcast_in_dim3A_145 = vector.broadcast %reduce_sum3A_144 : f32 to vector<16xf32>
      %select_n3A_146 = arith.select %eq3A_140, %broadcast_in_dim3A_145, %select_n3A : vector<16xi1>, vector<16xf32>
      %mul3A_147 = arith.constant 8 : i32
      %mul3A_148 = arith.muli %scan3A_61, %mul3A_147 : i32
      %add3A_149 = arith.constant 1 : i32
      %add3A_150 = arith.addi %mul3A_148, %add3A_149 : i32
      %get3A_151 = arith.index_cast %add3A_150 : i32 to index
      %get3A_152 = arith.constant 0 : index
      %get3A_153 = tpu.vector_load %arg10[%get3A_151, %get3A_152] {strides = array<i32>} : memref<256x128xf32, #tpu.memory_space<vmem>>, vector<16xf32>,
      %get3A_154 = arith.index_cast %add3A_150 : i32 to index
      %get3A_155 = arith.constant 0 : index
      %get3A_156 = tpu.vector_load %arg11[%get3A_154, %get3A_155] {strides = array<i32>} : memref<256x128xf32, #tpu.memory_space<vmem>>, vector<16xf32>,
      %mul3A_157 = arith.mulf %get3A_153, %get3A_156 : vector<16xf32>
      %get3A_158 = arith.index_cast %add3A_150 : i32 to index
      %get3A_159 = arith.constant 16 : index
      %get3A_160 = tpu.vector_load %arg10[%get3A_158, %get3A_159] {strides = array<i32>} : memref<256x128xf32, #tpu.memory_space<vmem>>, vector<16xf32>,
      %get3A_161 = arith.index_cast %add3A_150 : i32 to index
      %get3A_162 = arith.constant 16 : index
      %get3A_163 = tpu.vector_load %arg11[%get3A_161, %get3A_162] {strides = array<i32>} : memref<256x128xf32, #tpu.memory_space<vmem>>, vector<16xf32>,
      %mul3A_164 = arith.mulf %get3A_160, %get3A_163 : vector<16xf32>
      %add3A_165 = arith.addf %mul3A_157, %mul3A_164 : vector<16xf32>
      %get3A_166 = arith.index_cast %add3A_150 : i32 to index
      %get3A_167 = arith.constant 32 : index
      %get3A_168 = tpu.vector_load %arg10[%get3A_166, %get3A_167] {strides = array<i32>} : memref<256x128xf32, #tpu.memory_space<vmem>>, vector<16xf32>,
      %get3A_169 = arith.index_cast %add3A_150 : i32 to index
      %get3A_170 = arith.constant 32 : index
      %get3A_171 = tpu.vector_load %arg11[%get3A_169, %get3A_170] {strides = array<i32>} : memref<256x128xf32, #tpu.memory_space<vmem>>, vector<16xf32>,
      %mul3A_172 = arith.mulf %get3A_168, %get3A_171 : vector<16xf32>
      %add3A_173 = arith.addf %add3A_165, %mul3A_172 : vector<16xf32>
      %get3A_174 = arith.index_cast %add3A_150 : i32 to index
      %get3A_175 = arith.constant 48 : index
      %get3A_176 = tpu.vector_load %arg10[%get3A_174, %get3A_175] {strides = array<i32>} : memref<256x128xf32, #tpu.memory_space<vmem>>, vector<16xf32>,
      %get3A_177 = arith.index_cast %add3A_150 : i32 to index
      %get3A_178 = arith.constant 48 : index
      %get3A_179 = tpu.vector_load %arg11[%get3A_177, %get3A_178] {strides = array<i32>} : memref<256x128xf32, #tpu.memory_space<vmem>>, vector<16xf32>,
      %mul3A_180 = arith.mulf %get3A_176, %get3A_179 : vector<16xf32>
      %add3A_181 = arith.addf %add3A_173, %mul3A_180 : vector<16xf32>
      %eq3A_182 = arith.constant 2 : i32
      %eq3A_183 = vector.broadcast %eq3A_182 : i32 to vector<16xi32>
      %eq3A_184 = arith.cmpi eq, %iota3A, %eq3A_183 : vector<16xi32>
      %reduce_sum3A_185 = arith.constant true
      %reduce_sum3A_186 = vector.broadcast %reduce_sum3A_185 : i1 to vector<16xi1>
      %reduce_sum3A_187 = tpu.scan <sum>, %add3A_181 masked %reduce_sum3A_186 : vector<16xf32>, vector<16xi1> -> vector<16xf32>
      %reduce_sum3A_188 = vector.extract %reduce_sum3A_187[15] : f32 from vector<16xf32>
      %broadcast_in_dim3A_189 = vector.broadcast %reduce_sum3A_188 : f32 to vector<16xf32>
      %select_n3A_190 = arith.select %eq3A_184, %broadcast_in_dim3A_189, %select_n3A_146 : vector<16xi1>, vector<16xf32>
      %mul3A_191 = arith.constant 8 : i32
      %mul3A_192 = arith.muli %scan3A_61, %mul3A_191 : i32
      %add3A_193 = arith.constant 1 : i32
      %add3A_194 = arith.addi %mul3A_192, %add3A_193 : i32
      %get3A_195 = arith.index_cast %add3A_194 : i32 to index
      %get3A_196 = arith.constant 64 : index
      %get3A_197 = tpu.vector_load %arg10[%get3A_195, %get3A_196] {strides = array<i32>} : memref<256x128xf32, #tpu.memory_space<vmem>>, vector<16xf32>,
      %get3A_198 = arith.index_cast %add3A_194 : i32 to index
      %get3A_199 = arith.constant 64 : index
      %get3A_200 = tpu.vector_load %arg11[%get3A_198, %get3A_199] {strides = array<i32>} : memref<256x128xf32, #tpu.memory_space<vmem>>, vector<16xf32>,
      %mul3A_201 = arith.mulf %get3A_197, %get3A_200 : vector<16xf32>
      %get3A_202 = arith.index_cast %add3A_194 : i32 to index
      %get3A_203 = arith.constant 80 : index
      %get3A_204 = tpu.vector_load %arg10[%get3A_202, %get3A_203] {strides = array<i32>} : memref<256x128xf32, #tpu.memory_space<vmem>>, vector<16xf32>,
      %get3A_205 = arith.index_cast %add3A_194 : i32 to index
      %get3A_206 = arith.constant 80 : index
      %get3A_207 = tpu.vector_load %arg11[%get3A_205, %get3A_206] {strides = array<i32>} : memref<256x128xf32, #tpu.memory_space<vmem>>, vector<16xf32>,
      %mul3A_208 = arith.mulf %get3A_204, %get3A_207 : vector<16xf32>
      %add3A_209 = arith.addf %mul3A_201, %mul3A_208 : vector<16xf32>
      %get3A_210 = arith.index_cast %add3A_194 : i32 to index
      %get3A_211 = arith.constant 96 : index
      %get3A_212 = tpu.vector_load %arg10[%get3A_210, %get3A_211] {strides = array<i32>} : memref<256x128xf32, #tpu.memory_space<vmem>>, vector<16xf32>,
      %get3A_213 = arith.index_cast %add3A_194 : i32 to index
      %get3A_214 = arith.constant 96 : index
      %get3A_215 = tpu.vector_load %arg11[%get3A_213, %get3A_214] {strides = array<i32>} : memref<256x128xf32, #tpu.memory_space<vmem>>, vector<16xf32>,
      %mul3A_216 = arith.mulf %get3A_212, %get3A_215 : vector<16xf32>
      %add3A_217 = arith.addf %add3A_209, %mul3A_216 : vector<16xf32>
      %get3A_218 = arith.index_cast %add3A_194 : i32 to index
      %get3A_219 = arith.constant 112 : index
      %get3A_220 = tpu.vector_load %arg10[%get3A_218, %get3A_219] {strides = array<i32>} : memref<256x128xf32, #tpu.memory_space<vmem>>, vector<16xf32>,
      %get3A_221 = arith.index_cast %add3A_194 : i32 to index
      %get3A_222 = arith.constant 112 : index
      %get3A_223 = tpu.vector_load %arg11[%get3A_221, %get3A_222] {strides = array<i32>} : memref<256x128xf32, #tpu.memory_space<vmem>>, vector<16xf32>,
      %mul3A_224 = arith.mulf %get3A_220, %get3A_223 : vector<16xf32>
      %add3A_225 = arith.addf %add3A_217, %mul3A_224 : vector<16xf32>
      %eq3A_226 = arith.constant 3 : i32
      %eq3A_227 = vector.broadcast %eq3A_226 : i32 to vector<16xi32>
      %eq3A_228 = arith.cmpi eq, %iota3A, %eq3A_227 : vector<16xi32>
      %reduce_sum3A_229 = arith.constant true
      %reduce_sum3A_230 = vector.broadcast %reduce_sum3A_229 : i1 to vector<16xi1>
      %reduce_sum3A_231 = tpu.scan <sum>, %add3A_225 masked %reduce_sum3A_230 : vector<16xf32>, vector<16xi1> -> vector<16xf32>
      %reduce_sum3A_232 = vector.extract %reduce_sum3A_231[15] : f32 from vector<16xf32>
      %broadcast_in_dim3A_233 = vector.broadcast %reduce_sum3A_232 : f32 to vector<16xf32>
      %select_n3A_234 = arith.select %eq3A_228, %broadcast_in_dim3A_233, %select_n3A_190 : vector<16xi1>, vector<16xf32>
      %mul3A_235 = arith.constant 8 : i32
      %mul3A_236 = arith.muli %scan3A_61, %mul3A_235 : i32
      %add3A_237 = arith.constant 2 : i32
      %add3A_238 = arith.addi %mul3A_236, %add3A_237 : i32
      %get3A_239 = arith.index_cast %add3A_238 : i32 to index
      %get3A_240 = arith.constant 0 : index
      %get3A_241 = tpu.vector_load %arg10[%get3A_239, %get3A_240] {strides = array<i32>} : memref<256x128xf32, #tpu.memory_space<vmem>>, vector<16xf32>,
      %get3A_242 = arith.index_cast %add3A_238 : i32 to index
      %get3A_243 = arith.constant 0 : index
      %get3A_244 = tpu.vector_load %arg11[%get3A_242, %get3A_243] {strides = array<i32>} : memref<256x128xf32, #tpu.memory_space<vmem>>, vector<16xf32>,
      %mul3A_245 = arith.mulf %get3A_241, %get3A_244 : vector<16xf32>
      %get3A_246 = arith.index_cast %add3A_238 : i32 to index
      %get3A_247 = arith.constant 16 : index
      %get3A_248 = tpu.vector_load %arg10[%get3A_246, %get3A_247] {strides = array<i32>} : memref<256x128xf32, #tpu.memory_space<vmem>>, vector<16xf32>,
      %get3A_249 = arith.index_cast %add3A_238 : i32 to index
      %get3A_250 = arith.constant 16 : index
      %get3A_251 = tpu.vector_load %arg11[%get3A_249, %get3A_250] {strides = array<i32>} : memref<256x128xf32, #tpu.memory_space<vmem>>, vector<16xf32>,
      %mul3A_252 = arith.mulf %get3A_248, %get3A_251 : vector<16xf32>
      %add3A_253 = arith.addf %mul3A_245, %mul3A_252 : vector<16xf32>
      %get3A_254 = arith.index_cast %add3A_238 : i32 to index
      %get3A_255 = arith.constant 32 : index
      %get3A_256 = tpu.vector_load %arg10[%get3A_254, %get3A_255] {strides = array<i32>} : memref<256x128xf32, #tpu.memory_space<vmem>>, vector<16xf32>,
      %get3A_257 = arith.index_cast %add3A_238 : i32 to index
      %get3A_258 = arith.constant 32 : index
      %get3A_259 = tpu.vector_load %arg11[%get3A_257, %get3A_258] {strides = array<i32>} : memref<256x128xf32, #tpu.memory_space<vmem>>, vector<16xf32>,
      %mul3A_260 = arith.mulf %get3A_256, %get3A_259 : vector<16xf32>
      %add3A_261 = arith.addf %add3A_253, %mul3A_260 : vector<16xf32>
      %get3A_262 = arith.index_cast %add3A_238 : i32 to index
      %get3A_263 = arith.constant 48 : index
      %get3A_264 = tpu.vector_load %arg10[%get3A_262, %get3A_263] {strides = array<i32>} : memref<256x128xf32, #tpu.memory_space<vmem>>, vector<16xf32>,
      %get3A_265 = arith.index_cast %add3A_238 : i32 to index
      %get3A_266 = arith.constant 48 : index
      %get3A_267 = tpu.vector_load %arg11[%get3A_265, %get3A_266] {strides = array<i32>} : memref<256x128xf32, #tpu.memory_space<vmem>>, vector<16xf32>,
      %mul3A_268 = arith.mulf %get3A_264, %get3A_267 : vector<16xf32>
      %add3A_269 = arith.addf %add3A_261, %mul3A_268 : vector<16xf32>
      %eq3A_270 = arith.constant 4 : i32
      %eq3A_271 = vector.broadcast %eq3A_270 : i32 to vector<16xi32>
      %eq3A_272 = arith.cmpi eq, %iota3A, %eq3A_271 : vector<16xi32>
      %reduce_sum3A_273 = arith.constant true
      %reduce_sum3A_274 = vector.broadcast %reduce_sum3A_273 : i1 to vector<16xi1>
      %reduce_sum3A_275 = tpu.scan <sum>, %add3A_269 masked %reduce_sum3A_274 : vector<16xf32>, vector<16xi1> -> vector<16xf32>
      %reduce_sum3A_276 = vector.extract %reduce_sum3A_275[15] : f32 from vector<16xf32>
      %broadcast_in_dim3A_277 = vector.broadcast %reduce_sum3A_276 : f32 to vector<16xf32>
      %select_n3A_278 = arith.select %eq3A_272, %broadcast_in_dim3A_277, %select_n3A_234 : vector<16xi1>, vector<16xf32>
      %mul3A_279 = arith.constant 8 : i32
      %mul3A_280 = arith.muli %scan3A_61, %mul3A_279 : i32
      %add3A_281 = arith.constant 2 : i32
      %add3A_282 = arith.addi %mul3A_280, %add3A_281 : i32
      %get3A_283 = arith.index_cast %add3A_282 : i32 to index
      %get3A_284 = arith.constant 64 : index
      %get3A_285 = tpu.vector_load %arg10[%get3A_283, %get3A_284] {strides = array<i32>} : memref<256x128xf32, #tpu.memory_space<vmem>>, vector<16xf32>,
      %get3A_286 = arith.index_cast %add3A_282 : i32 to index
      %get3A_287 = arith.constant 64 : index
      %get3A_288 = tpu.vector_load %arg11[%get3A_286, %get3A_287] {strides = array<i32>} : memref<256x128xf32, #tpu.memory_space<vmem>>, vector<16xf32>,
      %mul3A_289 = arith.mulf %get3A_285, %get3A_288 : vector<16xf32>
      %get3A_290 = arith.index_cast %add3A_282 : i32 to index
      %get3A_291 = arith.constant 80 : index
      %get3A_292 = tpu.vector_load %arg10[%get3A_290, %get3A_291] {strides = array<i32>} : memref<256x128xf32, #tpu.memory_space<vmem>>, vector<16xf32>,
      %get3A_293 = arith.index_cast %add3A_282 : i32 to index
      %get3A_294 = arith.constant 80 : index
      %get3A_295 = tpu.vector_load %arg11[%get3A_293, %get3A_294] {strides = array<i32>} : memref<256x128xf32, #tpu.memory_space<vmem>>, vector<16xf32>,
      %mul3A_296 = arith.mulf %get3A_292, %get3A_295 : vector<16xf32>
      %add3A_297 = arith.addf %mul3A_289, %mul3A_296 : vector<16xf32>
      %get3A_298 = arith.index_cast %add3A_282 : i32 to index
      %get3A_299 = arith.constant 96 : index
      %get3A_300 = tpu.vector_load %arg10[%get3A_298, %get3A_299] {strides = array<i32>} : memref<256x128xf32, #tpu.memory_space<vmem>>, vector<16xf32>,
      %get3A_301 = arith.index_cast %add3A_282 : i32 to index
      %get3A_302 = arith.constant 96 : index
      %get3A_303 = tpu.vector_load %arg11[%get3A_301, %get3A_302] {strides = array<i32>} : memref<256x128xf32, #tpu.memory_space<vmem>>, vector<16xf32>,
      %mul3A_304 = arith.mulf %get3A_300, %get3A_303 : vector<16xf32>
      %add3A_305 = arith.addf %add3A_297, %mul3A_304 : vector<16xf32>
      %get3A_306 = arith.index_cast %add3A_282 : i32 to index
      %get3A_307 = arith.constant 112 : index
      %get3A_308 = tpu.vector_load %arg10[%get3A_306, %get3A_307] {strides = array<i32>} : memref<256x128xf32, #tpu.memory_space<vmem>>, vector<16xf32>,
      %get3A_309 = arith.index_cast %add3A_282 : i32 to index
      %get3A_310 = arith.constant 112 : index
      %get3A_311 = tpu.vector_load %arg11[%get3A_309, %get3A_310] {strides = array<i32>} : memref<256x128xf32, #tpu.memory_space<vmem>>, vector<16xf32>,
      %mul3A_312 = arith.mulf %get3A_308, %get3A_311 : vector<16xf32>
      %add3A_313 = arith.addf %add3A_305, %mul3A_312 : vector<16xf32>
      %eq3A_314 = arith.constant 5 : i32
      %eq3A_315 = vector.broadcast %eq3A_314 : i32 to vector<16xi32>
      %eq3A_316 = arith.cmpi eq, %iota3A, %eq3A_315 : vector<16xi32>
      %reduce_sum3A_317 = arith.constant true
      %reduce_sum3A_318 = vector.broadcast %reduce_sum3A_317 : i1 to vector<16xi1>
      %reduce_sum3A_319 = tpu.scan <sum>, %add3A_313 masked %reduce_sum3A_318 : vector<16xf32>, vector<16xi1> -> vector<16xf32>
      %reduce_sum3A_320 = vector.extract %reduce_sum3A_319[15] : f32 from vector<16xf32>
      %broadcast_in_dim3A_321 = vector.broadcast %reduce_sum3A_320 : f32 to vector<16xf32>
      %select_n3A_322 = arith.select %eq3A_316, %broadcast_in_dim3A_321, %select_n3A_278 : vector<16xi1>, vector<16xf32>
      %mul3A_323 = arith.constant 8 : i32
      %mul3A_324 = arith.muli %scan3A_61, %mul3A_323 : i32
      %add3A_325 = arith.constant 3 : i32
      %add3A_326 = arith.addi %mul3A_324, %add3A_325 : i32
      %get3A_327 = arith.index_cast %add3A_326 : i32 to index
      %get3A_328 = arith.constant 0 : index
      %get3A_329 = tpu.vector_load %arg10[%get3A_327, %get3A_328] {strides = array<i32>} : memref<256x128xf32, #tpu.memory_space<vmem>>, vector<16xf32>,
      %get3A_330 = arith.index_cast %add3A_326 : i32 to index
      %get3A_331 = arith.constant 0 : index
      %get3A_332 = tpu.vector_load %arg11[%get3A_330, %get3A_331] {strides = array<i32>} : memref<256x128xf32, #tpu.memory_space<vmem>>, vector<16xf32>,
      %mul3A_333 = arith.mulf %get3A_329, %get3A_332 : vector<16xf32>
      %get3A_334 = arith.index_cast %add3A_326 : i32 to index
      %get3A_335 = arith.constant 16 : index
      %get3A_336 = tpu.vector_load %arg10[%get3A_334, %get3A_335] {strides = array<i32>} : memref<256x128xf32, #tpu.memory_space<vmem>>, vector<16xf32>,
      %get3A_337 = arith.index_cast %add3A_326 : i32 to index
      %get3A_338 = arith.constant 16 : index
      %get3A_339 = tpu.vector_load %arg11[%get3A_337, %get3A_338] {strides = array<i32>} : memref<256x128xf32, #tpu.memory_space<vmem>>, vector<16xf32>,
      %mul3A_340 = arith.mulf %get3A_336, %get3A_339 : vector<16xf32>
      %add3A_341 = arith.addf %mul3A_333, %mul3A_340 : vector<16xf32>
      %get3A_342 = arith.index_cast %add3A_326 : i32 to index
      %get3A_343 = arith.constant 32 : index
      %get3A_344 = tpu.vector_load %arg10[%get3A_342, %get3A_343] {strides = array<i32>} : memref<256x128xf32, #tpu.memory_space<vmem>>, vector<16xf32>,
      %get3A_345 = arith.index_cast %add3A_326 : i32 to index
      %get3A_346 = arith.constant 32 : index
      %get3A_347 = tpu.vector_load %arg11[%get3A_345, %get3A_346] {strides = array<i32>} : memref<256x128xf32, #tpu.memory_space<vmem>>, vector<16xf32>,
      %mul3A_348 = arith.mulf %get3A_344, %get3A_347 : vector<16xf32>
      %add3A_349 = arith.addf %add3A_341, %mul3A_348 : vector<16xf32>
      %get3A_350 = arith.index_cast %add3A_326 : i32 to index
      %get3A_351 = arith.constant 48 : index
      %get3A_352 = tpu.vector_load %arg10[%get3A_350, %get3A_351] {strides = array<i32>} : memref<256x128xf32, #tpu.memory_space<vmem>>, vector<16xf32>,
      %get3A_353 = arith.index_cast %add3A_326 : i32 to index
      %get3A_354 = arith.constant 48 : index
      %get3A_355 = tpu.vector_load %arg11[%get3A_353, %get3A_354] {strides = array<i32>} : memref<256x128xf32, #tpu.memory_space<vmem>>, vector<16xf32>,
      %mul3A_356 = arith.mulf %get3A_352, %get3A_355 : vector<16xf32>
      %add3A_357 = arith.addf %add3A_349, %mul3A_356 : vector<16xf32>
      %eq3A_358 = arith.constant 6 : i32
      %eq3A_359 = vector.broadcast %eq3A_358 : i32 to vector<16xi32>
      %eq3A_360 = arith.cmpi eq, %iota3A, %eq3A_359 : vector<16xi32>
      %reduce_sum3A_361 = arith.constant true
      %reduce_sum3A_362 = vector.broadcast %reduce_sum3A_361 : i1 to vector<16xi1>
      %reduce_sum3A_363 = tpu.scan <sum>, %add3A_357 masked %reduce_sum3A_362 : vector<16xf32>, vector<16xi1> -> vector<16xf32>
      %reduce_sum3A_364 = vector.extract %reduce_sum3A_363[15] : f32 from vector<16xf32>
      %broadcast_in_dim3A_365 = vector.broadcast %reduce_sum3A_364 : f32 to vector<16xf32>
      %select_n3A_366 = arith.select %eq3A_360, %broadcast_in_dim3A_365, %select_n3A_322 : vector<16xi1>, vector<16xf32>
      %mul3A_367 = arith.constant 8 : i32
      %mul3A_368 = arith.muli %scan3A_61, %mul3A_367 : i32
      %add3A_369 = arith.constant 3 : i32
      %add3A_370 = arith.addi %mul3A_368, %add3A_369 : i32
      %get3A_371 = arith.index_cast %add3A_370 : i32 to index
      %get3A_372 = arith.constant 64 : index
      %get3A_373 = tpu.vector_load %arg10[%get3A_371, %get3A_372] {strides = array<i32>} : memref<256x128xf32, #tpu.memory_space<vmem>>, vector<16xf32>,
      %get3A_374 = arith.index_cast %add3A_370 : i32 to index
      %get3A_375 = arith.constant 64 : index
      %get3A_376 = tpu.vector_load %arg11[%get3A_374, %get3A_375] {strides = array<i32>} : memref<256x128xf32, #tpu.memory_space<vmem>>, vector<16xf32>,
      %mul3A_377 = arith.mulf %get3A_373, %get3A_376 : vector<16xf32>
      %get3A_378 = arith.index_cast %add3A_370 : i32 to index
      %get3A_379 = arith.constant 80 : index
      %get3A_380 = tpu.vector_load %arg10[%get3A_378, %get3A_379] {strides = array<i32>} : memref<256x128xf32, #tpu.memory_space<vmem>>, vector<16xf32>,
      %get3A_381 = arith.index_cast %add3A_370 : i32 to index
      %get3A_382 = arith.constant 80 : index
      %get3A_383 = tpu.vector_load %arg11[%get3A_381, %get3A_382] {strides = array<i32>} : memref<256x128xf32, #tpu.memory_space<vmem>>, vector<16xf32>,
      %mul3A_384 = arith.mulf %get3A_380, %get3A_383 : vector<16xf32>
      %add3A_385 = arith.addf %mul3A_377, %mul3A_384 : vector<16xf32>
      %get3A_386 = arith.index_cast %add3A_370 : i32 to index
      %get3A_387 = arith.constant 96 : index
      %get3A_388 = tpu.vector_load %arg10[%get3A_386, %get3A_387] {strides = array<i32>} : memref<256x128xf32, #tpu.memory_space<vmem>>, vector<16xf32>,
      %get3A_389 = arith.index_cast %add3A_370 : i32 to index
      %get3A_390 = arith.constant 96 : index
      %get3A_391 = tpu.vector_load %arg11[%get3A_389, %get3A_390] {strides = array<i32>} : memref<256x128xf32, #tpu.memory_space<vmem>>, vector<16xf32>,
      %mul3A_392 = arith.mulf %get3A_388, %get3A_391 : vector<16xf32>
      %add3A_393 = arith.addf %add3A_385, %mul3A_392 : vector<16xf32>
      %get3A_394 = arith.index_cast %add3A_370 : i32 to index
      %get3A_395 = arith.constant 112 : index
      %get3A_396 = tpu.vector_load %arg10[%get3A_394, %get3A_395] {strides = array<i32>} : memref<256x128xf32, #tpu.memory_space<vmem>>, vector<16xf32>,
      %get3A_397 = arith.index_cast %add3A_370 : i32 to index
      %get3A_398 = arith.constant 112 : index
      %get3A_399 = tpu.vector_load %arg11[%get3A_397, %get3A_398] {strides = array<i32>} : memref<256x128xf32, #tpu.memory_space<vmem>>, vector<16xf32>,
      %mul3A_400 = arith.mulf %get3A_396, %get3A_399 : vector<16xf32>
      %add3A_401 = arith.addf %add3A_393, %mul3A_400 : vector<16xf32>
      %eq3A_402 = arith.constant 7 : i32
      %eq3A_403 = vector.broadcast %eq3A_402 : i32 to vector<16xi32>
      %eq3A_404 = arith.cmpi eq, %iota3A, %eq3A_403 : vector<16xi32>
      %reduce_sum3A_405 = arith.constant true
      %reduce_sum3A_406 = vector.broadcast %reduce_sum3A_405 : i1 to vector<16xi1>
      %reduce_sum3A_407 = tpu.scan <sum>, %add3A_401 masked %reduce_sum3A_406 : vector<16xf32>, vector<16xi1> -> vector<16xf32>
      %reduce_sum3A_408 = vector.extract %reduce_sum3A_407[15] : f32 from vector<16xf32>
      %broadcast_in_dim3A_409 = vector.broadcast %reduce_sum3A_408 : f32 to vector<16xf32>
      %select_n3A_410 = arith.select %eq3A_404, %broadcast_in_dim3A_409, %select_n3A_366 : vector<16xi1>, vector<16xf32>
      %mul3A_411 = arith.constant 8 : i32
      %mul3A_412 = arith.muli %scan3A_61, %mul3A_411 : i32
      %add3A_413 = arith.constant 4 : i32
      %add3A_414 = arith.addi %mul3A_412, %add3A_413 : i32
      %get3A_415 = arith.index_cast %add3A_414 : i32 to index
      %get3A_416 = arith.constant 0 : index
      %get3A_417 = tpu.vector_load %arg10[%get3A_415, %get3A_416] {strides = array<i32>} : memref<256x128xf32, #tpu.memory_space<vmem>>, vector<16xf32>,
      %get3A_418 = arith.index_cast %add3A_414 : i32 to index
      %get3A_419 = arith.constant 0 : index
      %get3A_420 = tpu.vector_load %arg11[%get3A_418, %get3A_419] {strides = array<i32>} : memref<256x128xf32, #tpu.memory_space<vmem>>, vector<16xf32>,
      %mul3A_421 = arith.mulf %get3A_417, %get3A_420 : vector<16xf32>
      %get3A_422 = arith.index_cast %add3A_414 : i32 to index
      %get3A_423 = arith.constant 16 : index
      %get3A_424 = tpu.vector_load %arg10[%get3A_422, %get3A_423] {strides = array<i32>} : memref<256x128xf32, #tpu.memory_space<vmem>>, vector<16xf32>,
      %get3A_425 = arith.index_cast %add3A_414 : i32 to index
      %get3A_426 = arith.constant 16 : index
      %get3A_427 = tpu.vector_load %arg11[%get3A_425, %get3A_426] {strides = array<i32>} : memref<256x128xf32, #tpu.memory_space<vmem>>, vector<16xf32>,
      %mul3A_428 = arith.mulf %get3A_424, %get3A_427 : vector<16xf32>
      %add3A_429 = arith.addf %mul3A_421, %mul3A_428 : vector<16xf32>
      %get3A_430 = arith.index_cast %add3A_414 : i32 to index
      %get3A_431 = arith.constant 32 : index
      %get3A_432 = tpu.vector_load %arg10[%get3A_430, %get3A_431] {strides = array<i32>} : memref<256x128xf32, #tpu.memory_space<vmem>>, vector<16xf32>,
      %get3A_433 = arith.index_cast %add3A_414 : i32 to index
      %get3A_434 = arith.constant 32 : index
      %get3A_435 = tpu.vector_load %arg11[%get3A_433, %get3A_434] {strides = array<i32>} : memref<256x128xf32, #tpu.memory_space<vmem>>, vector<16xf32>,
      %mul3A_436 = arith.mulf %get3A_432, %get3A_435 : vector<16xf32>
      %add3A_437 = arith.addf %add3A_429, %mul3A_436 : vector<16xf32>
      %get3A_438 = arith.index_cast %add3A_414 : i32 to index
      %get3A_439 = arith.constant 48 : index
      %get3A_440 = tpu.vector_load %arg10[%get3A_438, %get3A_439] {strides = array<i32>} : memref<256x128xf32, #tpu.memory_space<vmem>>, vector<16xf32>,
      %get3A_441 = arith.index_cast %add3A_414 : i32 to index
      %get3A_442 = arith.constant 48 : index
      %get3A_443 = tpu.vector_load %arg11[%get3A_441, %get3A_442] {strides = array<i32>} : memref<256x128xf32, #tpu.memory_space<vmem>>, vector<16xf32>,
      %mul3A_444 = arith.mulf %get3A_440, %get3A_443 : vector<16xf32>
      %add3A_445 = arith.addf %add3A_437, %mul3A_444 : vector<16xf32>
      %eq3A_446 = arith.constant 8 : i32
      %eq3A_447 = vector.broadcast %eq3A_446 : i32 to vector<16xi32>
      %eq3A_448 = arith.cmpi eq, %iota3A, %eq3A_447 : vector<16xi32>
      %reduce_sum3A_449 = arith.constant true
      %reduce_sum3A_450 = vector.broadcast %reduce_sum3A_449 : i1 to vector<16xi1>
      %reduce_sum3A_451 = tpu.scan <sum>, %add3A_445 masked %reduce_sum3A_450 : vector<16xf32>, vector<16xi1> -> vector<16xf32>
      %reduce_sum3A_452 = vector.extract %reduce_sum3A_451[15] : f32 from vector<16xf32>
      %broadcast_in_dim3A_453 = vector.broadcast %reduce_sum3A_452 : f32 to vector<16xf32>
      %select_n3A_454 = arith.select %eq3A_448, %broadcast_in_dim3A_453, %select_n3A_410 : vector<16xi1>, vector<16xf32>
      %mul3A_455 = arith.constant 8 : i32
      %mul3A_456 = arith.muli %scan3A_61, %mul3A_455 : i32
      %add3A_457 = arith.constant 4 : i32
      %add3A_458 = arith.addi %mul3A_456, %add3A_457 : i32
      %get3A_459 = arith.index_cast %add3A_458 : i32 to index
      %get3A_460 = arith.constant 64 : index
      %get3A_461 = tpu.vector_load %arg10[%get3A_459, %get3A_460] {strides = array<i32>} : memref<256x128xf32, #tpu.memory_space<vmem>>, vector<16xf32>,
      %get3A_462 = arith.index_cast %add3A_458 : i32 to index
      %get3A_463 = arith.constant 64 : index
      %get3A_464 = tpu.vector_load %arg11[%get3A_462, %get3A_463] {strides = array<i32>} : memref<256x128xf32, #tpu.memory_space<vmem>>, vector<16xf32>,
      %mul3A_465 = arith.mulf %get3A_461, %get3A_464 : vector<16xf32>
      %get3A_466 = arith.index_cast %add3A_458 : i32 to index
      %get3A_467 = arith.constant 80 : index
      %get3A_468 = tpu.vector_load %arg10[%get3A_466, %get3A_467] {strides = array<i32>} : memref<256x128xf32, #tpu.memory_space<vmem>>, vector<16xf32>,
      %get3A_469 = arith.index_cast %add3A_458 : i32 to index
      %get3A_470 = arith.constant 80 : index
      %get3A_471 = tpu.vector_load %arg11[%get3A_469, %get3A_470] {strides = array<i32>} : memref<256x128xf32, #tpu.memory_space<vmem>>, vector<16xf32>,
      %mul3A_472 = arith.mulf %get3A_468, %get3A_471 : vector<16xf32>
      %add3A_473 = arith.addf %mul3A_465, %mul3A_472 : vector<16xf32>
      %get3A_474 = arith.index_cast %add3A_458 : i32 to index
      %get3A_475 = arith.constant 96 : index
      %get3A_476 = tpu.vector_load %arg10[%get3A_474, %get3A_475] {strides = array<i32>} : memref<256x128xf32, #tpu.memory_space<vmem>>, vector<16xf32>,
      %get3A_477 = arith.index_cast %add3A_458 : i32 to index
      %get3A_478 = arith.constant 96 : index
      %get3A_479 = tpu.vector_load %arg11[%get3A_477, %get3A_478] {strides = array<i32>} : memref<256x128xf32, #tpu.memory_space<vmem>>, vector<16xf32>,
      %mul3A_480 = arith.mulf %get3A_476, %get3A_479 : vector<16xf32>
      %add3A_481 = arith.addf %add3A_473, %mul3A_480 : vector<16xf32>
      %get3A_482 = arith.index_cast %add3A_458 : i32 to index
      %get3A_483 = arith.constant 112 : index
      %get3A_484 = tpu.vector_load %arg10[%get3A_482, %get3A_483] {strides = array<i32>} : memref<256x128xf32, #tpu.memory_space<vmem>>, vector<16xf32>,
      %get3A_485 = arith.index_cast %add3A_458 : i32 to index
      %get3A_486 = arith.constant 112 : index
      %get3A_487 = tpu.vector_load %arg11[%get3A_485, %get3A_486] {strides = array<i32>} : memref<256x128xf32, #tpu.memory_space<vmem>>, vector<16xf32>,
      %mul3A_488 = arith.mulf %get3A_484, %get3A_487 : vector<16xf32>
      %add3A_489 = arith.addf %add3A_481, %mul3A_488 : vector<16xf32>
      %eq3A_490 = arith.constant 9 : i32
      %eq3A_491 = vector.broadcast %eq3A_490 : i32 to vector<16xi32>
      %eq3A_492 = arith.cmpi eq, %iota3A, %eq3A_491 : vector<16xi32>
      %reduce_sum3A_493 = arith.constant true
      %reduce_sum3A_494 = vector.broadcast %reduce_sum3A_493 : i1 to vector<16xi1>
      %reduce_sum3A_495 = tpu.scan <sum>, %add3A_489 masked %reduce_sum3A_494 : vector<16xf32>, vector<16xi1> -> vector<16xf32>
      %reduce_sum3A_496 = vector.extract %reduce_sum3A_495[15] : f32 from vector<16xf32>
      %broadcast_in_dim3A_497 = vector.broadcast %reduce_sum3A_496 : f32 to vector<16xf32>
      %select_n3A_498 = arith.select %eq3A_492, %broadcast_in_dim3A_497, %select_n3A_454 : vector<16xi1>, vector<16xf32>
      %mul3A_499 = arith.constant 8 : i32
      %mul3A_500 = arith.muli %scan3A_61, %mul3A_499 : i32
      %add3A_501 = arith.constant 5 : i32
      %add3A_502 = arith.addi %mul3A_500, %add3A_501 : i32
      %get3A_503 = arith.index_cast %add3A_502 : i32 to index
      %get3A_504 = arith.constant 0 : index
      %get3A_505 = tpu.vector_load %arg10[%get3A_503, %get3A_504] {strides = array<i32>} : memref<256x128xf32, #tpu.memory_space<vmem>>, vector<16xf32>,
      %get3A_506 = arith.index_cast %add3A_502 : i32 to index
      %get3A_507 = arith.constant 0 : index
      %get3A_508 = tpu.vector_load %arg11[%get3A_506, %get3A_507] {strides = array<i32>} : memref<256x128xf32, #tpu.memory_space<vmem>>, vector<16xf32>,
      %mul3A_509 = arith.mulf %get3A_505, %get3A_508 : vector<16xf32>
      %get3A_510 = arith.index_cast %add3A_502 : i32 to index
      %get3A_511 = arith.constant 16 : index
      %get3A_512 = tpu.vector_load %arg10[%get3A_510, %get3A_511] {strides = array<i32>} : memref<256x128xf32, #tpu.memory_space<vmem>>, vector<16xf32>,
      %get3A_513 = arith.index_cast %add3A_502 : i32 to index
      %get3A_514 = arith.constant 16 : index
      %get3A_515 = tpu.vector_load %arg11[%get3A_513, %get3A_514] {strides = array<i32>} : memref<256x128xf32, #tpu.memory_space<vmem>>, vector<16xf32>,
      %mul3A_516 = arith.mulf %get3A_512, %get3A_515 : vector<16xf32>
      %add3A_517 = arith.addf %mul3A_509, %mul3A_516 : vector<16xf32>
      %get3A_518 = arith.index_cast %add3A_502 : i32 to index
      %get3A_519 = arith.constant 32 : index
      %get3A_520 = tpu.vector_load %arg10[%get3A_518, %get3A_519] {strides = array<i32>} : memref<256x128xf32, #tpu.memory_space<vmem>>, vector<16xf32>,
      %get3A_521 = arith.index_cast %add3A_502 : i32 to index
      %get3A_522 = arith.constant 32 : index
      %get3A_523 = tpu.vector_load %arg11[%get3A_521, %get3A_522] {strides = array<i32>} : memref<256x128xf32, #tpu.memory_space<vmem>>, vector<16xf32>,
      %mul3A_524 = arith.mulf %get3A_520, %get3A_523 : vector<16xf32>
      %add3A_525 = arith.addf %add3A_517, %mul3A_524 : vector<16xf32>
      %get3A_526 = arith.index_cast %add3A_502 : i32 to index
      %get3A_527 = arith.constant 48 : index
      %get3A_528 = tpu.vector_load %arg10[%get3A_526, %get3A_527] {strides = array<i32>} : memref<256x128xf32, #tpu.memory_space<vmem>>, vector<16xf32>,
      %get3A_529 = arith.index_cast %add3A_502 : i32 to index
      %get3A_530 = arith.constant 48 : index
      %get3A_531 = tpu.vector_load %arg11[%get3A_529, %get3A_530] {strides = array<i32>} : memref<256x128xf32, #tpu.memory_space<vmem>>, vector<16xf32>,
      %mul3A_532 = arith.mulf %get3A_528, %get3A_531 : vector<16xf32>
      %add3A_533 = arith.addf %add3A_525, %mul3A_532 : vector<16xf32>
      %eq3A_534 = arith.constant 10 : i32
      %eq3A_535 = vector.broadcast %eq3A_534 : i32 to vector<16xi32>
      %eq3A_536 = arith.cmpi eq, %iota3A, %eq3A_535 : vector<16xi32>
      %reduce_sum3A_537 = arith.constant true
      %reduce_sum3A_538 = vector.broadcast %reduce_sum3A_537 : i1 to vector<16xi1>
      %reduce_sum3A_539 = tpu.scan <sum>, %add3A_533 masked %reduce_sum3A_538 : vector<16xf32>, vector<16xi1> -> vector<16xf32>
      %reduce_sum3A_540 = vector.extract %reduce_sum3A_539[15] : f32 from vector<16xf32>
      %broadcast_in_dim3A_541 = vector.broadcast %reduce_sum3A_540 : f32 to vector<16xf32>
      %select_n3A_542 = arith.select %eq3A_536, %broadcast_in_dim3A_541, %select_n3A_498 : vector<16xi1>, vector<16xf32>
      %mul3A_543 = arith.constant 8 : i32
      %mul3A_544 = arith.muli %scan3A_61, %mul3A_543 : i32
      %add3A_545 = arith.constant 5 : i32
      %add3A_546 = arith.addi %mul3A_544, %add3A_545 : i32
      %get3A_547 = arith.index_cast %add3A_546 : i32 to index
      %get3A_548 = arith.constant 64 : index
      %get3A_549 = tpu.vector_load %arg10[%get3A_547, %get3A_548] {strides = array<i32>} : memref<256x128xf32, #tpu.memory_space<vmem>>, vector<16xf32>,
      %get3A_550 = arith.index_cast %add3A_546 : i32 to index
      %get3A_551 = arith.constant 64 : index
      %get3A_552 = tpu.vector_load %arg11[%get3A_550, %get3A_551] {strides = array<i32>} : memref<256x128xf32, #tpu.memory_space<vmem>>, vector<16xf32>,
      %mul3A_553 = arith.mulf %get3A_549, %get3A_552 : vector<16xf32>
      %get3A_554 = arith.index_cast %add3A_546 : i32 to index
      %get3A_555 = arith.constant 80 : index
      %get3A_556 = tpu.vector_load %arg10[%get3A_554, %get3A_555] {strides = array<i32>} : memref<256x128xf32, #tpu.memory_space<vmem>>, vector<16xf32>,
      %get3A_557 = arith.index_cast %add3A_546 : i32 to index
      %get3A_558 = arith.constant 80 : index
      %get3A_559 = tpu.vector_load %arg11[%get3A_557, %get3A_558] {strides = array<i32>} : memref<256x128xf32, #tpu.memory_space<vmem>>, vector<16xf32>,
      %mul3A_560 = arith.mulf %get3A_556, %get3A_559 : vector<16xf32>
      %add3A_561 = arith.addf %mul3A_553, %mul3A_560 : vector<16xf32>
      %get3A_562 = arith.index_cast %add3A_546 : i32 to index
      %get3A_563 = arith.constant 96 : index
      %get3A_564 = tpu.vector_load %arg10[%get3A_562, %get3A_563] {strides = array<i32>} : memref<256x128xf32, #tpu.memory_space<vmem>>, vector<16xf32>,
      %get3A_565 = arith.index_cast %add3A_546 : i32 to index
      %get3A_566 = arith.constant 96 : index
      %get3A_567 = tpu.vector_load %arg11[%get3A_565, %get3A_566] {strides = array<i32>} : memref<256x128xf32, #tpu.memory_space<vmem>>, vector<16xf32>,
      %mul3A_568 = arith.mulf %get3A_564, %get3A_567 : vector<16xf32>
      %add3A_569 = arith.addf %add3A_561, %mul3A_568 : vector<16xf32>
      %get3A_570 = arith.index_cast %add3A_546 : i32 to index
      %get3A_571 = arith.constant 112 : index
      %get3A_572 = tpu.vector_load %arg10[%get3A_570, %get3A_571] {strides = array<i32>} : memref<256x128xf32, #tpu.memory_space<vmem>>, vector<16xf32>,
      %get3A_573 = arith.index_cast %add3A_546 : i32 to index
      %get3A_574 = arith.constant 112 : index
      %get3A_575 = tpu.vector_load %arg11[%get3A_573, %get3A_574] {strides = array<i32>} : memref<256x128xf32, #tpu.memory_space<vmem>>, vector<16xf32>,
      %mul3A_576 = arith.mulf %get3A_572, %get3A_575 : vector<16xf32>
      %add3A_577 = arith.addf %add3A_569, %mul3A_576 : vector<16xf32>
      %eq3A_578 = arith.constant 11 : i32
      %eq3A_579 = vector.broadcast %eq3A_578 : i32 to vector<16xi32>
      %eq3A_580 = arith.cmpi eq, %iota3A, %eq3A_579 : vector<16xi32>
      %reduce_sum3A_581 = arith.constant true
      %reduce_sum3A_582 = vector.broadcast %reduce_sum3A_581 : i1 to vector<16xi1>
      %reduce_sum3A_583 = tpu.scan <sum>, %add3A_577 masked %reduce_sum3A_582 : vector<16xf32>, vector<16xi1> -> vector<16xf32>
      %reduce_sum3A_584 = vector.extract %reduce_sum3A_583[15] : f32 from vector<16xf32>
      %broadcast_in_dim3A_585 = vector.broadcast %reduce_sum3A_584 : f32 to vector<16xf32>
      %select_n3A_586 = arith.select %eq3A_580, %broadcast_in_dim3A_585, %select_n3A_542 : vector<16xi1>, vector<16xf32>
      %mul3A_587 = arith.constant 8 : i32
      %mul3A_588 = arith.muli %scan3A_61, %mul3A_587 : i32
      %add3A_589 = arith.constant 6 : i32
      %add3A_590 = arith.addi %mul3A_588, %add3A_589 : i32
      %get3A_591 = arith.index_cast %add3A_590 : i32 to index
      %get3A_592 = arith.constant 0 : index
      %get3A_593 = tpu.vector_load %arg10[%get3A_591, %get3A_592] {strides = array<i32>} : memref<256x128xf32, #tpu.memory_space<vmem>>, vector<16xf32>,
      %get3A_594 = arith.index_cast %add3A_590 : i32 to index
      %get3A_595 = arith.constant 0 : index
      %get3A_596 = tpu.vector_load %arg11[%get3A_594, %get3A_595] {strides = array<i32>} : memref<256x128xf32, #tpu.memory_space<vmem>>, vector<16xf32>,
      %mul3A_597 = arith.mulf %get3A_593, %get3A_596 : vector<16xf32>
      %get3A_598 = arith.index_cast %add3A_590 : i32 to index
      %get3A_599 = arith.constant 16 : index
      %get3A_600 = tpu.vector_load %arg10[%get3A_598, %get3A_599] {strides = array<i32>} : memref<256x128xf32, #tpu.memory_space<vmem>>, vector<16xf32>,
      %get3A_601 = arith.index_cast %add3A_590 : i32 to index
      %get3A_602 = arith.constant 16 : index
      %get3A_603 = tpu.vector_load %arg11[%get3A_601, %get3A_602] {strides = array<i32>} : memref<256x128xf32, #tpu.memory_space<vmem>>, vector<16xf32>,
      %mul3A_604 = arith.mulf %get3A_600, %get3A_603 : vector<16xf32>
      %add3A_605 = arith.addf %mul3A_597, %mul3A_604 : vector<16xf32>
      %get3A_606 = arith.index_cast %add3A_590 : i32 to index
      %get3A_607 = arith.constant 32 : index
      %get3A_608 = tpu.vector_load %arg10[%get3A_606, %get3A_607] {strides = array<i32>} : memref<256x128xf32, #tpu.memory_space<vmem>>, vector<16xf32>,
      %get3A_609 = arith.index_cast %add3A_590 : i32 to index
      %get3A_610 = arith.constant 32 : index
      %get3A_611 = tpu.vector_load %arg11[%get3A_609, %get3A_610] {strides = array<i32>} : memref<256x128xf32, #tpu.memory_space<vmem>>, vector<16xf32>,
      %mul3A_612 = arith.mulf %get3A_608, %get3A_611 : vector<16xf32>
      %add3A_613 = arith.addf %add3A_605, %mul3A_612 : vector<16xf32>
      %get3A_614 = arith.index_cast %add3A_590 : i32 to index
      %get3A_615 = arith.constant 48 : index
      %get3A_616 = tpu.vector_load %arg10[%get3A_614, %get3A_615] {strides = array<i32>} : memref<256x128xf32, #tpu.memory_space<vmem>>, vector<16xf32>,
      %get3A_617 = arith.index_cast %add3A_590 : i32 to index
      %get3A_618 = arith.constant 48 : index
      %get3A_619 = tpu.vector_load %arg11[%get3A_617, %get3A_618] {strides = array<i32>} : memref<256x128xf32, #tpu.memory_space<vmem>>, vector<16xf32>,
      %mul3A_620 = arith.mulf %get3A_616, %get3A_619 : vector<16xf32>
      %add3A_621 = arith.addf %add3A_613, %mul3A_620 : vector<16xf32>
      %eq3A_622 = arith.constant 12 : i32
      %eq3A_623 = vector.broadcast %eq3A_622 : i32 to vector<16xi32>
      %eq3A_624 = arith.cmpi eq, %iota3A, %eq3A_623 : vector<16xi32>
      %reduce_sum3A_625 = arith.constant true
      %reduce_sum3A_626 = vector.broadcast %reduce_sum3A_625 : i1 to vector<16xi1>
      %reduce_sum3A_627 = tpu.scan <sum>, %add3A_621 masked %reduce_sum3A_626 : vector<16xf32>, vector<16xi1> -> vector<16xf32>
      %reduce_sum3A_628 = vector.extract %reduce_sum3A_627[15] : f32 from vector<16xf32>
      %broadcast_in_dim3A_629 = vector.broadcast %reduce_sum3A_628 : f32 to vector<16xf32>
      %select_n3A_630 = arith.select %eq3A_624, %broadcast_in_dim3A_629, %select_n3A_586 : vector<16xi1>, vector<16xf32>
      %mul3A_631 = arith.constant 8 : i32
      %mul3A_632 = arith.muli %scan3A_61, %mul3A_631 : i32
      %add3A_633 = arith.constant 6 : i32
      %add3A_634 = arith.addi %mul3A_632, %add3A_633 : i32
      %get3A_635 = arith.index_cast %add3A_634 : i32 to index
      %get3A_636 = arith.constant 64 : index
      %get3A_637 = tpu.vector_load %arg10[%get3A_635, %get3A_636] {strides = array<i32>} : memref<256x128xf32, #tpu.memory_space<vmem>>, vector<16xf32>,
      %get3A_638 = arith.index_cast %add3A_634 : i32 to index
      %get3A_639 = arith.constant 64 : index
      %get3A_640 = tpu.vector_load %arg11[%get3A_638, %get3A_639] {strides = array<i32>} : memref<256x128xf32, #tpu.memory_space<vmem>>, vector<16xf32>,
      %mul3A_641 = arith.mulf %get3A_637, %get3A_640 : vector<16xf32>
      %get3A_642 = arith.index_cast %add3A_634 : i32 to index
      %get3A_643 = arith.constant 80 : index
      %get3A_644 = tpu.vector_load %arg10[%get3A_642, %get3A_643] {strides = array<i32>} : memref<256x128xf32, #tpu.memory_space<vmem>>, vector<16xf32>,
      %get3A_645 = arith.index_cast %add3A_634 : i32 to index
      %get3A_646 = arith.constant 80 : index
      %get3A_647 = tpu.vector_load %arg11[%get3A_645, %get3A_646] {strides = array<i32>} : memref<256x128xf32, #tpu.memory_space<vmem>>, vector<16xf32>,
      %mul3A_648 = arith.mulf %get3A_644, %get3A_647 : vector<16xf32>
      %add3A_649 = arith.addf %mul3A_641, %mul3A_648 : vector<16xf32>
      %get3A_650 = arith.index_cast %add3A_634 : i32 to index
      %get3A_651 = arith.constant 96 : index
      %get3A_652 = tpu.vector_load %arg10[%get3A_650, %get3A_651] {strides = array<i32>} : memref<256x128xf32, #tpu.memory_space<vmem>>, vector<16xf32>,
      %get3A_653 = arith.index_cast %add3A_634 : i32 to index
      %get3A_654 = arith.constant 96 : index
      %get3A_655 = tpu.vector_load %arg11[%get3A_653, %get3A_654] {strides = array<i32>} : memref<256x128xf32, #tpu.memory_space<vmem>>, vector<16xf32>,
      %mul3A_656 = arith.mulf %get3A_652, %get3A_655 : vector<16xf32>
      %add3A_657 = arith.addf %add3A_649, %mul3A_656 : vector<16xf32>
      %get3A_658 = arith.index_cast %add3A_634 : i32 to index
      %get3A_659 = arith.constant 112 : index
      %get3A_660 = tpu.vector_load %arg10[%get3A_658, %get3A_659] {strides = array<i32>} : memref<256x128xf32, #tpu.memory_space<vmem>>, vector<16xf32>,
      %get3A_661 = arith.index_cast %add3A_634 : i32 to index
      %get3A_662 = arith.constant 112 : index
      %get3A_663 = tpu.vector_load %arg11[%get3A_661, %get3A_662] {strides = array<i32>} : memref<256x128xf32, #tpu.memory_space<vmem>>, vector<16xf32>,
      %mul3A_664 = arith.mulf %get3A_660, %get3A_663 : vector<16xf32>
      %add3A_665 = arith.addf %add3A_657, %mul3A_664 : vector<16xf32>
      %eq3A_666 = arith.constant 13 : i32
      %eq3A_667 = vector.broadcast %eq3A_666 : i32 to vector<16xi32>
      %eq3A_668 = arith.cmpi eq, %iota3A, %eq3A_667 : vector<16xi32>
      %reduce_sum3A_669 = arith.constant true
      %reduce_sum3A_670 = vector.broadcast %reduce_sum3A_669 : i1 to vector<16xi1>
      %reduce_sum3A_671 = tpu.scan <sum>, %add3A_665 masked %reduce_sum3A_670 : vector<16xf32>, vector<16xi1> -> vector<16xf32>
      %reduce_sum3A_672 = vector.extract %reduce_sum3A_671[15] : f32 from vector<16xf32>
      %broadcast_in_dim3A_673 = vector.broadcast %reduce_sum3A_672 : f32 to vector<16xf32>
      %select_n3A_674 = arith.select %eq3A_668, %broadcast_in_dim3A_673, %select_n3A_630 : vector<16xi1>, vector<16xf32>
      %mul3A_675 = arith.constant 8 : i32
      %mul3A_676 = arith.muli %scan3A_61, %mul3A_675 : i32
      %add3A_677 = arith.constant 7 : i32
      %add3A_678 = arith.addi %mul3A_676, %add3A_677 : i32
      %get3A_679 = arith.index_cast %add3A_678 : i32 to index
      %get3A_680 = arith.constant 0 : index
      %get3A_681 = tpu.vector_load %arg10[%get3A_679, %get3A_680] {strides = array<i32>} : memref<256x128xf32, #tpu.memory_space<vmem>>, vector<16xf32>,
      %get3A_682 = arith.index_cast %add3A_678 : i32 to index
      %get3A_683 = arith.constant 0 : index
      %get3A_684 = tpu.vector_load %arg11[%get3A_682, %get3A_683] {strides = array<i32>} : memref<256x128xf32, #tpu.memory_space<vmem>>, vector<16xf32>,
      %mul3A_685 = arith.mulf %get3A_681, %get3A_684 : vector<16xf32>
      %get3A_686 = arith.index_cast %add3A_678 : i32 to index
      %get3A_687 = arith.constant 16 : index
      %get3A_688 = tpu.vector_load %arg10[%get3A_686, %get3A_687] {strides = array<i32>} : memref<256x128xf32, #tpu.memory_space<vmem>>, vector<16xf32>,
      %get3A_689 = arith.index_cast %add3A_678 : i32 to index
      %get3A_690 = arith.constant 16 : index
      %get3A_691 = tpu.vector_load %arg11[%get3A_689, %get3A_690] {strides = array<i32>} : memref<256x128xf32, #tpu.memory_space<vmem>>, vector<16xf32>,
      %mul3A_692 = arith.mulf %get3A_688, %get3A_691 : vector<16xf32>
      %add3A_693 = arith.addf %mul3A_685, %mul3A_692 : vector<16xf32>
      %get3A_694 = arith.index_cast %add3A_678 : i32 to index
      %get3A_695 = arith.constant 32 : index
      %get3A_696 = tpu.vector_load %arg10[%get3A_694, %get3A_695] {strides = array<i32>} : memref<256x128xf32, #tpu.memory_space<vmem>>, vector<16xf32>,
      %get3A_697 = arith.index_cast %add3A_678 : i32 to index
      %get3A_698 = arith.constant 32 : index
      %get3A_699 = tpu.vector_load %arg11[%get3A_697, %get3A_698] {strides = array<i32>} : memref<256x128xf32, #tpu.memory_space<vmem>>, vector<16xf32>,
      %mul3A_700 = arith.mulf %get3A_696, %get3A_699 : vector<16xf32>
      %add3A_701 = arith.addf %add3A_693, %mul3A_700 : vector<16xf32>
      %get3A_702 = arith.index_cast %add3A_678 : i32 to index
      %get3A_703 = arith.constant 48 : index
      %get3A_704 = tpu.vector_load %arg10[%get3A_702, %get3A_703] {strides = array<i32>} : memref<256x128xf32, #tpu.memory_space<vmem>>, vector<16xf32>,
      %get3A_705 = arith.index_cast %add3A_678 : i32 to index
      %get3A_706 = arith.constant 48 : index
      %get3A_707 = tpu.vector_load %arg11[%get3A_705, %get3A_706] {strides = array<i32>} : memref<256x128xf32, #tpu.memory_space<vmem>>, vector<16xf32>,
      %mul3A_708 = arith.mulf %get3A_704, %get3A_707 : vector<16xf32>
      %add3A_709 = arith.addf %add3A_701, %mul3A_708 : vector<16xf32>
      %eq3A_710 = arith.constant 14 : i32
      %eq3A_711 = vector.broadcast %eq3A_710 : i32 to vector<16xi32>
      %eq3A_712 = arith.cmpi eq, %iota3A, %eq3A_711 : vector<16xi32>
      %reduce_sum3A_713 = arith.constant true
      %reduce_sum3A_714 = vector.broadcast %reduce_sum3A_713 : i1 to vector<16xi1>
      %reduce_sum3A_715 = tpu.scan <sum>, %add3A_709 masked %reduce_sum3A_714 : vector<16xf32>, vector<16xi1> -> vector<16xf32>
      %reduce_sum3A_716 = vector.extract %reduce_sum3A_715[15] : f32 from vector<16xf32>
      %broadcast_in_dim3A_717 = vector.broadcast %reduce_sum3A_716 : f32 to vector<16xf32>
      %select_n3A_718 = arith.select %eq3A_712, %broadcast_in_dim3A_717, %select_n3A_674 : vector<16xi1>, vector<16xf32>
      %mul3A_719 = arith.constant 8 : i32
      %mul3A_720 = arith.muli %scan3A_61, %mul3A_719 : i32
      %add3A_721 = arith.constant 7 : i32
      %add3A_722 = arith.addi %mul3A_720, %add3A_721 : i32
      %get3A_723 = arith.index_cast %add3A_722 : i32 to index
      %get3A_724 = arith.constant 64 : index
      %get3A_725 = tpu.vector_load %arg10[%get3A_723, %get3A_724] {strides = array<i32>} : memref<256x128xf32, #tpu.memory_space<vmem>>, vector<16xf32>,
      %get3A_726 = arith.index_cast %add3A_722 : i32 to index
      %get3A_727 = arith.constant 64 : index
      %get3A_728 = tpu.vector_load %arg11[%get3A_726, %get3A_727] {strides = array<i32>} : memref<256x128xf32, #tpu.memory_space<vmem>>, vector<16xf32>,
      %mul3A_729 = arith.mulf %get3A_725, %get3A_728 : vector<16xf32>
      %get3A_730 = arith.index_cast %add3A_722 : i32 to index
      %get3A_731 = arith.constant 80 : index
      %get3A_732 = tpu.vector_load %arg10[%get3A_730, %get3A_731] {strides = array<i32>} : memref<256x128xf32, #tpu.memory_space<vmem>>, vector<16xf32>,
      %get3A_733 = arith.index_cast %add3A_722 : i32 to index
      %get3A_734 = arith.constant 80 : index
      %get3A_735 = tpu.vector_load %arg11[%get3A_733, %get3A_734] {strides = array<i32>} : memref<256x128xf32, #tpu.memory_space<vmem>>, vector<16xf32>,
      %mul3A_736 = arith.mulf %get3A_732, %get3A_735 : vector<16xf32>
      %add3A_737 = arith.addf %mul3A_729, %mul3A_736 : vector<16xf32>
      %get3A_738 = arith.index_cast %add3A_722 : i32 to index
      %get3A_739 = arith.constant 96 : index
      %get3A_740 = tpu.vector_load %arg10[%get3A_738, %get3A_739] {strides = array<i32>} : memref<256x128xf32, #tpu.memory_space<vmem>>, vector<16xf32>,
      %get3A_741 = arith.index_cast %add3A_722 : i32 to index
      %get3A_742 = arith.constant 96 : index
      %get3A_743 = tpu.vector_load %arg11[%get3A_741, %get3A_742] {strides = array<i32>} : memref<256x128xf32, #tpu.memory_space<vmem>>, vector<16xf32>,
      %mul3A_744 = arith.mulf %get3A_740, %get3A_743 : vector<16xf32>
      %add3A_745 = arith.addf %add3A_737, %mul3A_744 : vector<16xf32>
      %get3A_746 = arith.index_cast %add3A_722 : i32 to index
      %get3A_747 = arith.constant 112 : index
      %get3A_748 = tpu.vector_load %arg10[%get3A_746, %get3A_747] {strides = array<i32>} : memref<256x128xf32, #tpu.memory_space<vmem>>, vector<16xf32>,
      %get3A_749 = arith.index_cast %add3A_722 : i32 to index
      %get3A_750 = arith.constant 112 : index
      %get3A_751 = tpu.vector_load %arg11[%get3A_749, %get3A_750] {strides = array<i32>} : memref<256x128xf32, #tpu.memory_space<vmem>>, vector<16xf32>,
      %mul3A_752 = arith.mulf %get3A_748, %get3A_751 : vector<16xf32>
      %add3A_753 = arith.addf %add3A_745, %mul3A_752 : vector<16xf32>
      %eq3A_754 = arith.constant 15 : i32
      %eq3A_755 = vector.broadcast %eq3A_754 : i32 to vector<16xi32>
      %eq3A_756 = arith.cmpi eq, %iota3A, %eq3A_755 : vector<16xi32>
      %reduce_sum3A_757 = arith.constant true
      %reduce_sum3A_758 = vector.broadcast %reduce_sum3A_757 : i1 to vector<16xi1>
      %reduce_sum3A_759 = tpu.scan <sum>, %add3A_753 masked %reduce_sum3A_758 : vector<16xf32>, vector<16xi1> -> vector<16xf32>
      %reduce_sum3A_760 = vector.extract %reduce_sum3A_759[15] : f32 from vector<16xf32>
      %broadcast_in_dim3A_761 = vector.broadcast %reduce_sum3A_760 : f32 to vector<16xf32>
      %select_n3A_762 = arith.select %eq3A_756, %broadcast_in_dim3A_761, %select_n3A_718 : vector<16xi1>, vector<16xf32>
      %neg3A = arith.constant 0.000000e+00 : f32
      %neg3A_763 = vector.broadcast %neg3A : f32 to vector<16xf32>
      %neg3A_764 = arith.subf %neg3A_763, %select_n3A_762 : vector<16xf32>
      %exp3A = math.exp %neg3A_764 : vector<16xf32>
      %add3A_765 = arith.constant 1.000000e+00 : f32
      %add3A_766 = vector.broadcast %add3A_765 : f32 to vector<16xf32>
      %add3A_767 = arith.addf %add3A_766, %exp3A : vector<16xf32>
      %div3A = arith.constant 1.000000e+00 : f32
      %div3A_768 = vector.broadcast %div3A : f32 to vector<16xf32>
      %div3A_769 = arith.divf %div3A_768, %add3A_767 : vector<16xf32>
      %mul3A_770 = arith.constant 16 : i32
      %mul3A_771 = arith.muli %scan3A_61, %mul3A_770 : i32
      %swap3A = arith.index_cast %mul3A_771 : i32 to index
      %swap3A_772 = tpu.vector_load %arg12[%swap3A] {strides = array<i32>} : memref<512xf32, #tpu.memory_space<vmem>>, vector<16xf32>,
      tpu.vector_store %arg12[%swap3A], %div3A_769 {strides = array<i32>} : memref<512xf32, #tpu.memory_space<vmem>>, vector<16xf32>,
    }
    %scan3A_60 = arith.constant 32 : i32
    "tpu.region"() ({
      %run_scoped3A = tpu.sem_alloc : memref<!tpu.dma_semaphore, #tpu.memory_space<semaphore_mem>>
      %dma_start3A = tpu.memref_slice %arg7[%mul3A_2] : memref<16384xf32, #tpu.memory_space<hbm>> -> memref<512xf32, #tpu.memory_space<hbm>>
      %dma_start3A_61 = tpu.memref_slice %arg7[%mul3A_2] : memref<16384xf32, #tpu.memory_space<hbm>> -> memref<512xf32, #tpu.memory_space<hbm>>
      tpu.enqueue_dma source(%arg12 : memref<512xf32, #tpu.memory_space<vmem>>) target(%dma_start3A_61 : memref<512xf32, #tpu.memory_space<hbm>>) target_semaphore(%run_scoped3A : memref<!tpu.dma_semaphore, #tpu.memory_space<semaphore_mem>>)
      %dma_wait3A_62 = tpu.memref_slice %arg7[%mul3A_2] : memref<16384xf32, #tpu.memory_space<hbm>> -> memref<512xf32, #tpu.memory_space<hbm>>
      %dma_wait3A_63 = tpu.memref_slice %arg7[%mul3A_2] : memref<16384xf32, #tpu.memory_space<hbm>> -> memref<512xf32, #tpu.memory_space<hbm>>
      tpu.wait_dma2 semaphore(%run_scoped3A : memref<!tpu.dma_semaphore, #tpu.memory_space<semaphore_mem>>) src(%arg12 : memref<512xf32, #tpu.memory_space<vmem>>) dst(%dma_wait3A_63 : memref<512xf32, #tpu.memory_space<hbm>>)
      tpu.yield
    }) : () -> ()
    return
  }
}

</mosaic_0001>

<sc_bundles>
// kernel: kernel.3.cloned.1.call-start
scs
__scs_entry_jumppad:
0x0: {  	(pc) =	sbr.rel $0x88, $3  }
0x1: {  	(tag) =	ssettag $0x0;
	lr =	simm.s32 $0x1  }
0x2: {  	[smem:$0x3F9D] =	sst lr;
	_ =	strace $0xD0000000  }
0x3: {  	_ = 	snop  }
0x4: {  	_ = 	snop  }
0x5: {  	_ = 	snop  }
0x6: {  	_ = 	snop  }
0x7: {  	_ = 	snop  }
__scs_overlays_trampoline_lowered:
0x8: {  	[smem:$0x3FAC] =	sst s0  }
0x9: {  	[smem:$0x3FAD] =	sst s1  }
0xa: {  	[smem:$0x3FAE] =	sst s2  }
0xb: {  	[smem:$0x3FAF] =	sst s3  }
0xc: {  	[smem:$0x3FB0] =	sst s4  }
0xd: {  	[smem:$0x3FB1] =	sst s5  }
0xe: {  	[smem:$0x3FB2] =	sst s6  }
0xf: {  	[smem:$0x3FB3] =	sst s7  }
0x10: {  	[smem:$0x3FB4] =	sst s8  }
0x11: {  	[smem:$0x3FB5] =	sst s9;
	s0 =	simm.s32 @!p0 $0x0  }
0x12: {  	s1 =	sld [smem:$0x3F9B];
	s0 =	simm.s32 @p0 $0x1  }
0x13: {  	[smem:$0x3FB6] =	sst s0;
	s0 =	simm.s32 @!p1 $0x0  }
0x14: {  	s2 =	sld [smem:$0x3F9A];
	s0 =	simm.s32 @p1 $0x1  }
0x15: {  	[smem:$0x3FB7] =	sst s0;
	s0 =	simm.s32 @!p2 $0x0  }
0x16: {  	s3 =	sld [smem:$0x3FDB];
	s0 =	simm.s32 @p2 $0x1  }
0x17: {  	s4 =	simm.s32 $0x1BF5;
	[smem:$0x3FB9] =	sst s0  }
0x18: {  	s0 =	sld [smem:$0x3F9C];
	_ =	swait.ge [sflag:s4], $0x0  }
0x19: {  	s7 =	sld [smem:$0x3F9D]  }
0x1a: {  	s8 =	sadd.s32 $0xFFFFE003, lr  }
0x1b: {  	s9 =	sadd.s32 $0xFFFFFEF7, lr;
	s5 =	simm.s32 $0xFFFFFFFF;
	p2 =	slt.u32 s8, $0xFFFFF086  }
0x1c: {  	p1 =	slt.u32 s9, $0xF7A;
	s5 =	simm.s32 @!p2 $0x0  }
0x1d: {  	s5 =	simm.s32 @p1 $0x1;
	p0 =	seq.s32 s7, s2  }
0x1e: {  	s7 =	smul.u32 @!p0 $0xF7A, s2;
	p2 =	seq.s32 @!p0 s5, $0x0  }
0x1f: {  	s9 =	smul.u32 $0xF7A, s1;
	s8 =	simm.s32 @!p0 $0x1BF5;
	p2 =	por !p2, p0  }
0x20: {  	[sflag:s8] =	ssyncset.s32 @!p0 $0xFFFFF086;
	s6 =	sadd.s32 @!p0 s3, s7;
	s7 =	simm.s32 @!p0 $0x108  }
0x21: {  	s3 =	sadd.s32 s3, s9;
	s6 =	sadd.s32 @!p0 $0x88, s6;
	s7 =	simm.s32 @p2 $0x1082  }
0x22: {  	[simem:s7], [sflag:s8] =	dma.local @!p0 [hbm:s6], $0xF7A  }
0x23: {  	s9 =	sor.u32 $0xD0000000, s2;
	s6 =	simm.s32 $0x108;
	_ =	swait.ge @!p0 [sflag:s8], $0x0  }
0x24: {  	s3 =	sadd.s32 $0x88, s3;
	s6 =	simm.s32 @!p1 $0x1082;
	[sflag:s4] =	ssyncset.s32 $0xFFFFF086  }
0x25: {  	[simem:s6], [sflag:s4] =	dma.local [hbm:s3], $0xF7A  }
0x26: {  	[smem:$0x3F9D] =	sst s1;
	(tag) =	ssettag s2;
	_ =	strace s9  }
0x27: {  	s1 =	sld [smem:$0x3FAD]  }
0x28: {  	s2 =	sld [smem:$0x3FAE]  }
0x29: {  	s4 =	sld [smem:$0x3FB0]  }
0x2a: {  	p0 =	seq.s32 s5, $0x0;
	s5 =	sld [smem:$0x3FB1]  }
0x2b: {  	s6 =	sld [smem:$0x3FB2]  }
0x2c: {  	s7 =	sld [smem:$0x3FB3]  }
0x2d: {  	s3 =	simm.s32 $0x108;
	s8 =	sld [smem:$0x3FB4]  }
0x2e: {  	s3 =	simm.s32 @!p0 $0x1082;
	s9 =	sld [smem:$0x3FB5]  }
0x2f: {  	lr =	sadd.s32 s0, s3;
	s0 =	sld [smem:$0x3FAC]  }
0x30: {  	s3 =	sld [smem:$0x3FAF]  }
0x31: {  	[smem:$0x3FB8] =	sst s10  }
0x32: {  	s10 =	sld [smem:$0x3FB6];
	_ =	sdelay $0x3  }
0x33: {  	p0 =	seq.s32 s10, $0x1;
	s10 =	sld [smem:$0x3FB8];
	_ =	sdelay $0x3  }
0x34: {  	[smem:$0x3FB8] =	sst s10  }
0x35: {  	s10 =	sld [smem:$0x3FB7];
	_ =	sdelay $0x3  }
0x36: {  	p1 =	seq.s32 s10, $0x1;
	s10 =	sld [smem:$0x3FB8];
	_ =	sdelay $0x3  }
0x37: {  	[smem:$0x3FB8] =	sst s10  }
0x38: {  	s10 =	sld [smem:$0x3FB9]  }
0x39: {  	_ = 	snop;
	(pc) =	sbr.ind lr, $3  }
0x3a: {  	_ = 	snop  }
0x3b: {  	_ = 	snop  }
0x3c: {  	p2 =	seq.s32 s10, $0x1;
	s10 =	sld [smem:$0x3FB8]  }
0x3d: {  	_ =	shalt  }
0x3e: {  	_ =	shalt  }
0x3f: {  	_ =	shalt  }
0x40: {  	_ =	shalt  }
0x41: {  	_ =	shalt  }
0x42: {  	_ =	shalt  }
0x43: {  	_ =	shalt  }
0x44: {  	_ =	shalt  }
0x45: {  	_ =	shalt  }
0x46: {  	_ =	shalt  }
0x47: {  	_ =	shalt  }
0x48: {  	_ =	shalt  }
0x49: {  	_ =	shalt  }
0x4a: {  	_ =	shalt  }
0x4b: {  	_ =	shalt  }
0x4c: {  	_ =	shalt  }
0x4d: {  	_ =	shalt  }
0x4e: {  	_ =	shalt  }
0x4f: {  	_ =	shalt  }
0x50: {  	_ =	shalt  }
0x51: {  	_ =	shalt  }
0x52: {  	_ =	shalt  }
0x53: {  	_ =	shalt  }
0x54: {  	_ =	shalt  }
0x55: {  	_ =	shalt  }
0x56: {  	_ =	shalt  }
0x57: {  	_ =	shalt  }
0x58: {  	_ =	shalt  }
0x59: {  	_ =	shalt  }
0x5a: {  	_ =	shalt  }
0x5b: {  	_ =	shalt  }
0x5c: {  	_ =	shalt  }
0x5d: {  	_ =	shalt  }
0x5e: {  	_ =	shalt  }
0x5f: {  	_ =	shalt  }
0x60: {  	_ =	shalt  }
0x61: {  	_ =	shalt  }
0x62: {  	_ =	shalt  }
0x63: {  	_ =	shalt  }
0x64: {  	_ =	shalt  }
0x65: {  	_ =	shalt  }
0x66: {  	_ =	shalt  }
0x67: {  	_ =	shalt  }
0x68: {  	_ =	shalt  }
0x69: {  	_ =	shalt  }
0x6a: {  	_ =	shalt  }
0x6b: {  	_ =	shalt  }
0x6c: {  	_ =	shalt  }
0x6d: {  	_ =	shalt  }
0x6e: {  	_ =	shalt  }
0x6f: {  	_ =	shalt  }
0x70: {  	_ =	shalt  }
0x71: {  	_ =	shalt  }
0x72: {  	_ =	shalt  }
0x73: {  	_ =	shalt  }
0x74: {  	_ =	shalt  }
0x75: {  	_ =	shalt  }
0x76: {  	_ =	shalt  }
0x77: {  	_ =	shalt  }
0x78: {  	_ =	shalt  }
0x79: {  	_ =	shalt  }
0x7a: {  	_ =	shalt  }
0x7b: {  	_ =	shalt  }
0x7c: {  	_ =	shalt  }
0x7d: {  	_ =	shalt  }
0x7e: {  	_ =	shalt  }
0x7f: {  	_ =	shalt  }
0x80: {  	_ =	shalt  }
0x81: {  	_ =	shalt  }
0x82: {  	_ =	shalt  }
0x83: {  	_ =	shalt  }
0x84: {  	_ =	shalt  }
0x85: {  	_ =	shalt  }
0x86: {  	_ =	shalt  }
0x87: {  	_ =	shalt  }
.Lfunc_end0:
.L_simem_size_0:
called_computation_lowered:
.L_overlay_start_0:
0x88: {  	s2 =	sld [smem:$0x3FD9]  }
0x89: {  	s3 =	sld [smem:$0x3FFE];
	_ =	sdelay $0x1  }
0x8a: {  	s1 =	srdreg.scid  }
0x8b: {  	s0 =	sand.u32 $0x1, s1  }
0x8c: {  	s17 =	sshll.u32 s0, $0xA;
	s2 =	sadd.s32 s3, s2  }
0x8d: {  	s2 =	sadd.s32 s2, s17  }
0x8e: {  	[smem:$0x3FC4] =	sst s2  }
0x8f: {  	_ = 	snop  }
0x90: {  	s2 =	sld [smem:$0x3FC9]  }
0x91: {  	s18 =	sld [smem:$0x3FC8]  }
0x92: {  	s4 =	sld [smem:$0x3FD0];
	(tm) =	ssettm $0x1  }
0x93: {  	s5 =	sld [smem:$0x3FFB];
	_ =	sdelay $0x3  }
0x94: {  	_ =	strace s5  }
0x95: {  	s5 =	sld [smem:$0x3FFC];
	_ =	sdelay $0x3  }
0x96: {  	_ =	strace s5  }
0x97: {  	s5 =	sld [smem:$0x3FFD];
	_ =	sdelay $0x3  }
0x98: {  	_ =	strace s5  }
0x99: {  	_ =	strace $0x8FFFFFFF  }
0x9a: {  	s19 =	sld [smem:$0x3FDB];
	_ =	sdelay $0x1  }
0x9b: {  	s6 =	simm.s32 $_scs_section_size  }
0x9c: {  	s7 =	simm.s32 $_size__tile_overlayer_lowered;
	s8 =	simm.s32 $_tile_overlayer_lowered  }
0x9d: {  	s22 =	simm.s32 $0x1BFF;
	s21 =	sshll.u32 s8, $0x1;
	s5 =	sadd.s32 s6, s19  }
0x9e: {  	s9 =	simm.s32 $0x0;
	s20 =	sshll.u32 s7, $0x1;
	s7 =	sadd.s32 s21, s5  }
0x9f: {  	[timem:s9], [sflag:s22] =	dma.local [hbm:s7], s20  }
0xa0: {  	_ =	swait.ge [sflag:s22], s20  }
0xa1: {  	s6 =	ssub.s32 $0x0, s20;
	[sflag:s22] =	ssyncset.done $0x0  }
0xa2: {  	[sflag:s22] =	ssyncadd.s32 s6;
	_ =	sdelay $0x1  }
0xa3: {  	s23 =	simm.s32 $0x1B8B  }
0xa4: {  	_ =	swait.ge [sflag:s23], $0x1  }
0xa5: {  	[sflag:s23] =	ssyncset.done $0x0  }
0xa6: {  	s25 =	simm.s32 $0x1B8E;
	s24 =	sld [smem:$0x3FFE];
	[sflag:s23] =	ssyncadd.s32 $0xFFFFFFFF  }
0xa7: {  	s26 =	simm.s32 $execute0_lowered;
	[smem:$0x3FD2] =	sst s25  }
0xa8: {  	s7 =	sshll.u32 s26, $0x1;
	_ =	strace $0x80000046;
	[dreg:$0x1] =	wrdreg $0xFFFFFFFF  }
0xa9: {  	s28 =	simm.s32 $_size_execute0_lowered;
	s5 =	sadd.s32 s5, s7;
	[dreg:$0x0] =	wrdreg $0x0  }
0xaa: {  	s7 =	sshll.u32 s28, $0x1;
	[dreg:$0x2] =	wrdreg s5  }
0xab: {  	[dreg:$0x3] =	wrdreg s7  }
0xac: {  	[dreg:$0x4] =	wrdreg $0xC0  }
0xad: {  	_ =	task [dreg:s9], $0x5FFFF  }
0xae: {  	[dreg:$0x1] =	wrdreg $0xFFFFFFFF  }
0xaf: {  	[dreg:$0x0] =	wrdreg $0x60  }
0xb0: {  	[dreg:$0x2] =	wrdreg s2  }
0xb1: {  	[dreg:$0x3] =	wrdreg s18  }
0xb2: {  	[dreg:$0x4] =	wrdreg s24  }
0xb3: {  	[dreg:$0x5] =	wrdreg s4  }
0xb4: {  	[dreg:$0x6] =	wrdreg $0x9  }
0xb5: {  	_ =	task.clear_ibuf [dreg:s9], $0x7FFFF;
	_ =	strace $0x90000046  }
0xb6: {  	s29 =	simm.s32 $0x9;
	_ =	strace $0x80000048  }
0xb7: {  	_ =	swait.ge [sflag:s29], $0x1  }
0xb8: {  	[sflag:s29] =	ssyncadd.s32 $0xFFFFFFFF  }
0xb9: {  	_ =	strace $0x90000048  }
0xba: {  	_ =	sfence  }
0xbb: {  	s30 =	sld [smem:$0x0];
	_ =	sdelay $0x2  }
0xbc: {  	s31 =	sshll.u32 s1, $0xD;
	s1 =	sshrl.u32 s1, $0x2  }
0xbd: {  	s3 =	sand.u32 $0x4000, s31;
	s1 =	sadd.s32 s1, s30  }
0xbe: {  	s0 =	sor.u32 s3, s0;
	s1 =	sshll.u32 s1, $0x11  }
0xbf: {  	s0 =	sor.u32 s1, s0  }
0xc0: {  	s0 =	sadd.s32 $0x8F2B, s0  }
0xc1: {  	[sflag:s0] =	ssyncadd.remote.s32 $0x1  }
0xc2: {  	_ =	sfence.sel $0xFFFF  }
0xc3: {  	[dreg:$0x0] =	wrdreg $0xFFFFFFFF;
	(pc) =	sbr.abs _section_cstart, $3  }
0xc4: {  	[dreg:$0x1] =	wrdreg $0xFFFFFFFF  }
0xc5: {  	_ =	task.clear_ibuf [dreg:s9], $0x2FFFF;
	_ =	strace $0x9FFFFFFF  }
0xc6: {  	(tm) =	ssettm $0x7FFFFFFF  }
0xc7: {  	_ =	shalt  }
tec
execute0_lowered:
.L_overlay_start_1:
0x0: {  	(tag) =	ssettag $0x1  }
0x1: {  	s0 =	rddreg [dreg:$0x0]  }
0x2: {  	s1 =	rddreg [dreg:$0x1]  }
0x3: {  	s4 =	rddreg [dreg:$0x2]  }
0x4: {  	s5 =	rddreg [dreg:$0x3];
	s2 =	simm.s32 $0x0  }
0x5: {  	s3 =	srdreg.scid;
	s7 =	stileid.u32;
	s10 =	simm.s32 $0x80  }
0x6: {  	s11 =	simm.s32 $0x400;
	s14 =	simm.s32 $0x3;
	s3 =	sand.u32 $0x1, s3  }
0x7: {  	s15 =	simm.s32 $0x4;
	s7 =	sshll.u32 s7, $0x7;
	s8 =	sshll.u32 s3, $0x6  }
0x8: {  	s17 =	simm.s32 $0x0;
	[smem:$0x7FF] =	sst s2;
	s7 =	sor.u32 s8, s7  }
0x9: {  	vm0 =	vmmov $0x1;
	vm1 =	vmmov $0x3;
	vm2 =	vmmov $0x7;
	_ =	strace $0x80000047;
	s6 =	ssub.s32 $0x2, s3;
	s0 =	sadd.s32 s0, s7  }
0xa: {  	vm3 =	vmmov $0xf;
	vm4 =	vmmov $0x1f;
	vm5 =	vmmov $0x3f;
	s9 =	sshrl.u32 s6, $0x1;
	s29 =	sadd.s32 s1, s7;
	[dreg:$0x5] =	wrdreg s0  }
0xb: {  	vm6 =	vmmov $0x7f;
	vm7 =	vmmov $0xff;
	vm8 =	vmmov $0x1ff;
	s6 =	ssub.s32 s6, s9;
	s30 =	sadd.s32 s5, s7;
	[dreg:$0x6] =	wrdreg s29  }
0xc: {  	vm9 =	vmmov $0x3ff;
	vm10 =	vmmov $0x7ff;
	vm11 =	vmmov $0xfff;
	s3 =	sadd.s32 $0x2000, s4;
	[dreg:$0x7] =	wrdreg s30;
	s31 =	smax.u32 s6, $0x1  }
0xd: {  	vm12 =	vmmov $0x1fff;
	vm13 =	vmmov $0x3fff;
	vm14 =	vmmov $0x7fff;
	s4 =	sadd.s32 $0x188C00, s4;
	s9 =	simm.s32 $0x5;
	[dreg:$0x8] =	wrdreg s31  }
.LBB2_1:
0xe: {  	s0 =	rddreg [dreg:$0x5]  }
0xf: {  	[tilespmem:s2], [sflag:$0x5] =	stream.linear.gather [hbm4b:s0+s2], $0x200, $0x38;
	[tilespmem:$0x10600] =	vst v63  }
0x10: {  	_ =	swait.ge [sflag:s9], $0x200  }
0x11: {  	[sflag:s9] =	ssyncset.done $0x0  }
0x12: {  	s18 =	simm.s32 $0x200;
	s23 =	rddreg [dreg:$0x6];
	[sflag:s9] =	ssyncadd.s32 $0xFFFFFE00  }
0x13: {  	[tilespmem:s18], [sflag:$0x5] =	stream.linear.gather [hbm4b:s23+s2], $0x200, $0x38;
	[tilespmem:$0x10600] =	vst v63  }
0x14: {  	_ =	swait.ge [sflag:s9], $0x200  }
0x15: {  	[sflag:s9] =	ssyncset.done $0x0  }
0x16: {  	[sflag:s9] =	ssyncadd.s32 $0xFFFFFE00  }
0x17: {  	v0 =	vld [tilespmem:s2+$0x0];
	_ =	sdelay $0x3  }
0x18: {  	v63 =	vld [tilespmem:s18+$0x0]  }
0x19: {  	v1 =	vshll.u32 v0, $0x4  }
0x1a: {  	(v2sf) =	vpush v1, $0x0  }
0x1b: {  	(v2sf) =	vpush v1, $0x1  }
0x1c: {  	(v2sf) =	vpush v1, $0x2  }
0x1d: {  	v0 =	vshll.u32 v63, $0x4  }
0x1e: {  	(v2sf) =	vpush v0, $0x0;
	_ =	sdelay $0x6  }
0x1f: {  	(v2sf) =	vpush v0, $0x1;
	_ =	sdelay $0x3  }
0x20: {  	s24 =	spop (v2sf)  }
0x21: {  	s0 =	sand.u32 $0x1FFFFFF0, s24;
	s1 =	spop (v2sf)  }
0x22: {  	s5 =	simm.s32 $0x400;
	s0 =	sadd.s32 s3, s0;
	s6 =	spop (v2sf)  }
0x23: {  	[tilespmem:s5], [sflag:$0x1] =	stream.strided.gather [hbm4b:s0+s10], $0x0, s11, s10, $0x38;
	[tilespmem:$0x10600] =	vst v63  }
0x24: {  	(v2sf) =	vpush v0, $0x2;
	s25 =	spop (v2sf)  }
0x25: {  	[tilespmem:s5], [sflag:$0x1] =	stream.linear.gather [hbm4b:s0+s2], $0x40, $0x38;
	[tilespmem:$0x10600] =	vst v63  }
0x26: {  	s0 =	sand.u32 $0x1FFFFFF0, s25  }
0x27: {  	s26 =	simm.s32 $0x8400;
	s0 =	sadd.s32 s4, s0  }
0x28: {  	(v2sf) =	vpush v1, $0x3;
	[tilespmem:s26], [sflag:$0x1] =	stream.strided.gather [hbm4b:s0+s10], $0x0, s11, s10, $0x38;
	[tilespmem:$0x10600] =	vst v63  }
0x29: {  	s1 =	sand.u32 $0x1FFFFFF0, s1  }
0x2a: {  	[tilespmem:s26], [sflag:$0x1] =	stream.linear.gather [hbm4b:s0+s2], $0x40, $0x38;
	[tilespmem:$0x10600] =	vst v63  }
0x2b: {  	s29 =	simm.s32 $0x440;
	s1 =	sadd.s32 s3, s1;
	s28 =	spop (v2sf)  }
0x2c: {  	(v2sf) =	vpush v0, $0x3;
	[tilespmem:s29], [sflag:$0x2] =	stream.strided.gather [hbm4b:s1+s10], $0x0, s11, s10, $0x38;
	[tilespmem:$0x10600] =	vst v63  }
0x2d: {  	s0 =	sand.u32 $0x1FFFFFF0, s28  }
0x2e: {  	[tilespmem:s29], [sflag:$0x2] =	stream.linear.gather [hbm4b:s1+s2], $0x40, $0x38;
	[tilespmem:$0x10600] =	vst v63  }
0x2f: {  	s30 =	simm.s32 $0x8440;
	s0 =	sadd.s32 s4, s0  }
0x30: {  	(v2sf) =	vpush v1, $0x4;
	[tilespmem:s30], [sflag:$0x2] =	stream.strided.gather [hbm4b:s0+s10], $0x0, s11, s10, $0x38;
	[tilespmem:$0x10600] =	vst v63  }
0x31: {  	s31 =	sand.u32 $0x1FFFFFF0, s6  }
0x32: {  	[tilespmem:s30], [sflag:$0x2] =	stream.linear.gather [hbm4b:s0+s2], $0x40, $0x38;
	[tilespmem:$0x10600] =	vst v63  }
0x33: {  	s7 =	simm.s32 $0x480;
	s5 =	sadd.s32 s3, s31;
	s6 =	spop (v2sf)  }
0x34: {  	(v2sf) =	vpush v0, $0x4;
	[tilespmem:s7], [sflag:$0x3] =	stream.strided.gather [hbm4b:s5+s10], $0x0, s11, s10, $0x38;
	[tilespmem:$0x10600] =	vst v63  }
0x35: {  	s0 =	sand.u32 $0x1FFFFFF0, s6  }
0x36: {  	[tilespmem:s7], [sflag:$0x3] =	stream.linear.gather [hbm4b:s5+s2], $0x40, $0x38;
	[tilespmem:$0x10600] =	vst v63  }
0x37: {  	s12 =	simm.s32 $0x8480;
	s8 =	spop (v2sf);
	s0 =	sadd.s32 s4, s0  }
0x38: {  	(v2sf) =	vpush v1, $0x5;
	[tilespmem:s12], [sflag:$0x3] =	stream.strided.gather [hbm4b:s0+s10], $0x0, s11, s10, $0x38;
	[tilespmem:$0x10600] =	vst v63  }
0x39: {  	s1 =	sand.u32 $0x1FFFFFF0, s8  }
0x3a: {  	[tilespmem:s12], [sflag:$0x3] =	stream.linear.gather [hbm4b:s0+s2], $0x40, $0x38;
	[tilespmem:$0x10600] =	vst v63  }
0x3b: {  	s16 =	simm.s32 $0x4C0;
	s13 =	spop (v2sf);
	s1 =	sadd.s32 s3, s1  }
0x3c: {  	(v2sf) =	vpush v0, $0x5;
	[tilespmem:s16], [sflag:$0x4] =	stream.strided.gather [hbm4b:s1+s10], $0x0, s11, s10, $0x38;
	[tilespmem:$0x10600] =	vst v63  }
0x3d: {  	s0 =	sand.u32 $0x1FFFFFF0, s13  }
0x3e: {  	[tilespmem:s16], [sflag:$0x4] =	stream.linear.gather [hbm4b:s1+s2], $0x40, $0x38;
	[tilespmem:$0x10600] =	vst v63  }
0x3f: {  	s20 =	simm.s32 $0x84C0;
	s19 =	spop (v2sf);
	s0 =	sadd.s32 s4, s0  }
0x40: {  	(v2sf) =	vpush v1, $0x6;
	[tilespmem:s20], [sflag:$0x4] =	stream.strided.gather [hbm4b:s0+s10], $0x0, s11, s10, $0x38;
	[tilespmem:$0x10600] =	vst v63  }
0x41: {  	s1 =	sand.u32 $0x1FFFFFF0, s19  }
0x42: {  	[tilespmem:s20], [sflag:$0x4] =	stream.linear.gather [hbm4b:s0+s2], $0x40, $0x38;
	[tilespmem:$0x10600] =	vst v63  }
0x43: {  	s22 =	simm.s32 $0x500;
	s21 =	spop (v2sf);
	s1 =	sadd.s32 s3, s1  }
0x44: {  	(v2sf) =	vpush v0, $0x6;
	[tilespmem:s22], [sflag:$0x1] =	stream.strided.gather [hbm4b:s1+s10], $0x0, s11, s10, $0x38;
	[tilespmem:$0x10600] =	vst v63  }
0x45: {  	s0 =	sand.u32 $0x1FFFFFF0, s21  }
0x46: {  	[tilespmem:s22], [sflag:$0x1] =	stream.linear.gather [hbm4b:s1+s2], $0x40, $0x38;
	[tilespmem:$0x10600] =	vst v63  }
0x47: {  	s24 =	simm.s32 $0x8500;
	s23 =	spop (v2sf);
	s0 =	sadd.s32 s4, s0  }
0x48: {  	(v2sf) =	vpush v1, $0x7;
	[tilespmem:s24], [sflag:$0x1] =	stream.strided.gather [hbm4b:s0+s10], $0x0, s11, s10, $0x38;
	[tilespmem:$0x10600] =	vst v63  }
0x49: {  	s1 =	sand.u32 $0x1FFFFFF0, s23  }
0x4a: {  	[tilespmem:s24], [sflag:$0x1] =	stream.linear.gather [hbm4b:s0+s2], $0x40, $0x38;
	[tilespmem:$0x10600] =	vst v63  }
0x4b: {  	s26 =	simm.s32 $0x540;
	s25 =	spop (v2sf);
	s1 =	sadd.s32 s3, s1  }
0x4c: {  	(v2sf) =	vpush v0, $0x7;
	[tilespmem:s26], [sflag:$0x2] =	stream.strided.gather [hbm4b:s1+s10], $0x0, s11, s10, $0x38;
	[tilespmem:$0x10600] =	vst v63  }
0x4d: {  	s0 =	sand.u32 $0x1FFFFFF0, s25  }
0x4e: {  	[tilespmem:s26], [sflag:$0x2] =	stream.linear.gather [hbm4b:s1+s2], $0x40, $0x38;
	[tilespmem:$0x10600] =	vst v63  }
0x4f: {  	s29 =	simm.s32 $0x8540;
	s28 =	spop (v2sf);
	s0 =	sadd.s32 s4, s0  }
0x50: {  	(v2sf) =	vpush v1, $0x8;
	[tilespmem:s29], [sflag:$0x2] =	stream.strided.gather [hbm4b:s0+s10], $0x0, s11, s10, $0x38;
	[tilespmem:$0x10600] =	vst v63  }
0x51: {  	s1 =	sand.u32 $0x1FFFFFF0, s28  }
0x52: {  	[tilespmem:s29], [sflag:$0x2] =	stream.linear.gather [hbm4b:s0+s2], $0x40, $0x38;
	[tilespmem:$0x10600] =	vst v63  }
0x53: {  	s31 =	simm.s32 $0x580;
	s30 =	spop (v2sf);
	s1 =	sadd.s32 s3, s1  }
0x54: {  	(v2sf) =	vpush v0, $0x8;
	[tilespmem:s31], [sflag:$0x3] =	stream.strided.gather [hbm4b:s1+s10], $0x0, s11, s10, $0x38;
	[tilespmem:$0x10600] =	vst v63  }
0x55: {  	s0 =	sand.u32 $0x1FFFFFF0, s30  }
0x56: {  	[tilespmem:s31], [sflag:$0x3] =	stream.linear.gather [hbm4b:s1+s2], $0x40, $0x38;
	[tilespmem:$0x10600] =	vst v63  }
0x57: {  	s7 =	simm.s32 $0x8580;
	s6 =	spop (v2sf);
	s0 =	sadd.s32 s4, s0  }
0x58: {  	(v2sf) =	vpush v1, $0x9;
	[tilespmem:s7], [sflag:$0x3] =	stream.strided.gather [hbm4b:s0+s10], $0x0, s11, s10, $0x38;
	[tilespmem:$0x10600] =	vst v63  }
0x59: {  	s1 =	sand.u32 $0x1FFFFFF0, s6  }
0x5a: {  	[tilespmem:s7], [sflag:$0x3] =	stream.linear.gather [hbm4b:s0+s2], $0x40, $0x38;
	[tilespmem:$0x10600] =	vst v63  }
0x5b: {  	s12 =	simm.s32 $0x5C0;
	s8 =	spop (v2sf);
	s1 =	sadd.s32 s3, s1  }
0x5c: {  	(v2sf) =	vpush v0, $0x9;
	[tilespmem:s12], [sflag:$0x4] =	stream.strided.gather [hbm4b:s1+s10], $0x0, s11, s10, $0x38;
	[tilespmem:$0x10600] =	vst v63  }
0x5d: {  	s0 =	sand.u32 $0x1FFFFFF0, s8  }
0x5e: {  	[tilespmem:s12], [sflag:$0x4] =	stream.linear.gather [hbm4b:s1+s2], $0x40, $0x38;
	[tilespmem:$0x10600] =	vst v63  }
0x5f: {  	s16 =	simm.s32 $0x85C0;
	s13 =	spop (v2sf);
	s0 =	sadd.s32 s4, s0  }
0x60: {  	(v2sf) =	vpush v1, $0xA;
	[tilespmem:s16], [sflag:$0x4] =	stream.strided.gather [hbm4b:s0+s10], $0x0, s11, s10, $0x38;
	[tilespmem:$0x10600] =	vst v63  }
0x61: {  	s1 =	sand.u32 $0x1FFFFFF0, s13  }
0x62: {  	[tilespmem:s16], [sflag:$0x4] =	stream.linear.gather [hbm4b:s0+s2], $0x40, $0x38;
	[tilespmem:$0x10600] =	vst v63  }
0x63: {  	s20 =	simm.s32 $0x600;
	s19 =	spop (v2sf);
	s1 =	sadd.s32 s3, s1  }
0x64: {  	(v2sf) =	vpush v0, $0xA;
	[tilespmem:s20], [sflag:$0x1] =	stream.strided.gather [hbm4b:s1+s10], $0x0, s11, s10, $0x38;
	[tilespmem:$0x10600] =	vst v63  }
0x65: {  	s0 =	sand.u32 $0x1FFFFFF0, s19  }
0x66: {  	[tilespmem:s20], [sflag:$0x1] =	stream.linear.gather [hbm4b:s1+s2], $0x40, $0x38;
	[tilespmem:$0x10600] =	vst v63  }
0x67: {  	s22 =	simm.s32 $0x8600;
	s21 =	spop (v2sf);
	s0 =	sadd.s32 s4, s0  }
0x68: {  	(v2sf) =	vpush v1, $0xB;
	[tilespmem:s22], [sflag:$0x1] =	stream.strided.gather [hbm4b:s0+s10], $0x0, s11, s10, $0x38;
	[tilespmem:$0x10600] =	vst v63  }
0x69: {  	s1 =	sand.u32 $0x1FFFFFF0, s21  }
0x6a: {  	[tilespmem:s22], [sflag:$0x1] =	stream.linear.gather [hbm4b:s0+s2], $0x40, $0x38;
	[tilespmem:$0x10600] =	vst v63  }
0x6b: {  	s24 =	simm.s32 $0x640;
	s23 =	spop (v2sf);
	s1 =	sadd.s32 s3, s1  }
0x6c: {  	(v2sf) =	vpush v0, $0xB;
	[tilespmem:s24], [sflag:$0x2] =	stream.strided.gather [hbm4b:s1+s10], $0x0, s11, s10, $0x38;
	[tilespmem:$0x10600] =	vst v63  }
0x6d: {  	s0 =	sand.u32 $0x1FFFFFF0, s23  }
0x6e: {  	[tilespmem:s24], [sflag:$0x2] =	stream.linear.gather [hbm4b:s1+s2], $0x40, $0x38;
	[tilespmem:$0x10600] =	vst v63  }
0x6f: {  	s26 =	simm.s32 $0x8640;
	s25 =	spop (v2sf);
	s0 =	sadd.s32 s4, s0  }
0x70: {  	(v2sf) =	vpush v1, $0xC;
	[tilespmem:s26], [sflag:$0x2] =	stream.strided.gather [hbm4b:s0+s10], $0x0, s11, s10, $0x38;
	[tilespmem:$0x10600] =	vst v63  }
0x71: {  	s1 =	sand.u32 $0x1FFFFFF0, s25  }
0x72: {  	[tilespmem:s26], [sflag:$0x2] =	stream.linear.gather [hbm4b:s0+s2], $0x40, $0x38;
	[tilespmem:$0x10600] =	vst v63  }
0x73: {  	s29 =	simm.s32 $0x680;
	s28 =	spop (v2sf);
	s1 =	sadd.s32 s3, s1  }
0x74: {  	(v2sf) =	vpush v0, $0xC;
	[tilespmem:s29], [sflag:$0x3] =	stream.strided.gather [hbm4b:s1+s10], $0x0, s11, s10, $0x38;
	[tilespmem:$0x10600] =	vst v63  }
0x75: {  	s0 =	sand.u32 $0x1FFFFFF0, s28  }
0x76: {  	[tilespmem:s29], [sflag:$0x3] =	stream.linear.gather [hbm4b:s1+s2], $0x40, $0x38;
	[tilespmem:$0x10600] =	vst v63  }
0x77: {  	s31 =	simm.s32 $0x8680;
	s30 =	spop (v2sf);
	s0 =	sadd.s32 s4, s0  }
0x78: {  	(v2sf) =	vpush v1, $0xD;
	[tilespmem:s31], [sflag:$0x3] =	stream.strided.gather [hbm4b:s0+s10], $0x0, s11, s10, $0x38;
	[tilespmem:$0x10600] =	vst v63  }
0x79: {  	s1 =	sand.u32 $0x1FFFFFF0, s30  }
0x7a: {  	[tilespmem:s31], [sflag:$0x3] =	stream.linear.gather [hbm4b:s0+s2], $0x40, $0x38;
	[tilespmem:$0x10600] =	vst v63  }
0x7b: {  	s6 =	simm.s32 $0x6C0;
	s5 =	spop (v2sf);
	s1 =	sadd.s32 s3, s1  }
0x7c: {  	(v2sf) =	vpush v0, $0xD;
	[tilespmem:s6], [sflag:$0x4] =	stream.strided.gather [hbm4b:s1+s10], $0x0, s11, s10, $0x38;
	[tilespmem:$0x10600] =	vst v63  }
0x7d: {  	s0 =	sand.u32 $0x1FFFFFF0, s5  }
0x7e: {  	[tilespmem:s6], [sflag:$0x4] =	stream.linear.gather [hbm4b:s1+s2], $0x40, $0x38;
	[tilespmem:$0x10600] =	vst v63  }
0x7f: {  	s8 =	simm.s32 $0x86C0;
	s7 =	spop (v2sf);
	s0 =	sadd.s32 s4, s0  }
0x80: {  	(v2sf) =	vpush v1, $0xE;
	[tilespmem:s8], [sflag:$0x4] =	stream.strided.gather [hbm4b:s0+s10], $0x0, s11, s10, $0x38;
	[tilespmem:$0x10600] =	vst v63  }
0x81: {  	s1 =	sand.u32 $0x1FFFFFF0, s7  }
0x82: {  	[tilespmem:s8], [sflag:$0x4] =	stream.linear.gather [hbm4b:s0+s2], $0x40, $0x38;
	[tilespmem:$0x10600] =	vst v63  }
0x83: {  	s13 =	simm.s32 $0x700;
	s12 =	spop (v2sf);
	s1 =	sadd.s32 s3, s1  }
0x84: {  	(v2sf) =	vpush v0, $0xE;
	[tilespmem:s13], [sflag:$0x1] =	stream.strided.gather [hbm4b:s1+s10], $0x0, s11, s10, $0x38;
	[tilespmem:$0x10600] =	vst v63  }
0x85: {  	s0 =	sand.u32 $0x1FFFFFF0, s12  }
0x86: {  	[tilespmem:s13], [sflag:$0x1] =	stream.linear.gather [hbm4b:s1+s2], $0x40, $0x38;
	[tilespmem:$0x10600] =	vst v63  }
0x87: {  	s19 =	simm.s32 $0x8700;
	s16 =	spop (v2sf);
	s0 =	sadd.s32 s4, s0  }
0x88: {  	(v2sf) =	vpush v1, $0xF;
	[tilespmem:s19], [sflag:$0x1] =	stream.strided.gather [hbm4b:s0+s10], $0x0, s11, s10, $0x38;
	[tilespmem:$0x10600] =	vst v63  }
0x89: {  	s1 =	sand.u32 $0x1FFFFFF0, s16  }
0x8a: {  	[tilespmem:s19], [sflag:$0x1] =	stream.linear.gather [hbm4b:s0+s2], $0x40, $0x38;
	[tilespmem:$0x10600] =	vst v63  }
0x8b: {  	s21 =	simm.s32 $0x740;
	s20 =	spop (v2sf);
	s1 =	sadd.s32 s3, s1  }
0x8c: {  	(v2sf) =	vpush v0, $0xF;
	[tilespmem:s21], [sflag:$0x2] =	stream.strided.gather [hbm4b:s1+s10], $0x0, s11, s10, $0x38;
	[tilespmem:$0x10600] =	vst v63  }
0x8d: {  	s0 =	sand.u32 $0x1FFFFFF0, s20  }
0x8e: {  	[tilespmem:s21], [sflag:$0x2] =	stream.linear.gather [hbm4b:s1+s2], $0x40, $0x38;
	[tilespmem:$0x10600] =	vst v63  }
0x8f: {  	s23 =	simm.s32 $0x8740;
	s22 =	spop (v2sf);
	s0 =	sadd.s32 s4, s0  }
0x90: {  	[tilespmem:s23], [sflag:$0x2] =	stream.strided.gather [hbm4b:s0+s10], $0x0, s11, s10, $0x38;
	[tilespmem:$0x10600] =	vst v63  }
0x91: {  	s1 =	sand.u32 $0x1FFFFFF0, s22  }
0x92: {  	[tilespmem:s23], [sflag:$0x2] =	stream.linear.gather [hbm4b:s0+s2], $0x40, $0x38;
	[tilespmem:$0x10600] =	vst v63  }
0x93: {  	s25 =	simm.s32 $0x780;
	s24 =	spop (v2sf);
	s1 =	sadd.s32 s3, s1  }
0x94: {  	[tilespmem:s25], [sflag:$0x3] =	stream.strided.gather [hbm4b:s1+s10], $0x0, s11, s10, $0x38;
	[tilespmem:$0x10600] =	vst v63  }
0x95: {  	s0 =	sand.u32 $0x1FFFFFF0, s24  }
0x96: {  	[tilespmem:s25], [sflag:$0x3] =	stream.linear.gather [hbm4b:s1+s2], $0x40, $0x38;
	[tilespmem:$0x10600] =	vst v63  }
0x97: {  	s28 =	simm.s32 $0x8780;
	s26 =	spop (v2sf);
	s0 =	sadd.s32 s4, s0  }
0x98: {  	[tilespmem:s28], [sflag:$0x3] =	stream.strided.gather [hbm4b:s0+s10], $0x0, s11, s10, $0x38;
	[tilespmem:$0x10600] =	vst v63  }
0x99: {  	s1 =	sand.u32 $0x1FFFFFF0, s26  }
0x9a: {  	[tilespmem:s28], [sflag:$0x3] =	stream.linear.gather [hbm4b:s0+s2], $0x40, $0x38;
	[tilespmem:$0x10600] =	vst v63  }
0x9b: {  	s30 =	simm.s32 $0x7C0;
	s29 =	spop (v2sf);
	s1 =	sadd.s32 s3, s1  }
0x9c: {  	[tilespmem:s30], [sflag:$0x4] =	stream.strided.gather [hbm4b:s1+s10], $0x0, s11, s10, $0x38;
	[tilespmem:$0x10600] =	vst v63  }
0x9d: {  	s19 =	simm.s32 $0x1000;
	s31 =	sand.u32 $0x1FFFFFF0, s29  }
0x9e: {  	[tilespmem:s30], [sflag:$0x4] =	stream.linear.gather [hbm4b:s1+s2], $0x40, $0x38;
	[tilespmem:$0x10600] =	vst v63  }
0x9f: {  	s20 =	simm.s32 $0x0;
	s0 =	simm.s32 $0x87C0;
	s1 =	sadd.s32 s4, s31  }
0xa0: {  	[tilespmem:s0], [sflag:$0x4] =	stream.strided.gather [hbm4b:s1+s10], $0x0, s11, s10, $0x38;
	[tilespmem:$0x10600] =	vst v63  }
.LBB2_2:
0xa1: {  	p0 =	sne.s32 s19, $0x1F000;
	s20 =	sadd.s32 $0x10, s20;
	s18 =	sadd.s32 $0x10, s18  }
0xa2: {  	[tilespmem:s0], [sflag:$0x4] =	stream.linear.gather [hbm4b:s1+s2], $0x40, $0x38;
	[tilespmem:$0x10600] =	vst v63  }
0xa3: {  	s0 =	smov.u32 s19;
	s19 =	sadd.s32 $0x1000, s19;
	v0 =	vld [tilespmem:s20+$0x0];
	_ =	sdelay $0x3  }
0xa4: {  	v1 =	vld [tilespmem:s18+$0x0]  }
0xa5: {  	v0 =	vshll.u32 v0, $0x4  }
0xa6: {  	(v2sf) =	vpush v0, $0x0  }
0xa7: {  	(v2sf) =	vpush v0, $0x1  }
0xa8: {  	(v2sf) =	vpush v0, $0x2  }
0xa9: {  	v1 =	vshll.u32 v1, $0x4  }
0xaa: {  	(v2sf) =	vpush v1, $0x0;
	_ =	sdelay $0x1  }
0xab: {  	(v2sf) =	vpush v1, $0x1  }
0xac: {  	(v2sf) =	vpush v1, $0x2;
	_ =	sdelay $0x3  }
0xad: {  	(v2sf) =	vpush v0, $0x3;
	_ =	sdelay $0x3  }
0xae: {  	s1 =	spop (v2sf);
	(v2sf) =	vpush v1, $0x3  }
0xaf: {  	s21 =	sshra.s32 s0, $0x2;
	s0 =	sand.u32 $0x1FFFFFF0, s1;
	s1 =	spop (v2sf)  }
0xb0: {  	s5 =	sadd.s32 $0x400, s21;
	s0 =	sadd.s32 s3, s0;
	s6 =	spop (v2sf)  }
0xb1: {  	[tilespmem:s5], [sflag:$0x1] =	stream.strided.gather [hbm4b:s0+s10], $0x0, s11, s10, $0x38;
	[tilespmem:$0x10600] =	vst v63  }
0xb2: {  	s1 =	sand.u32 $0x1FFFFFF0, s1;
	s6 =	sand.u32 $0x1FFFFFF0, s6;
	s7 =	spop (v2sf);
	(v2sf) =	vpush v0, $0x4  }
0xb3: {  	[tilespmem:s5], [sflag:$0x1] =	stream.linear.gather [hbm4b:s0+s2], $0x40, $0x38;
	[tilespmem:$0x10600] =	vst v63  }
0xb4: {  	s0 =	sadd.s32 $0x8400, s21;
	s5 =	sand.u32 $0x1FFFFFF0, s7;
	s7 =	spop (v2sf);
	(v2sf) =	vpush v1, $0x4  }
0xb5: {  	s5 =	sadd.s32 s4, s5;
	s7 =	sand.u32 $0x1FFFFFF0, s7;
	s16 =	spop (v2sf)  }
0xb6: {  	[tilespmem:s0], [sflag:$0x1] =	stream.strided.gather [hbm4b:s5+s10], $0x0, s11, s10, $0x38;
	(v2sf) =	vpush v0, $0x5;
	[tilespmem:$0x10600] =	vst v63  }
0xb7: {  	s22 =	sadd.s32 $0x440, s21;
	s1 =	sadd.s32 s3, s1;
	s16 =	sand.u32 $0x1FFFFFF0, s16  }
0xb8: {  	[tilespmem:s0], [sflag:$0x1] =	stream.linear.gather [hbm4b:s5+s2], $0x40, $0x38;
	(v2sf) =	vpush v1, $0x5;
	[tilespmem:$0x10600] =	vst v63  }
0xb9: {  	s0 =	spop (v2sf)  }
0xba: {  	[tilespmem:s22], [sflag:$0x2] =	stream.strided.gather [hbm4b:s1+s10], $0x0, s11, s10, $0x38;
	(v2sf) =	vpush v0, $0x6;
	[tilespmem:$0x10600] =	vst v63  }
0xbb: {  	s7 =	sadd.s32 s4, s7;
	s5 =	sadd.s32 $0x8440, s21;
	s0 =	sand.u32 $0x1FFFFFF0, s0  }
0xbc: {  	[tilespmem:s22], [sflag:$0x2] =	stream.linear.gather [hbm4b:s1+s2], $0x40, $0x38;
	(v2sf) =	vpush v1, $0x6;
	[tilespmem:$0x10600] =	vst v63  }
0xbd: {  	s1 =	spop (v2sf)  }
0xbe: {  	[tilespmem:s5], [sflag:$0x2] =	stream.strided.gather [hbm4b:s7+s10], $0x0, s11, s10, $0x38;
	(v2sf) =	vpush v0, $0x7;
	[tilespmem:$0x10600] =	vst v63  }
0xbf: {  	s6 =	sadd.s32 s3, s6;
	s22 =	sadd.s32 $0x480, s21;
	s1 =	sand.u32 $0x1FFFFFF0, s1  }
0xc0: {  	[tilespmem:s5], [sflag:$0x2] =	stream.linear.gather [hbm4b:s7+s2], $0x40, $0x38;
	(v2sf) =	vpush v1, $0x7;
	[tilespmem:$0x10600] =	vst v63  }
0xc1: {  	s5 =	spop (v2sf)  }
0xc2: {  	[tilespmem:s22], [sflag:$0x3] =	stream.strided.gather [hbm4b:s6+s10], $0x0, s11, s10, $0x38;
	(v2sf) =	vpush v0, $0x8;
	[tilespmem:$0x10600] =	vst v63  }
0xc3: {  	s16 =	sadd.s32 s4, s16;
	s7 =	sadd.s32 $0x8480, s21;
	s23 =	spop (v2sf)  }
0xc4: {  	[tilespmem:s22], [sflag:$0x3] =	stream.linear.gather [hbm4b:s6+s2], $0x40, $0x38;
	(v2sf) =	vpush v1, $0x8;
	[tilespmem:$0x10600] =	vst v63  }
0xc5: {  	s6 =	sand.u32 $0x1FFFFFF0, s5;
	s23 =	sand.u32 $0x1FFFFFF0, s23;
	s5 =	spop (v2sf)  }
0xc6: {  	[tilespmem:s7], [sflag:$0x3] =	stream.strided.gather [hbm4b:s16+s10], $0x0, s11, s10, $0x38;
	(v2sf) =	vpush v0, $0x9;
	[tilespmem:$0x10600] =	vst v63  }
0xc7: {  	s0 =	sadd.s32 s3, s0;
	s22 =	sadd.s32 $0x4C0, s21;
	s24 =	spop (v2sf)  }
0xc8: {  	[tilespmem:s7], [sflag:$0x3] =	stream.linear.gather [hbm4b:s16+s2], $0x40, $0x38;
	(v2sf) =	vpush v1, $0x9;
	[tilespmem:$0x10600] =	vst v63  }
0xc9: {  	s7 =	sand.u32 $0x1FFFFFF0, s5;
	s5 =	sand.u32 $0x1FFFFFF0, s24;
	s16 =	spop (v2sf)  }
0xca: {  	[tilespmem:s22], [sflag:$0x4] =	stream.strided.gather [hbm4b:s0+s10], $0x0, s11, s10, $0x38;
	(v2sf) =	vpush v0, $0xA;
	[tilespmem:$0x10600] =	vst v63  }
0xcb: {  	s1 =	sadd.s32 s4, s1;
	s24 =	sadd.s32 $0x84C0, s21;
	s26 =	spop (v2sf)  }
0xcc: {  	[tilespmem:s22], [sflag:$0x4] =	stream.linear.gather [hbm4b:s0+s2], $0x40, $0x38;
	(v2sf) =	vpush v1, $0xA;
	[tilespmem:$0x10600] =	vst v63  }
0xcd: {  	s25 =	sand.u32 $0x1FFFFFF0, s16;
	s0 =	sand.u32 $0x1FFFFFF0, s26;
	s16 =	spop (v2sf)  }
0xce: {  	[tilespmem:s24], [sflag:$0x4] =	stream.strided.gather [hbm4b:s1+s10], $0x0, s11, s10, $0x38;
	(v2sf) =	vpush v0, $0xB;
	[tilespmem:$0x10600] =	vst v63  }
0xcf: {  	s6 =	sadd.s32 s3, s6;
	s26 =	sadd.s32 $0x500, s21;
	s22 =	spop (v2sf)  }
0xd0: {  	[tilespmem:s24], [sflag:$0x4] =	stream.linear.gather [hbm4b:s1+s2], $0x40, $0x38;
	(v2sf) =	vpush v1, $0xB;
	[tilespmem:$0x10600] =	vst v63  }
0xd1: {  	s24 =	sand.u32 $0x1FFFFFF0, s16;
	s22 =	sand.u32 $0x1FFFFFF0, s22;
	s1 =	spop (v2sf)  }
0xd2: {  	[tilespmem:s26], [sflag:$0x1] =	stream.strided.gather [hbm4b:s6+s10], $0x0, s11, s10, $0x38;
	(v2sf) =	vpush v0, $0xC;
	[tilespmem:$0x10600] =	vst v63  }
0xd3: {  	s28 =	sadd.s32 $0x8500, s21;
	s29 =	sadd.s32 s4, s23;
	s16 =	spop (v2sf)  }
0xd4: {  	[tilespmem:s26], [sflag:$0x1] =	stream.linear.gather [hbm4b:s6+s2], $0x40, $0x38;
	(v2sf) =	vpush v1, $0xC;
	[tilespmem:$0x10600] =	vst v63  }
0xd5: {  	s23 =	sand.u32 $0x1FFFFFF0, s1;
	s16 =	sand.u32 $0x1FFFFFF0, s16;
	s1 =	spop (v2sf)  }
0xd6: {  	[tilespmem:s28], [sflag:$0x1] =	stream.strided.gather [hbm4b:s29+s10], $0x0, s11, s10, $0x38;
	(v2sf) =	vpush v0, $0xD;
	[tilespmem:$0x10600] =	vst v63  }
0xd7: {  	s6 =	sadd.s32 $0x540, s21;
	s26 =	sadd.s32 s3, s7;
	s30 =	spop (v2sf)  }
0xd8: {  	[tilespmem:s28], [sflag:$0x1] =	stream.linear.gather [hbm4b:s29+s2], $0x40, $0x38;
	(v2sf) =	vpush v1, $0xD;
	[tilespmem:$0x10600] =	vst v63  }
0xd9: {  	s7 =	sand.u32 $0x1FFFFFF0, s1;
	s1 =	sand.u32 $0x1FFFFFF0, s30;
	s28 =	spop (v2sf)  }
0xda: {  	[tilespmem:s6], [sflag:$0x2] =	stream.strided.gather [hbm4b:s26+s10], $0x0, s11, s10, $0x38;
	(v2sf) =	vpush v0, $0xE;
	[tilespmem:$0x10600] =	vst v63  }
0xdb: {  	s5 =	sadd.s32 s4, s5;
	s29 =	sadd.s32 $0x8540, s21;
	s30 =	spop (v2sf)  }
0xdc: {  	[tilespmem:s6], [sflag:$0x2] =	stream.linear.gather [hbm4b:s26+s2], $0x40, $0x38;
	[tilespmem:$0x10600] =	vst v63  }
0xdd: {  	s6 =	sand.u32 $0x1FFFFFF0, s28;
	s31 =	sand.u32 $0x1FFFFFF0, s30;
	s26 =	spop (v2sf)  }
0xde: {  	[tilespmem:s29], [sflag:$0x2] =	stream.strided.gather [hbm4b:s5+s10], $0x0, s11, s10, $0x38;
	(v2sf) =	vpush v1, $0xE;
	[tilespmem:$0x10600] =	vst v63  }
0xdf: {  	s25 =	sadd.s32 s3, s25;
	s28 =	sadd.s32 $0x580, s21;
	s30 =	spop (v2sf)  }
0xe0: {  	[tilespmem:s29], [sflag:$0x2] =	stream.linear.gather [hbm4b:s5+s2], $0x40, $0x38;
	(v2sf) =	vpush v0, $0xF;
	[tilespmem:$0x10600] =	vst v63  }
0xe1: {  	s5 =	sand.u32 $0x1FFFFFF0, s26;
	s29 =	sand.u32 $0x1FFFFFF0, s30;
	s26 =	spop (v2sf)  }
0xe2: {  	[tilespmem:s28], [sflag:$0x3] =	stream.strided.gather [hbm4b:s25+s10], $0x0, s11, s10, $0x38;
	(v2sf) =	vpush v1, $0xF;
	[tilespmem:$0x10600] =	vst v63  }
0xe3: {  	s8 =	sadd.s32 s4, s0;
	s30 =	sadd.s32 $0x8580, s21;
	s12 =	spop (v2sf)  }
0xe4: {  	[tilespmem:s28], [sflag:$0x3] =	stream.linear.gather [hbm4b:s25+s2], $0x40, $0x38;
	[tilespmem:$0x10600] =	vst v63  }
0xe5: {  	s0 =	sand.u32 $0x1FFFFFF0, s26;
	s28 =	sand.u32 $0x1FFFFFF0, s12;
	s12 =	spop (v2sf)  }
0xe6: {  	[tilespmem:s30], [sflag:$0x3] =	stream.strided.gather [hbm4b:s8+s10], $0x0, s11, s10, $0x38;
	[tilespmem:$0x10600] =	vst v63  }
0xe7: {  	s13 =	sadd.s32 s3, s24;
	s25 =	sadd.s32 $0x5C0, s21;
	s24 =	spop (v2sf)  }
0xe8: {  	[tilespmem:s30], [sflag:$0x3] =	stream.linear.gather [hbm4b:s8+s2], $0x40, $0x38;
	[tilespmem:$0x10600] =	vst v63  }
0xe9: {  	s30 =	sand.u32 $0x1FFFFFF0, s12;
	s26 =	sand.u32 $0x1FFFFFF0, s24;
	s8 =	spop (v2sf)  }
0xea: {  	[tilespmem:s25], [sflag:$0x4] =	stream.strided.gather [hbm4b:s13+s10], $0x0, s11, s10, $0x38;
	[tilespmem:$0x10600] =	vst v63  }
0xeb: {  	s22 =	sadd.s32 s4, s22;
	s12 =	sadd.s32 $0x85C0, s21;
	s24 =	sand.u32 $0x1FFFFFF0, s8  }
0xec: {  	[tilespmem:s25], [sflag:$0x4] =	stream.linear.gather [hbm4b:s13+s2], $0x40, $0x38;
	[tilespmem:$0x10600] =	vst v63  }
0xed: {  	s25 =	spop (v2sf)  }
0xee: {  	[tilespmem:s12], [sflag:$0x4] =	stream.strided.gather [hbm4b:s22+s10], $0x0, s11, s10, $0x38;
	[tilespmem:$0x10600] =	vst v63  }
0xef: {  	s8 =	sadd.s32 $0x600, s21;
	s13 =	sadd.s32 s3, s23;
	s23 =	spop (v2sf)  }
0xf0: {  	[tilespmem:s12], [sflag:$0x4] =	stream.linear.gather [hbm4b:s22+s2], $0x40, $0x38;
	[tilespmem:$0x10600] =	vst v63  }
0xf1: {  	s23 =	sand.u32 $0x1FFFFFF0, s23;
	s22 =	spop (v2sf)  }
0xf2: {  	[tilespmem:s8], [sflag:$0x1] =	stream.strided.gather [hbm4b:s13+s10], $0x0, s11, s10, $0x38;
	[tilespmem:$0x10600] =	vst v63  }
0xf3: {  	s16 =	sadd.s32 s4, s16;
	s12 =	sadd.s32 $0x8600, s21  }
0xf4: {  	[tilespmem:s8], [sflag:$0x1] =	stream.linear.gather [hbm4b:s13+s2], $0x40, $0x38;
	[tilespmem:$0x10600] =	vst v63  }
0xf5: {  	_ = 	snop  }
0xf6: {  	[tilespmem:s12], [sflag:$0x1] =	stream.strided.gather [hbm4b:s16+s10], $0x0, s11, s10, $0x38;
	[tilespmem:$0x10600] =	vst v63  }
0xf7: {  	s7 =	sadd.s32 s3, s7;
	s8 =	sadd.s32 $0x640, s21  }
0xf8: {  	[tilespmem:s12], [sflag:$0x1] =	stream.linear.gather [hbm4b:s16+s2], $0x40, $0x38;
	[tilespmem:$0x10600] =	vst v63  }
0xf9: {  	_ = 	snop  }
0xfa: {  	[tilespmem:s8], [sflag:$0x2] =	stream.strided.gather [hbm4b:s7+s10], $0x0, s11, s10, $0x38;
	[tilespmem:$0x10600] =	vst v63  }
0xfb: {  	s1 =	sadd.s32 s4, s1;
	s12 =	sadd.s32 $0x8640, s21  }
0xfc: {  	[tilespmem:s8], [sflag:$0x2] =	stream.linear.gather [hbm4b:s7+s2], $0x40, $0x38;
	[tilespmem:$0x10600] =	vst v63  }
0xfd: {  	_ = 	snop  }
0xfe: {  	[tilespmem:s12], [sflag:$0x2] =	stream.strided.gather [hbm4b:s1+s10], $0x0, s11, s10, $0x38;
	[tilespmem:$0x10600] =	vst v63  }
0xff: {  	s6 =	sadd.s32 s3, s6;
	s7 =	sadd.s32 $0x680, s21  }
0x100: {  	[tilespmem:s12], [sflag:$0x2] =	stream.linear.gather [hbm4b:s1+s2], $0x40, $0x38;
	[tilespmem:$0x10600] =	vst v63  }
0x101: {  	_ = 	snop  }
0x102: {  	[tilespmem:s7], [sflag:$0x3] =	stream.strided.gather [hbm4b:s6+s10], $0x0, s11, s10, $0x38;
	[tilespmem:$0x10600] =	vst v63  }
0x103: {  	s8 =	sadd.s32 s4, s31;
	s1 =	sadd.s32 $0x8680, s21  }
0x104: {  	[tilespmem:s7], [sflag:$0x3] =	stream.linear.gather [hbm4b:s6+s2], $0x40, $0x38;
	[tilespmem:$0x10600] =	vst v63  }
0x105: {  	_ = 	snop  }
0x106: {  	[tilespmem:s1], [sflag:$0x3] =	stream.strided.gather [hbm4b:s8+s10], $0x0, s11, s10, $0x38;
	[tilespmem:$0x10600] =	vst v63  }
0x107: {  	s5 =	sadd.s32 s3, s5;
	s6 =	sadd.s32 $0x6C0, s21  }
0x108: {  	[tilespmem:s1], [sflag:$0x3] =	stream.linear.gather [hbm4b:s8+s2], $0x40, $0x38;
	[tilespmem:$0x10600] =	vst v63  }
0x109: {  	_ = 	snop  }
0x10a: {  	[tilespmem:s6], [sflag:$0x4] =	stream.strided.gather [hbm4b:s5+s10], $0x0, s11, s10, $0x38;
	[tilespmem:$0x10600] =	vst v63  }
0x10b: {  	s7 =	sadd.s32 s4, s29;
	s1 =	sadd.s32 $0x86C0, s21  }
0x10c: {  	[tilespmem:s6], [sflag:$0x4] =	stream.linear.gather [hbm4b:s5+s2], $0x40, $0x38;
	[tilespmem:$0x10600] =	vst v63  }
0x10d: {  	_ = 	snop  }
0x10e: {  	[tilespmem:s1], [sflag:$0x4] =	stream.strided.gather [hbm4b:s7+s10], $0x0, s11, s10, $0x38;
	[tilespmem:$0x10600] =	vst v63  }
0x10f: {  	s0 =	sadd.s32 s3, s0;
	s5 =	sadd.s32 $0x700, s21  }
0x110: {  	[tilespmem:s1], [sflag:$0x4] =	stream.linear.gather [hbm4b:s7+s2], $0x40, $0x38;
	[tilespmem:$0x10600] =	vst v63  }
0x111: {  	_ = 	snop  }
0x112: {  	[tilespmem:s5], [sflag:$0x1] =	stream.strided.gather [hbm4b:s0+s10], $0x0, s11, s10, $0x38;
	[tilespmem:$0x10600] =	vst v63  }
0x113: {  	s6 =	sadd.s32 s4, s28;
	s1 =	sadd.s32 $0x8700, s21  }
0x114: {  	[tilespmem:s5], [sflag:$0x1] =	stream.linear.gather [hbm4b:s0+s2], $0x40, $0x38;
	[tilespmem:$0x10600] =	vst v63  }
0x115: {  	_ = 	snop  }
0x116: {  	[tilespmem:s1], [sflag:$0x1] =	stream.strided.gather [hbm4b:s6+s10], $0x0, s11, s10, $0x38;
	[tilespmem:$0x10600] =	vst v63  }
0x117: {  	s0 =	sadd.s32 $0x740, s21;
	s5 =	sadd.s32 s3, s30  }
0x118: {  	[tilespmem:s1], [sflag:$0x1] =	stream.linear.gather [hbm4b:s6+s2], $0x40, $0x38;
	[tilespmem:$0x10600] =	vst v63  }
0x119: {  	_ = 	snop  }
0x11a: {  	[tilespmem:s0], [sflag:$0x2] =	stream.strided.gather [hbm4b:s5+s10], $0x0, s11, s10, $0x38;
	[tilespmem:$0x10600] =	vst v63  }
0x11b: {  	s1 =	sadd.s32 $0x8740, s21;
	s6 =	sadd.s32 s4, s26  }
0x11c: {  	[tilespmem:s0], [sflag:$0x2] =	stream.linear.gather [hbm4b:s5+s2], $0x40, $0x38;
	[tilespmem:$0x10600] =	vst v63  }
0x11d: {  	_ = 	snop  }
0x11e: {  	[tilespmem:s1], [sflag:$0x2] =	stream.strided.gather [hbm4b:s6+s10], $0x0, s11, s10, $0x38;
	[tilespmem:$0x10600] =	vst v63  }
0x11f: {  	s0 =	sadd.s32 $0x780, s21;
	s5 =	sadd.s32 s3, s24  }
0x120: {  	[tilespmem:s1], [sflag:$0x2] =	stream.linear.gather [hbm4b:s6+s2], $0x40, $0x38;
	[tilespmem:$0x10600] =	vst v63  }
0x121: {  	s1 =	sand.u32 $0x1FFFFFF0, s25  }
0x122: {  	[tilespmem:s0], [sflag:$0x3] =	stream.strided.gather [hbm4b:s5+s10], $0x0, s11, s10, $0x38;
	[tilespmem:$0x10600] =	vst v63  }
0x123: {  	s6 =	sadd.s32 $0x8780, s21;
	s1 =	sadd.s32 s4, s1  }
0x124: {  	[tilespmem:s0], [sflag:$0x3] =	stream.linear.gather [hbm4b:s5+s2], $0x40, $0x38;
	[tilespmem:$0x10600] =	vst v63  }
0x125: {  	_ = 	snop  }
0x126: {  	[tilespmem:s6], [sflag:$0x3] =	stream.strided.gather [hbm4b:s1+s10], $0x0, s11, s10, $0x38;
	[tilespmem:$0x10600] =	vst v63  }
0x127: {  	s7 =	sadd.s32 s3, s23;
	s5 =	sadd.s32 $0x7C0, s21  }
0x128: {  	[tilespmem:s6], [sflag:$0x3] =	stream.linear.gather [hbm4b:s1+s2], $0x40, $0x38;
	[tilespmem:$0x10600] =	vst v63  }
0x129: {  	s1 =	sand.u32 $0x1FFFFFF0, s22  }
0x12a: {  	[tilespmem:s5], [sflag:$0x4] =	stream.strided.gather [hbm4b:s7+s10], $0x0, s11, s10, $0x38;
	[tilespmem:$0x10600] =	vst v63  }
.Ltmp0:
0x12b: {  	_ = 	snop;
	(pc) =	sbr.rel @p0 .LBB2_2-.Ltmp0, $4  }
0x12c: {  	s0 =	sadd.s32 $0x87C0, s21;
	s1 =	sadd.s32 s4, s1  }
0x12d: {  	[tilespmem:s5], [sflag:$0x4] =	stream.linear.gather [hbm4b:s7+s2], $0x40, $0x38;
	[tilespmem:$0x10600] =	vst v63  }
0x12e: {  	_ = 	snop  }
0x12f: {  	[tilespmem:s0], [sflag:$0x4] =	stream.strided.gather [hbm4b:s1+s10], $0x0, s11, s10, $0x38;
	[tilespmem:$0x10600] =	vst v63  }
0x130: {  	[tilespmem:s0], [sflag:$0x4] =	stream.linear.gather [hbm4b:s1+s2], $0x40, $0x38;
	[tilespmem:$0x10600] =	vst v63  }
0x131: {  	s30 =	simm.s32 $0x1  }
0x132: {  	_ =	swait.ge [sflag:s30], $0x4000  }
0x133: {  	[sflag:s30] =	ssyncset.done $0x0  }
0x134: {  	s31 =	simm.s32 $0x2;
	[sflag:s30] =	ssyncadd.s32 $0xFFFFC000  }
0x135: {  	_ =	swait.ge [sflag:s31], $0x4000  }
0x136: {  	[sflag:s31] =	ssyncset.done $0x0  }
0x137: {  	[sflag:s31] =	ssyncadd.s32 $0xFFFFC000  }
0x138: {  	_ =	swait.ge [sflag:s14], $0x4000  }
0x139: {  	[sflag:s14] =	ssyncset.done $0x0  }
0x13a: {  	[sflag:s14] =	ssyncadd.s32 $0xFFFFC000  }
0x13b: {  	_ =	swait.ge [sflag:s15], $0x4000  }
0x13c: {  	[sflag:s15] =	ssyncset.done $0x0  }
0x13d: {  	s18 =	simm.s32 $0x0;
	[sflag:s15] =	ssyncadd.s32 $0xFFFFC000  }
0x13e: {  	v20 =	vld [tilespmem:s18+$0x7B0]  }
0x13f: {  	v21 =	vld [tilespmem:s18+$0x87B0]  }
0x140: {  	v0 =	vld [tilespmem:s18+$0x7C0]  }
0x141: {  	v51 =	vld [tilespmem:s18+$0x87C0]  }
0x142: {  	v52 =	vld [tilespmem:s18+$0x7D0]  }
0x143: {  	v53 =	vld [tilespmem:s18+$0x87D0]  }
0x144: {  	v22 =	vld [tilespmem:s18+$0x7A0]  }
0x145: {  	v23 =	vld [tilespmem:s18+$0x87A0]  }
0x146: {  	v24 =	vld [tilespmem:s18+$0x730]  }
0x147: {  	v25 =	vld [tilespmem:s18+$0x8730]  }
0x148: {  	v54 =	vld [tilespmem:s18+$0x760]  }
0x149: {  	v26 =	vld [tilespmem:s18+$0x780]  }
0x14a: {  	v27 =	vld [tilespmem:s18+$0x8780]  }
0x14b: {  	v28 =	vld [tilespmem:s18+$0x790]  }
0x14c: {  	v29 =	vld [tilespmem:s18+$0x8790]  }
0x14d: {  	v55 =	vld [tilespmem:s18+$0x6F0]  }
0x14e: {  	v56 =	vld [tilespmem:s18+$0x86F0]  }
0x14f: {  	v32 =	vld [tilespmem:s18+$0x720]  }
0x150: {  	v33 =	vld [tilespmem:s18+$0x8720]  }
0x151: {  	v57 =	vld [tilespmem:s18+$0x740]  }
0x152: {  	v58 =	vld [tilespmem:s18+$0x8740]  }
0x153: {  	v59 =	vld [tilespmem:s18+$0x750]  }
0x154: {  	v60 =	vld [tilespmem:s18+$0x8750]  }
0x155: {  	v34 =	vld [tilespmem:s18+$0x6E0]  }
0x156: {  	v35 =	vld [tilespmem:s18+$0x86E0]  }
0x157: {  	v36 =	vld [tilespmem:s18+$0x700]  }
0x158: {  	v37 =	vld [tilespmem:s18+$0x8700]  }
0x159: {  	v38 =	vld [tilespmem:s18+$0x710]  }
0x15a: {  	v39 =	vld [tilespmem:s18+$0x8710]  }
0x15b: {  	v40 =	vld [tilespmem:s18+$0x670]  }
0x15c: {  	v41 =	vld [tilespmem:s18+$0x8670]  }
0x15d: {  	v61 =	vld [tilespmem:s18+$0x6A0]  }
0x15e: {  	v42 =	vld [tilespmem:s18+$0x6C0]  }
0x15f: {  	v43 =	vld [tilespmem:s18+$0x86C0]  }
0x160: {  	v44 =	vld [tilespmem:s18+$0x6D0]  }
0x161: {  	v45 =	vld [tilespmem:s18+$0x86D0]  }
0x162: {  	v46 =	vld [tilespmem:s18+$0x630]  }
0x163: {  	v47 =	vld [tilespmem:s18+$0x8630]  }
0x164: {  	v48 =	vld [tilespmem:s18+$0x660]  }
0x165: {  	v49 =	vld [tilespmem:s18+$0x8660]  }
0x166: {  	v62 =	vld [tilespmem:s18+$0x680]  }
0x167: {  	v63 =	vld [tilespmem:s18+$0x8680]  }
0x168: {  	v4 =	vld [tilespmem:s18+$0x690]  }
0x169: {  	v5 =	vld [tilespmem:s18+$0x8690]  }
0x16a: {  	v50 =	vld [tilespmem:s18+$0x620]  }
0x16b: {  	v6 =	vld [tilespmem:s18+$0x5E0]  }
0x16c: {  	v13 =	vld [tilespmem:s18+$0x5A0]  }
0x16d: {  	v10 =	vld [tilespmem:s18+$0x85A0]  }
0x16e: {  	v7 =	vld [tilespmem:s18+$0x5C0]  }
0x16f: {  	v8 =	vld [tilespmem:s18+$0x85C0]  }
0x170: {  	v9 =	vld [tilespmem:s18+$0x5D0]  }
0x171: {  	v11 =	vld [tilespmem:s18+$0x85D0]  }
0x172: {  	v15 =	vld [tilespmem:s18+$0x560]  }
0x173: {  	v14 =	vld [tilespmem:s18+$0x8560]  }
0x174: {  	v3 =	vld [tilespmem:s18+$0x580]  }
0x175: {  	v2 =	vld [tilespmem:s18+$0x8580]  }
0x176: {  	v1 =	vld [tilespmem:s18+$0x590]  }
0x177: {  	v17 =	vld [tilespmem:s18+$0x4F0]  }
0x178: {  	v16 =	vld [tilespmem:s18+$0x84F0]  }
0x179: {  	v31 =	vld [tilespmem:s18+$0x4B0]  }
0x17a: {  	v30 =	vld [tilespmem:s18+$0x84B0]  }
0x17b: {  	v19 =	vld [tilespmem:s18+$0x430]  }
0x17c: {  	v18 =	vld [tilespmem:s18+$0x8430]  }
0x17d: {  	v12 =	vld [tilespmem:s18+$0x4A0]  }
0x17e: {  	[tilespmem:$0x1FE70] =	vst v51;
	v51 =	vld [tilespmem:s18+$0x8620]  }
0x17f: {  	[tilespmem:$0x1FE80] =	vst v52;
	v52 =	vld [tilespmem:s18+$0x640]  }
0x180: {  	[tilespmem:$0x1FE90] =	vst v53;
	v53 =	vld [tilespmem:s18+$0x8640]  }
0x181: {  	[tilespmem:$0x1FE50] =	vst v54;
	v54 =	vld [tilespmem:s18+$0x650]  }
0x182: {  	[tilespmem:$0x1FD00] =	vst v55;
	v55 =	vld [tilespmem:s18+$0x8650]  }
0x183: {  	[tilespmem:$0x1FD10] =	vst v56;
	v56 =	vld [tilespmem:s18+$0x5B0]  }
0x184: {  	[tilespmem:$0x1FE10] =	vst v57;
	v57 =	vld [tilespmem:s18+$0x85B0]  }
0x185: {  	[tilespmem:$0x1FE20] =	vst v58;
	v58 =	vld [tilespmem:s18+$0x600]  }
0x186: {  	[tilespmem:$0x1FE30] =	vst v59;
	v59 =	vld [tilespmem:s18+$0x8600]  }
0x187: {  	[tilespmem:$0x1FE40] =	vst v60;
	v60 =	vld [tilespmem:s18+$0x610]  }
0x188: {  	[tilespmem:$0x1FE00] =	vst v61;
	v61 =	vld [tilespmem:s18+$0x8610]  }
0x189: {  	[tilespmem:$0x1FDC0] =	vst v62;
	v62 =	vld [tilespmem:s18+$0x570]  }
0x18a: {  	[tilespmem:$0x1FDD0] =	vst v63;
	v63 =	vld [tilespmem:s18+$0x8570]  }
0x18b: {  	[tilespmem:$0x1FE60] =	vst v0;
	v0 =	vld [tilespmem:s18+$0x8590]  }
0x18c: {  	[tilespmem:$0x1FDE0] =	vst v4;
	v4 =	vld [tilespmem:s18+$0x520]  }
0x18d: {  	[tilespmem:$0x1FD70] =	vst v7;
	v7 =	vld [tilespmem:s18+$0x540]  }
0x18e: {  	[tilespmem:$0x1FDB0] =	vst v6;
	v6 =	vld [tilespmem:s18+$0x8540]  }
0x18f: {  	[tilespmem:$0x1FDF0] =	vst v5;
	v5 =	vld [tilespmem:s18+$0x550]  }
0x190: {  	[tilespmem:$0x1FD90] =	vst v9;
	v9 =	vld [tilespmem:s18+$0x4E0]  }
0x191: {  	[tilespmem:$0x1FD80] =	vst v8;
	v8 =	vld [tilespmem:s18+$0x84E0]  }
0x192: {  	[tilespmem:$0x1FDA0] =	vst v11;
	v11 =	vld [tilespmem:s18+$0x500]  }
0x193: {  	v26 =	vmul.f32 v27, v26;
	v27 =	vmul.f32 v29, v28;
	v28 =	vld [tilespmem:s18+$0x4C0]  }
0x194: {  	v29 =	vmul.f32 v37, v36;
	v37 =	vld [tilespmem:s18+$0x84C0]  }
0x195: {  	v22 =	vmul.f32 v23, v22;
	v23 =	vld [tilespmem:s18+$0x4D0]  }
0x196: {  	v24 =	vmul.f32 v25, v24;
	v25 =	vld [tilespmem:s18+$0x8420]  }
0x197: {  	v36 =	vmul.f32 v39, v38;
	v39 =	vld [tilespmem:$0x1FD70]  }
0x198: {  	v20 =	vmul.f32 v21, v20;
	v40 =	vmul.f32 v41, v40;
	v41 =	vld [tilespmem:$0x1FD90]  }
0x199: {  	v26 =	vadd.f32 v27, v26;
	v21 =	vadd.f32 v36, v29;
	v27 =	vmul.f32 v33, v32;
	v29 =	vld [tilespmem:s18+$0x84D0]  }
0x19a: {  	v33 =	vld [tilespmem:s18+$0x420]  }
0x19b: {  	v21 =	vadd.f32 v27, v21;
	v27 =	vld [tilespmem:s18+$0x480]  }
0x19c: {  	[tilespmem:$0x1FD60] =	vst v4;
	v4 =	vld [tilespmem:s18+$0x8550]  }
0x19d: {  	[tilespmem:$0x1FD20] =	vst v11;
	v11 =	vld [tilespmem:s18+$0x8500]  }
0x19e: {  	v22 =	vadd.f32 v22, v26;
	v26 =	vmul.f32 v43, v42;
	v43 =	vmul.f32 v53, v52;
	v52 =	vld [tilespmem:s18+$0x490]  }
0x19f: {  	v53 =	vld [tilespmem:$0x1FD00]  }
0x1a0: {  	v42 =	vmul.f32 v45, v44;
	v44 =	vmul.f32 v55, v54;
	v54 =	vld [tilespmem:$0x1FD10]  }
0x1a1: {  	v45 =	vmul.f32 v61, v60;
	v60 =	vld [tilespmem:s18+$0x8400]  }
0x1a2: {  	v61 =	vld [tilespmem:s18+$0x400]  }
0x1a3: {  	v55 =	vmul.f32 v49, v48;
	v48 =	vmul.f32 v14, v15;
	v14 =	vld [tilespmem:s18+$0x450]  }
0x1a4: {  	v49 =	vld [tilespmem:s18+$0x8450]  }
0x1a5: {  	v21 =	vadd.f32 v24, v21;
	v24 =	vld [tilespmem:s18+$0x8480]  }
0x1a6: {  	v20 =	vadd.f32 v20, v22;
	v22 =	vadd.f32 v42, v26;
	v42 =	vld [tilespmem:s18+$0x410]  }
0x1a7: {  	v15 =	vmul.f32 v63, v62;
	v62 =	vld [tilespmem:$0x1FD20]  }
0x1a8: {  	v26 =	vmul.f32 v35, v34;
	v35 =	vld [tilespmem:s18+$0x5F0]  }
0x1a9: {  	v36 =	vld [tilespmem:$0x1FD60]  }
0x1aa: {  	v32 =	vadd.f32 v44, v43;
	v43 =	vmul.f32 v10, v13;
	v44 =	vld [tilespmem:s18+$0x8410]  }
0x1ab: {  	v13 =	vmul.f32 v29, v23;
	v23 =	vmul.f32 v57, v56;
	v56 =	vld [tilespmem:s18+$0x8520]  }
0x1ac: {  	[tilespmem:$0x1FD30] =	vst v11;
	v11 =	vld [tilespmem:s18+$0x510]  }
0x1ad: {  	v22 =	vadd.f32 v26, v22;
	v26 =	vmul.f32 v59, v58;
	v58 =	vld [tilespmem:s18+$0x8490]  }
0x1ae: {  	v59 =	vmul.f32 v51, v50;
	v51 =	vmul.f32 v16, v17;
	v16 =	vld [tilespmem:s18+$0x8460]  }
0x1af: {  	v32 =	vadd.f32 v55, v32;
	v55 =	vmul.f32 v49, v14;
	v14 =	vld [tilespmem:s18+$0x8530]  }
0x1b0: {  	v38 =	vmul.f32 v54, v53;
	v26 =	vadd.f32 v45, v26;
	v50 =	vmul.f32 v24, v27;
	v24 =	vld [tilespmem:s18+$0x460]  }
0x1b1: {  	v6 =	vmul.f32 v6, v7;
	v4 =	vmul.f32 v4, v5;
	v32 =	vadd.f32 v40, v32;
	[tilespmem:$0x1FD40] =	vst v11;
	v11 =	vld [tilespmem:s18+$0x8510]  }
0x1b2: {  	(xrf2) =	vadd.scan.msk.f32 $0xffff, v20;
	v40 =	vld [tilespmem:$0x1FD80];
	v38 =	vadd.f32 v38, v22;
	v22 =	vadd.f32 v59, v26;
	v26 =	vmul.f32 v47, v46  }
0x1b3: {  	(xrf2) =	vadd.scan.msk.f32 $0xffff, v21;
	v46 =	vld [tilespmem:s18+$0x440];
	v4 =	vadd.f32 v4, v6  }
0x1b4: {  	v2 =	vmul.f32 v2, v3;
	v0 =	vmul.f32 v0, v1;
	v45 =	vadd.f32 v26, v22;
	v22 =	vld [tilespmem:s18+$0x8440];
	(xrf2) =	vadd.scan.msk.f32 $0xffff, v38  }
0x1b5: {  	v4 =	vadd.f32 v48, v4;
	(xrf2) =	vadd.scan.msk.f32 $0xffff, v32;
	v32 =	vld [tilespmem:$0x1FD40]  }
0x1b6: {  	v0 =	vadd.f32 v0, v2;
	[tilespmem:$0x1FD50] =	vst v11;
	v11 =	vld [tilespmem:s18+$0x84A0]  }
0x1b7: {  	v47 =	vmul.f32 v37, v28;
	v4 =	vadd.f32 v15, v4;
	v15 =	vld [tilespmem:$0x1FD50]  }
0x1b8: {  	v0 =	vadd.f32 v43, v0;
	v37 =	vld [tilespmem:s18+$0x85F0]  }
0x1b9: {  	v10 =	vmul.f32 v44, v42;
	v42 =	vld [tilespmem:$0x1FDA0];
	v2 =	vadd.f32 v13, v47;
	v13 =	vmul.f32 v58, v52  }
0x1ba: {  	v1 =	vmul.f32 v60, v61;
	v0 =	vadd.f32 v23, v0;
	v47 =	vld [tilespmem:$0x1FDB0]  }
0x1bb: {  	v6 =	vadd.f32 v13, v50;
	v13 =	vld [tilespmem:s18+$0x530];
	v54 =	vmul.f32 v22, v46;
	v11 =	vmul.f32 v11, v12  }
0x1bc: {  	v1 =	vadd.f32 v10, v1;
	v58 =	vmul.f32 v25, v33;
	v10 =	vmul.f32 v15, v32;
	v15 =	vld [tilespmem:s18+$0x85E0]  }
0x1bd: {  	v52 =	vld [tilespmem:s18+$0x8470];
	(xrf2) =	vadd.scan.msk.f32 $0xffff, v45;
	v60 =	vmul.f32 v16, v24;
	v53 =	vadd.f32 v11, v6;
	v6 =	vadd.f32 v55, v54  }
0x1be: {  	v61 =	vadd.f32 v58, v1;
	(xrf2) =	vadd.scan.msk.f32 $0xffff, v0;
	v12 =	vld [tilespmem:s18+$0x470]  }
0x1bf: {  	v58 =	vld [tilespmem:$0x1FE10];
	(xrf2) =	vadd.scan.msk.f32 $0xffff, v4;
	v4 =	vmul.f32 v40, v39;
	v33 =	vadd.f32 v60, v6;
	v6 =	vmul.f32 v42, v41  }
0x1c0: {  	v45 =	vmul.f32 v14, v13;
	v14 =	vld [tilespmem:$0x1FE20]  }
0x1c1: {  	v17 =	vld [tilespmem:$0x1FE70];
	v4 =	vadd.f32 v6, v4;
	v6 =	vmul.f32 v15, v47  }
0x1c2: {  	v63 =	vld [tilespmem:$0x1FD30]  }
0x1c3: {  	v5 =	vmul.f32 v37, v35;
	v34 =	vmul.f32 v52, v12;
	v52 =	vld [tilespmem:$0x1FDE0];
	v4 =	vadd.f32 v6, v4  }
0x1c4: {  	v15 =	vld [tilespmem:$0x1FE40]  }
0x1c5: {  	v4 =	vadd.f32 v5, v4;
	v5 =	vmul.f32 v14, v58;
	v14 =	vld [tilespmem:$0x1FE30]  }
0x1c6: {  	v8 =	vmul.f32 v8, v9;
	v12 =	vld [tilespmem:$0x1FDF0]  }
0x1c7: {  	v43 =	vld [tilespmem:s18+$0x86A0]  }
0x1c8: {  	v48 =	vld [tilespmem:s18+$0x86B0];
	v2 =	vadd.f32 v8, v2  }
0x1c9: {  	v57 =	vmul.f32 v30, v31;
	v50 =	vld [tilespmem:$0x1FDC0]  }
0x1ca: {  	v59 =	vmul.f32 v18, v19;
	v2 =	vadd.f32 v51, v2;
	v51 =	vld [tilespmem:$0x1FDD0];
	v14 =	vmul.f32 v15, v14  }
0x1cb: {  	v1 =	vmul.f32 v63, v62;
	v11 =	vmul.f32 v12, v52;
	v12 =	vld [tilespmem:s18+$0x8760]  }
0x1cc: {  	v3 =	vadd.f32 v57, v53;
	v5 =	vadd.f32 v14, v5;
	v14 =	vld [tilespmem:$0x1FE50]  }
0x1cd: {  	v0 =	vadd.f32 v59, v61;
	(xrf2) =	vadd.scan.msk.f32 $0xffff, v2;
	v2 =	vmul.f32 v56, v36;
	v55 =	vld [tilespmem:$0x1FE00];
	v1 =	vadd.f32 v10, v1  }
0x1ce: {  	v62 =	vld [tilespmem:$0x1FE60];
	(xrf2) =	vadd.scan.msk.f32 $0xffff, v3;
	v38 =	vadd.f32 v34, v33  }
0x1cf: {  	v46 =	vld [tilespmem:s18+$0x6B0];
	v44 =	vadd.f32 v2, v1;
	(xrf2) =	vadd.scan.msk.f32 $0xffff, v0  }
0x1d0: {  	v63 =	vld [tilespmem:$0x1FE80];
	v9, _, _ =	vpop (xrf2);
	v1 =	vmul.f32 v51, v50;
	(xrf2) =	vadd.scan.msk.f32 $0xffff, v38  }
0x1d1: {  	v49, _, _ =	vpop (xrf2);
	v56 =	vld [tilespmem:s18+$0x8770];
	v0 =	vadd.f32 v45, v44;
	v12 =	vmul.f32 v12, v14  }
0x1d2: {  	v13, _, _ =	vpop (xrf2);
	v53 =	vld [tilespmem:s18+$0x770];
	v8 =	vmul.f32 v43, v55;
	v1 =	vadd.f32 v11, v1  }
0x1d3: {  	v54, _, _ =	vpop (xrf2);
	(xrf2) =	vadd.scan.msk.f32 $0xffff, v0;
	v5 =	vadd.f32 v12, v5;
	v12 =	vld [tilespmem:$0x1FE90]  }
0x1d4: {  	v59 =	vld [tilespmem:s18+$0x87E0];
	v57, _, _ =	vpop (xrf2);
	v2 =	vmul.f32 v48, v46;
	v1 =	vadd.f32 v8, v1  }
0x1d5: {  	v16, _, _ =	vpop (xrf2);
	v15 =	vld [tilespmem:s18+$0x7E0]  }
0x1d6: {  	v60, _, _ =	vpop (xrf2);
	(xrf2) =	vadd.scan.msk.f32 $0xffff, v4;
	v1 =	vadd.f32 v2, v1;
	v2 =	vmul.f32 v17, v62;
	v17 =	vld [tilespmem:s18+$0x87F0]  }
0x1d7: {  	v61, _, _ =	vpop (xrf2);
	v14 =	vld [tilespmem:s18+$0x7F0]  }
0x1d8: {  	v6 =	vmul.f32 v56, v53;
	v18, _, _ =	vpop (xrf2);
	v11 =	vmul.f32 v12, v63  }
0x1d9: {  	(xrf2) =	vadd.scan.msk.f32 $0xffff, v1;
	v12, _, _ =	vpop (xrf2)  }
0x1da: {  	v33 =	vmul.f32 v59, v15;
	v32 =	vadd.f32 v6, v5;
	v34, _, _ =	vpop (xrf2);
	v2 =	vadd.f32 v11, v2  }
0x1db: {  	v35 =	vbroadcast v12, $0xF;
	v6 =	vbroadcast v34, $0xF  }
0x1dc: {  	v36 =	vbroadcast v18, $0xF;
	v37 =	vmul.f32 v17, v14;
	(xrf2) =	vadd.scan.msk.f32 $0xffff, v32;
	v2 =	vadd.f32 v33, v2  }
0x1dd: {  	v4 =	vbroadcast v61, $0xF;
	v39, _, _ =	vpop (xrf2);
	v38 =	vsel vm0, v35, v6  }
0x1de: {  	v6 =	vbroadcast v39, $0xF;
	v1 =	vsel vm1, v38, v36;
	v2 =	vadd.f32 v37, v2  }
0x1df: {  	v40 =	vbroadcast v60, $0xF;
	v1 =	vsel vm2, v1, v4  }
0x1e0: {  	v41 =	vbroadcast v16, $0xF;
	v42, _, _ =	vpop (xrf2);
	v1 =	vsel vm3, v1, v6;
	(xrf2) =	vadd.scan.msk.f32 $0xffff, v2  }
0x1e1: {  	v43 =	vbroadcast v42, $0xF;
	v1 =	vsel vm4, v1, v40  }
0x1e2: {  	v0 =	vbroadcast v57, $0xF;
	v1 =	vsel vm5, v1, v41  }
0x1e3: {  	v44 =	vbroadcast v54, $0xF;
	v45, _, _ =	vpop (xrf2);
	v1 =	vsel vm6, v1, v43  }
0x1e4: {  	v46 =	vbroadcast v45, $0xF;
	v0 =	vsel vm7, v1, v0  }
0x1e5: {  	v47 =	vbroadcast v13, $0xF;
	v0 =	vsel vm8, v0, v44  }
0x1e6: {  	v48 =	vbroadcast v49, $0xF;
	v49, _, _ =	vpop (xrf2);
	v0 =	vsel vm9, v0, v46  }
0x1e7: {  	v50 =	vbroadcast v49, $0xF;
	v0 =	vsel vm10, v0, v47  }
0x1e8: {  	v51 =	vbroadcast v9, $0xF;
	v0 =	vsel vm11, v0, v48  }
0x1e9: {  	v0 =	vsel vm12, v0, v50  }
0x1ea: {  	v0 =	vsel vm13, v0, v51;
	v52, _, _ =	vpop (xrf2)  }
0x1eb: {  	v0 =	vsel vm14, v0, v52  }
0x1ec: {  	v0 =	vsub.f32 $0.0e+00, v0;
	_ =	sdelay $0x1  }
0x1ed: {  	v0 =	vmul.f32 $1.442695020e+00, v0;
	_ =	sdelay $0x1  }
0x1ee: {  	(erf) = vpow2.f32 v0;
	_ =	sdelay $0x8  }
0x1ef: {  	v0 =	vpop (erf)  }
0x1f0: {  	v0 =	vadd.f32 $1.000000000e+00, v0;
	_ =	sdelay $0x1  }
0x1f1: {  	(erf) = vrcp.f32 v0;
	_ =	sdelay $0x8  }
0x1f2: {  	s18 =	simm.s32 $0x10400;
	v0 =	vpop (erf)  }
0x1f3: {  	s19 =	simm.s32 $0x400;
	[tilespmem:s18+$0x0] =	vst v0  }
0x1f4: {  	v6 =	vld [tilespmem:s19+$0x7B0]  }
0x1f5: {  	v9 =	vld [tilespmem:s19+$0x87B0]  }
0x1f6: {  	v0 =	vld [tilespmem:s19+$0x7C0]  }
0x1f7: {  	v53 =	vld [tilespmem:s19+$0x87C0]  }
0x1f8: {  	v54 =	vld [tilespmem:s19+$0x7D0]  }
0x1f9: {  	v55 =	vld [tilespmem:s19+$0x87D0]  }
0x1fa: {  	v56 =	vld [tilespmem:s19+$0x7A0]  }
0x1fb: {  	v31 =	vld [tilespmem:s19+$0x87A0]  }
0x1fc: {  	v11 =	vld [tilespmem:s19+$0x730]  }
0x1fd: {  	v12 =	vld [tilespmem:s19+$0x8730]  }
0x1fe: {  	v57 =	vld [tilespmem:s19+$0x760]  }
0x1ff: {  	v26 =	vld [tilespmem:s19+$0x780]  }
0x200: {  	v32 =	vld [tilespmem:s19+$0x8780]  }
0x201: {  	v33 =	vld [tilespmem:s19+$0x790]  }
0x202: {  	v35 =	vld [tilespmem:s19+$0x8790]  }
0x203: {  	v14 =	vld [tilespmem:s19+$0x6F0]  }
0x204: {  	v23 =	vld [tilespmem:s19+$0x86F0]  }
0x205: {  	v58 =	vld [tilespmem:s19+$0x720]  }
0x206: {  	v63 =	vld [tilespmem:s19+$0x8720]  }
0x207: {  	v59 =	vld [tilespmem:s19+$0x740]  }
0x208: {  	v60 =	vld [tilespmem:s19+$0x8740]  }
0x209: {  	v61 =	vld [tilespmem:s19+$0x750]  }
0x20a: {  	v62 =	vld [tilespmem:s19+$0x8750]  }
0x20b: {  	v36 =	vld [tilespmem:s19+$0x6E0]  }
0x20c: {  	v34 =	vld [tilespmem:s19+$0x86E0]  }
0x20d: {  	v43 =	vld [tilespmem:s19+$0x700]  }
0x20e: {  	v44 =	vld [tilespmem:s19+$0x8700]  }
0x20f: {  	v45 =	vld [tilespmem:s19+$0x710]  }
0x210: {  	v46 =	vld [tilespmem:s19+$0x8710]  }
0x211: {  	v5 =	vld [tilespmem:s19+$0x670]  }
0x212: {  	v7 =	vld [tilespmem:s19+$0x8670]  }
0x213: {  	v4 =	vld [tilespmem:s19+$0x6A0]  }
0x214: {  	v49 =	vld [tilespmem:s19+$0x6C0]  }
0x215: {  	v1 =	vld [tilespmem:s19+$0x86C0]  }
0x216: {  	v2 =	vld [tilespmem:s19+$0x6D0]  }
0x217: {  	v52 =	vld [tilespmem:s19+$0x86D0]  }
0x218: {  	v3 =	vld [tilespmem:s19+$0x630]  }
0x219: {  	v8 =	vld [tilespmem:s19+$0x680]  }
0x21a: {  	v10 =	vld [tilespmem:s19+$0x8680]  }
0x21b: {  	v37 =	vld [tilespmem:s19+$0x690]  }
0x21c: {  	v38 =	vld [tilespmem:s19+$0x8690]  }
0x21d: {  	v50 =	vld [tilespmem:s19+$0x620]  }
0x21e: {  	v39 =	vld [tilespmem:s19+$0x8620]  }
0x21f: {  	v13 =	vld [tilespmem:s19+$0x5B0]  }
0x220: {  	v20 =	vld [tilespmem:s19+$0x85B0]  }
0x221: {  	v40 =	vld [tilespmem:s19+$0x5E0]  }
0x222: {  	v48 =	vld [tilespmem:s19+$0x8600]  }
0x223: {  	v47 =	vld [tilespmem:s19+$0x8610]  }
0x224: {  	v15 =	vld [tilespmem:s19+$0x5C0]  }
0x225: {  	v16 =	vld [tilespmem:s19+$0x85C0]  }
0x226: {  	v17 =	vld [tilespmem:s19+$0x5D0]  }
0x227: {  	v18 =	vld [tilespmem:s19+$0x85D0]  }
0x228: {  	v41 =	vld [tilespmem:s19+$0x560]  }
0x229: {  	v42 =	vld [tilespmem:s19+$0x8560]  }
0x22a: {  	v22 =	vld [tilespmem:s19+$0x8580]  }
0x22b: {  	v21 =	vld [tilespmem:s19+$0x8590]  }
0x22c: {  	v29 =	vld [tilespmem:s19+$0x4F0]  }
0x22d: {  	v30 =	vld [tilespmem:s19+$0x84F0]  }
0x22e: {  	v19 =	vld [tilespmem:s19+$0x520]  }
0x22f: {  	v27 =	vld [tilespmem:s19+$0x4B0]  }
0x230: {  	v28 =	vld [tilespmem:s19+$0x84B0]  }
0x231: {  	v51 =	vld [tilespmem:s19+$0x4E0]  }
0x232: {  	v24 =	vld [tilespmem:s19+$0x8500]  }
0x233: {  	v25 =	vld [tilespmem:s19+$0x510]  }
0x234: {  	[tilespmem:$0x1FF30] =	vst v4;
	v4 =	vld [tilespmem:s19+$0x8630]  }
0x235: {  	[tilespmem:$0x1FFA0] =	vst v58;
	v58 =	vld [tilespmem:s19+$0x660]  }
0x236: {  	[tilespmem:$0x1FEE0] =	vst v57;
	v57 =	vld [tilespmem:s19+$0x8660]  }
0x237: {  	[tilespmem:$0x1FEF0] =	vst v59;
	v59 =	vld [tilespmem:s19+$0x640]  }
0x238: {  	[tilespmem:$0x1FF00] =	vst v60;
	v60 =	vld [tilespmem:s19+$0x8640]  }
0x239: {  	[tilespmem:$0x1FF10] =	vst v61;
	v61 =	vld [tilespmem:s19+$0x650]  }
0x23a: {  	[tilespmem:$0x1FF20] =	vst v62;
	v62 =	vld [tilespmem:s19+$0x8650]  }
0x23b: {  	[tilespmem:$0x1FEC0] =	vst v54;
	v54 =	vld [tilespmem:s19+$0x600]  }
0x23c: {  	[tilespmem:$0x1FEB0] =	vst v53;
	v53 =	vld [tilespmem:s19+$0x610]  }
0x23d: {  	[tilespmem:$0x1FF40] =	vst v8;
	v8 =	vld [tilespmem:s19+$0x570]  }
0x23e: {  	[tilespmem:$0x1FF50] =	vst v10;
	v10 =	vld [tilespmem:s19+$0x8570]  }
0x23f: {  	[tilespmem:$0x1FF90] =	vst v56;
	v56 =	vld [tilespmem:s19+$0x5A0]  }
0x240: {  	[tilespmem:$0x1FED0] =	vst v55;
	v55 =	vld [tilespmem:s19+$0x85A0]  }
0x241: {  	[tilespmem:$0x1FF70] =	vst v38;
	v38 =	vld [tilespmem:s19+$0x580]  }
0x242: {  	[tilespmem:$0x1FF60] =	vst v37;
	v37 =	vld [tilespmem:s19+$0x590]  }
0x243: {  	[tilespmem:$0x1FFD0] =	vst v42;
	v42 =	vld [tilespmem:s19+$0x540]  }
0x244: {  	[tilespmem:$0x1FF80] =	vst v40;
	v40 =	vld [tilespmem:s19+$0x8540]  }
0x245: {  	[tilespmem:$0x1FFC0] =	vst v41;
	v41 =	vld [tilespmem:s19+$0x550]  }
0x246: {  	[tilespmem:$0x1FFB0] =	vst v39;
	v39 =	vld [tilespmem:s19+$0x8550]  }
0x247: {  	[tilespmem:$0x1FFE0] =	vst v51;
	v51 =	vld [tilespmem:s19+$0x84E0]  }
0x248: {  	v32 =	vmul.f32 v32, v26;
	v26 =	vld [tilespmem:s19+$0x8510];
	v43 =	vmul.f32 v44, v43  }
0x249: {  	v44 =	vmul.f32 v46, v45;
	v45 =	vmul.f32 v1, v49;
	v49 =	vld [tilespmem:s19+$0x4D0]  }
0x24a: {  	v1 =	vld [tilespmem:s19+$0x480]  }
0x24b: {  	v33 =	vmul.f32 v35, v33;
	v35 =	vld [tilespmem:$0x1FF90]  }
0x24c: {  	v46 =	vmul.f32 v52, v2;
	v52 =	vld [tilespmem:$0x1FFA0]  }
0x24d: {  	v5 =	vmul.f32 v7, v5;
	v7 =	vld [tilespmem:$0x1FFB0]  }
0x24e: {  	[tilespmem:$0x1FEA0] =	vst v0;
	v0 =	vadd.f32 v33, v32;
	v32 =	vld [tilespmem:s19+$0x8430]  }
0x24f: {  	v33 =	vld [tilespmem:s19+$0x4A0]  }
0x250: {  	v45 =	vadd.f32 v46, v45;
	v46 =	vld [tilespmem:s19+$0x4C0]  }
0x251: {  	v43 =	vadd.f32 v44, v43;
	v44 =	vld [tilespmem:s19+$0x84C0]  }
0x252: {  	v6 =	vmul.f32 v9, v6;
	v34 =	vmul.f32 v34, v36;
	[tilespmem:$0x1FFF0] =	vst v51;
	v51 =	vld [tilespmem:s19+$0x500]  }
0x253: {  	v21 =	vmul.f32 v21, v37;
	v37 =	vld [tilespmem:s19+$0x8400];
	v35 =	vmul.f32 v31, v35  }
0x254: {  	v22 =	vmul.f32 v22, v38;
	v38 =	vld [tilespmem:s19+$0x400];
	v2 =	vmul.f32 v63, v52  }
0x255: {  	v11 =	vmul.f32 v12, v11;
	v39 =	vmul.f32 v39, v41;
	v41 =	vld [tilespmem:s19+$0x8410];
	v0 =	vadd.f32 v35, v0  }
0x256: {  	v34 =	vadd.f32 v34, v45;
	v40 =	vmul.f32 v40, v42;
	v31 =	vld [tilespmem:s19+$0x430];
	v9 =	vadd.f32 v2, v43  }
0x257: {  	v52 =	vmul.f32 v23, v14;
	v63 =	vmul.f32 v57, v58;
	v57 =	vld [tilespmem:$0x1FFC0];
	v0 =	vadd.f32 v6, v0  }
0x258: {  	v58 =	vld [tilespmem:$0x1FFD0];
	v36 =	vadd.f32 v11, v9  }
0x259: {  	v40 =	vadd.f32 v39, v40;
	v39 =	vld [tilespmem:s19+$0x410];
	v45 =	vadd.f32 v52, v34;
	(xrf2) =	vadd.scan.msk.f32 $0xffff, v0  }
0x25a: {  	v60 =	vmul.f32 v60, v59;
	v62 =	vmul.f32 v62, v61;
	v35 =	vld [tilespmem:s19+$0x84A0];
	(xrf2) =	vadd.scan.msk.f32 $0xffff, v36  }
0x25b: {  	v48 =	vmul.f32 v48, v54;
	v47 =	vmul.f32 v47, v53;
	v43 =	vld [tilespmem:s19+$0x84D0];
	(xrf2) =	vadd.scan.msk.f32 $0xffff, v45  }
0x25c: {  	v21 =	vadd.f32 v21, v22;
	v52 =	vld [tilespmem:s19+$0x8480]  }
0x25d: {  	v22 =	vmul.f32 v55, v56;
	v6 =	vadd.f32 v47, v48;
	v48 =	vld [tilespmem:s19+$0x490];
	v0 =	vadd.f32 v62, v60  }
0x25e: {  	v9 =	vmul.f32 v7, v50;
	v11 =	vld [tilespmem:s19+$0x8490]  }
0x25f: {  	v21 =	vadd.f32 v22, v21;
	v22 =	vmul.f32 v20, v13;
	v62 =	vld [tilespmem:$0x1FFE0];
	v0 =	vadd.f32 v63, v0  }
0x260: {  	v56 =	vmul.f32 v4, v3;
	v55 =	vadd.f32 v9, v6;
	v63 =	vld [tilespmem:$0x1FFF0]  }
0x261: {  	v34 =	vld [tilespmem:s19+$0x420];
	v59 =	vmul.f32 v58, v57;
	v22 =	vadd.f32 v22, v21;
	v0 =	vadd.f32 v5, v0  }
0x262: {  	v44 =	vmul.f32 v44, v46;
	v36 =	vld [tilespmem:s19+$0x8420];
	v43 =	vmul.f32 v43, v49;
	v42 =	vadd.f32 v56, v55  }
0x263: {  	v61 =	vmul.f32 v10, v8;
	v60 =	vadd.f32 v59, v40;
	v40 =	vld [tilespmem:s19+$0x440];
	(xrf2) =	vadd.scan.msk.f32 $0xffff, v0;
	v54, _, _ =	vpop (xrf2)  }
0x264: {  	v47 =	vmul.f32 v52, v1;
	v45 =	vadd.f32 v43, v44;
	v43 =	vld [tilespmem:s19+$0x450];
	(xrf2) =	vadd.scan.msk.f32 $0xffff, v42;
	v21, _, _ =	vpop (xrf2)  }
0x265: {  	s20 =	simm.s32 $0x2000;
	v48 =	vmul.f32 v11, v48;
	v44 =	vadd.f32 v61, v60;
	v46 =	vmul.f32 v63, v62;
	v42 =	vld [tilespmem:s19+$0x8440];
	(xrf2) =	vadd.scan.msk.f32 $0xffff, v22;
	v22, _, _ =	vpop (xrf2)  }
.LBB2_4:
0x266: {  	v49 =	vld [tilespmem:s19+$0x8450]  }
0x267: {  	v10 =	vld [tilespmem:s19+$0x8460]  }
0x268: {  	v11 =	vld [tilespmem:s19+$0x470]  }
0x269: {  	v50 =	vld [tilespmem:s19+$0x8530]  }
0x26a: {  	v15 =	vmul.f32 v16, v15;
	v16 =	vmul.f32 v18, v17;
	v17 =	vld [tilespmem:s19+$0x86A0]  }
0x26b: {  	v52 =	vld [tilespmem:$0x1FF40]  }
0x26c: {  	v1 =	vld [tilespmem:$0x1FF50]  }
0x26d: {  	v53 =	vld [tilespmem:$0x1FF60]  }
0x26e: {  	v55 =	vld [tilespmem:$0x1FF70]  }
0x26f: {  	v12 =	vld [tilespmem:s19+$0x8760]  }
0x270: {  	v56 =	vld [tilespmem:$0x1FF30]  }
0x271: {  	v57 =	vld [tilespmem:s19+$0x8770]  }
0x272: {  	v58 =	vld [tilespmem:$0x1FEF0]  }
0x273: {  	v59 =	vld [tilespmem:$0x1FF00]  }
0x274: {  	v60 =	vld [tilespmem:$0x1FF10]  }
0x275: {  	v61 =	vld [tilespmem:$0x1FF20]  }
0x276: {  	v62 =	vld [tilespmem:$0x1FEE0];
	v45 =	vadd.f32 v46, v45;
	v0 =	vmul.f32 v30, v29;
	v33 =	vmul.f32 v35, v33  }
0x277: {  	v7 =	vadd.f32 v48, v47;
	v30 =	vld [tilespmem:s19+$0x460];
	v8 =	vmul.f32 v37, v38;
	v9 =	vmul.f32 v41, v39  }
0x278: {  	(xrf2) =	vadd.scan.msk.f32 $0xffff, v44;
	v47 =	vld [tilespmem:s19+$0x8520];
	v15 =	vadd.f32 v16, v15;
	v27 =	vmul.f32 v28, v27;
	v34 =	vmul.f32 v36, v34  }
0x279: {  	v44 =	vld [tilespmem:s19+$0x8470];
	v31 =	vmul.f32 v32, v31;
	v0 =	vadd.f32 v0, v45;
	v33 =	vadd.f32 v33, v7  }
0x27a: {  	v48 =	vld [tilespmem:s19+$0x530];
	v46 =	vmul.f32 v49, v43;
	v28 =	vadd.f32 v9, v8;
	v45 =	vmul.f32 v42, v40  }
0x27b: {  	v16 =	vld [tilespmem:s19+$0x86B0];
	v23 =	vmul.f32 v24, v51;
	v24 =	vmul.f32 v26, v25;
	v29, _, _ =	vpop (xrf2);
	(xrf2) =	vadd.scan.msk.f32 $0xffff, v0;
	v27 =	vadd.f32 v27, v33  }
0x27c: {  	v25 =	vld [tilespmem:s19+$0x85E0];
	v28 =	vadd.f32 v34, v28;
	v49 =	vadd.f32 v46, v45;
	v30 =	vmul.f32 v10, v30  }
0x27d: {  	v51 =	vld [tilespmem:$0x1FF80];
	v23 =	vadd.f32 v24, v23;
	v20 =	vmul.f32 v47, v19  }
0x27e: {  	v24 =	vld [tilespmem:s19+$0x85F0];
	v39, _, _ =	vpop (xrf2);
	(xrf2) =	vadd.scan.msk.f32 $0xffff, v27;
	v27 =	vadd.f32 v31, v28;
	v28 =	vadd.f32 v30, v49;
	v30 =	vmul.f32 v44, v11  }
0x27f: {  	v31 =	vld [tilespmem:s19+$0x5F0]  }
0x280: {  	v32 =	vld [tilespmem:$0x1FEB0];
	v20 =	vadd.f32 v20, v23;
	v23 =	vmul.f32 v50, v48;
	v26, _, _ =	vpop (xrf2);
	(xrf2) =	vadd.scan.msk.f32 $0xffff, v27;
	v27 =	vadd.f32 v30, v28  }
0x281: {  	v35 =	vld [tilespmem:$0x1FEC0];
	v10 =	vmul.f32 v1, v52;
	v11 =	vmul.f32 v55, v53  }
0x282: {  	v14 =	vmul.f32 v25, v51;
	v18, _, _ =	vpop (xrf2);
	v28 =	vld [tilespmem:s19+$0x6B0];
	(xrf2) =	vadd.scan.msk.f32 $0xffff, v27  }
0x283: {  	v36 =	vld [tilespmem:$0x1FED0];
	v9 =	vmul.f32 v17, v56;
	v20 =	vadd.f32 v23, v20;
	v10 =	vadd.f32 v11, v10  }
0x284: {  	v23 =	vld [tilespmem:s19+$0x770];
	v14 =	vadd.f32 v14, v15;
	v15 =	vmul.f32 v24, v31  }
0x285: {  	v9 =	vadd.f32 v9, v10;
	v10 =	vld [tilespmem:$0x1FEA0];
	v13, _, _ =	vpop (xrf2);
	(xrf2) =	vadd.scan.msk.f32 $0xffff, v20  }
0x286: {  	v5 =	vmul.f32 v59, v58;
	v6 =	vmul.f32 v61, v60;
	v7 =	vld [tilespmem:s19+$0x7E0];
	v14 =	vadd.f32 v15, v14  }
0x287: {  	v15 =	vld [tilespmem:s19+$0x87E0];
	v16 =	vmul.f32 v16, v28  }
0x288: {  	v63 =	vld [tilespmem:s19+$0x7F0];
	v4 =	vmul.f32 v12, v62;
	v5 =	vadd.f32 v6, v5;
	v8, _, _ =	vpop (xrf2);
	(xrf2) =	vadd.scan.msk.f32 $0xffff, v14  }
0x289: {  	v3 =	vld [tilespmem:s19+$0x87F0];
	v0 =	vmul.f32 v36, v35;
	v9 =	vadd.f32 v16, v9  }
0x28a: {  	v12 =	vadd.f32 v4, v5;
	v34 =	vmul.f32 v57, v23;
	v2 =	vmul.f32 v32, v10  }
0x28b: {  	v33, _, _ =	vpop (xrf2);
	(xrf2) =	vadd.scan.msk.f32 $0xffff, v9  }
0x28c: {  	v37 =	vadd.f32 v34, v12;
	v0 =	vadd.f32 v0, v2;
	v38 =	vmul.f32 v15, v7;
	v40, _, _ =	vpop (xrf2)  }
0x28d: {  	v41 =	vbroadcast v33, $0xF;
	v42 =	vbroadcast v40, $0xF  }
0x28e: {  	v44 =	vmul.f32 v3, v63;
	v43 =	vbroadcast v8, $0xF;
	v0 =	vadd.f32 v38, v0;
	(xrf2) =	vadd.scan.msk.f32 $0xffff, v37  }
0x28f: {  	v46 =	vbroadcast v13, $0xF;
	v45 =	vsel vm0, v41, v42;
	v47, _, _ =	vpop (xrf2)  }
0x290: {  	v0 =	vadd.f32 v44, v0;
	v1 =	vsel vm1, v45, v43;
	v48 =	vbroadcast v47, $0xF  }
0x291: {  	v49 =	vbroadcast v18, $0xF;
	v1 =	vsel vm2, v1, v46  }
0x292: {  	v50 =	vbroadcast v26, $0xF;
	v51, _, _ =	vpop (xrf2);
	(xrf2) =	vadd.scan.msk.f32 $0xffff, v0;
	v1 =	vsel vm3, v1, v48  }
0x293: {  	v53 =	vbroadcast v51, $0xF;
	v52 =	vsel vm4, v1, v49  }
0x294: {  	v55 =	vbroadcast v39, $0xF;
	v0 =	vsel vm5, v52, v50  }
0x295: {  	v56 =	vbroadcast v29, $0xF;
	v57, _, _ =	vpop (xrf2);
	v0 =	vsel vm6, v0, v53  }
0x296: {  	v58 =	vbroadcast v57, $0xF;
	v0 =	vsel vm7, v0, v55  }
0x297: {  	v59 =	vbroadcast v22, $0xF;
	v0 =	vsel vm8, v0, v56  }
0x298: {  	v60 =	vbroadcast v21, $0xF;
	v61, _, _ =	vpop (xrf2);
	v0 =	vsel vm9, v0, v58  }
0x299: {  	v3 =	vbroadcast v61, $0xF;
	v0 =	vsel vm10, v0, v59  }
0x29a: {  	v62 =	vbroadcast v54, $0xF;
	v0 =	vsel vm11, v0, v60  }
0x29b: {  	v0 =	vsel vm12, v0, v3  }
0x29c: {  	v63, _, _ =	vpop (xrf2);
	v0 =	vsel vm13, v0, v62  }
0x29d: {  	v0 =	vsel vm14, v0, v63  }
0x29e: {  	v0 =	vsub.f32 $0.0e+00, v0;
	_ =	sdelay $0x1  }
0x29f: {  	v0 =	vmul.f32 $1.442695020e+00, v0;
	_ =	sdelay $0x1  }
0x2a0: {  	(erf) = vpow2.f32 v0;
	_ =	sdelay $0x8  }
0x2a1: {  	v0 =	vpop (erf)  }
0x2a2: {  	v0 =	vadd.f32 $1.000000000e+00, v0;
	_ =	sdelay $0x1  }
0x2a3: {  	(erf) = vrcp.f32 v0;
	_ =	sdelay $0x8  }
0x2a4: {  	s18 =	sadd.s32 $0x10, s18;
	v0 =	vpop (erf)  }
0x2a5: {  	s19 =	sshra.s32 s20, $0x2;
	[tilespmem:s18+$0x0] =	vst v0  }
0x2a6: {  	v0 =	vld [tilespmem:s19+$0x7B0]  }
0x2a7: {  	v21 =	vld [tilespmem:s19+$0x87B0]  }
0x2a8: {  	v4 =	vld [tilespmem:s19+$0x7C0]  }
0x2a9: {  	v5 =	vld [tilespmem:s19+$0x87C0]  }
0x2aa: {  	v6 =	vld [tilespmem:s19+$0x7D0]  }
0x2ab: {  	v7 =	vld [tilespmem:s19+$0x87D0]  }
0x2ac: {  	v26 =	vld [tilespmem:s19+$0x7A0]  }
0x2ad: {  	v31 =	vld [tilespmem:s19+$0x87A0]  }
0x2ae: {  	v34 =	vld [tilespmem:s19+$0x730]  }
0x2af: {  	v37 =	vld [tilespmem:s19+$0x8730]  }
0x2b0: {  	v8 =	vld [tilespmem:s19+$0x760]  }
0x2b1: {  	v24 =	vld [tilespmem:s19+$0x780]  }
0x2b2: {  	v25 =	vld [tilespmem:s19+$0x8780]  }
0x2b3: {  	v32 =	vld [tilespmem:s19+$0x790]  }
0x2b4: {  	v48 =	vld [tilespmem:s19+$0x8790]  }
0x2b5: {  	v9 =	vld [tilespmem:s19+$0x6F0]  }
0x2b6: {  	v22 =	vld [tilespmem:s19+$0x86F0]  }
0x2b7: {  	v33 =	vld [tilespmem:s19+$0x720]  }
0x2b8: {  	v35 =	vld [tilespmem:s19+$0x8720]  }
0x2b9: {  	v10 =	vld [tilespmem:s19+$0x740]  }
0x2ba: {  	v11 =	vld [tilespmem:s19+$0x8740]  }
0x2bb: {  	v36 =	vld [tilespmem:s19+$0x750]  }
0x2bc: {  	v38 =	vld [tilespmem:s19+$0x8750]  }
0x2bd: {  	v43 =	vld [tilespmem:s19+$0x6E0]  }
0x2be: {  	v46 =	vld [tilespmem:s19+$0x86E0]  }
0x2bf: {  	v53 =	vld [tilespmem:s19+$0x700]  }
0x2c0: {  	v54 =	vld [tilespmem:s19+$0x8700]  }
0x2c1: {  	v55 =	vld [tilespmem:s19+$0x710]  }
0x2c2: {  	v56 =	vld [tilespmem:s19+$0x8710]  }
0x2c3: {  	v39 =	vld [tilespmem:s19+$0x670]  }
0x2c4: {  	v41 =	vld [tilespmem:s19+$0x8670]  }
0x2c5: {  	v40 =	vld [tilespmem:s19+$0x6A0]  }
0x2c6: {  	v57 =	vld [tilespmem:s19+$0x6C0]  }
0x2c7: {  	v58 =	vld [tilespmem:s19+$0x86C0]  }
0x2c8: {  	v59 =	vld [tilespmem:s19+$0x6D0]  }
0x2c9: {  	v60 =	vld [tilespmem:s19+$0x86D0]  }
0x2ca: {  	v42 =	vld [tilespmem:s19+$0x630]  }
0x2cb: {  	v44 =	vld [tilespmem:s19+$0x8630]  }
0x2cc: {  	v52 =	vld [tilespmem:s19+$0x8660]  }
0x2cd: {  	v45 =	vld [tilespmem:s19+$0x680]  }
0x2ce: {  	v47 =	vld [tilespmem:s19+$0x8680]  }
0x2cf: {  	v49 =	vld [tilespmem:s19+$0x690]  }
0x2d0: {  	v50 =	vld [tilespmem:s19+$0x8690]  }
0x2d1: {  	v61 =	vld [tilespmem:s19+$0x640]  }
0x2d2: {  	v62 =	vld [tilespmem:s19+$0x8640]  }
0x2d3: {  	v63 =	vld [tilespmem:s19+$0x650]  }
0x2d4: {  	v51 =	vld [tilespmem:s19+$0x5E0]  }
0x2d5: {  	v1 =	vld [tilespmem:s19+$0x600]  }
0x2d6: {  	v2 =	vld [tilespmem:s19+$0x8600]  }
0x2d7: {  	v3 =	vld [tilespmem:s19+$0x610]  }
0x2d8: {  	v23 =	vld [tilespmem:s19+$0x85C0]  }
0x2d9: {  	v12 =	vld [tilespmem:s19+$0x8590]  }
0x2da: {  	v29 =	vld [tilespmem:s19+$0x4F0]  }
0x2db: {  	v30 =	vld [tilespmem:s19+$0x84F0]  }
0x2dc: {  	v19 =	vld [tilespmem:s19+$0x520]  }
0x2dd: {  	v13 =	vld [tilespmem:s19+$0x540]  }
0x2de: {  	v14 =	vld [tilespmem:s19+$0x8540]  }
0x2df: {  	v15 =	vld [tilespmem:s19+$0x550]  }
0x2e0: {  	v16 =	vld [tilespmem:s19+$0x8550]  }
0x2e1: {  	v27 =	vld [tilespmem:s19+$0x4B0]  }
0x2e2: {  	v28 =	vld [tilespmem:s19+$0x84B0]  }
0x2e3: {  	v17 =	vld [tilespmem:s19+$0x4E0]  }
0x2e4: {  	v18 =	vld [tilespmem:s19+$0x84E0]  }
0x2e5: {  	[tilespmem:$0x1FF10] =	vst v36;
	v36 =	vld [tilespmem:s19+$0x660]  }
0x2e6: {  	[tilespmem:$0x1FF60] =	vst v49;
	v49 =	vld [tilespmem:s19+$0x620]  }
0x2e7: {  	[tilespmem:$0x1FF20] =	vst v38;
	v38 =	vld [tilespmem:s19+$0x8620]  }
0x2e8: {  	[tilespmem:$0x1FCB0] =	vst v0;
	v0 =	vld [tilespmem:s19+$0x8650]  }
0x2e9: {  	[tilespmem:$0x1FF30] =	vst v40;
	v40 =	vld [tilespmem:s19+$0x5B0]  }
0x2ea: {  	[tilespmem:$0x1FCD0] =	vst v39;
	v39 =	vld [tilespmem:s19+$0x85B0]  }
0x2eb: {  	[tilespmem:$0x1FEA0] =	vst v4;
	v4 =	vld [tilespmem:s19+$0x8610]  }
0x2ec: {  	[tilespmem:$0x1FCE0] =	vst v42;
	v42 =	vld [tilespmem:s19+$0x570]  }
0x2ed: {  	[tilespmem:$0x1FF40] =	vst v45;
	v45 =	vld [tilespmem:s19+$0x8570]  }
0x2ee: {  	[tilespmem:$0x1FEB0] =	vst v5;
	v5 =	vld [tilespmem:s19+$0x5A0]  }
0x2ef: {  	[tilespmem:$0x1FEC0] =	vst v6;
	v6 =	vld [tilespmem:s19+$0x85A0]  }
0x2f0: {  	[tilespmem:$0x1FF70] =	vst v50;
	v50 =	vld [tilespmem:s19+$0x5C0]  }
0x2f1: {  	[tilespmem:$0x1FF50] =	vst v47;
	v47 =	vld [tilespmem:s19+$0x5D0]  }
0x2f2: {  	[tilespmem:$0x1FCF0] =	vst v44;
	v44 =	vld [tilespmem:s19+$0x85D0]  }
0x2f3: {  	[tilespmem:$0x1FED0] =	vst v7;
	v7 =	vld [tilespmem:s19+$0x560]  }
0x2f4: {  	[tilespmem:$0x1FEE0] =	vst v8;
	v8 =	vld [tilespmem:s19+$0x8560]  }
0x2f5: {  	[tilespmem:$0x1FCC0] =	vst v9;
	v9 =	vld [tilespmem:s19+$0x580]  }
0x2f6: {  	[tilespmem:$0x1FEF0] =	vst v10;
	v10 =	vld [tilespmem:s19+$0x8580]  }
0x2f7: {  	[tilespmem:$0x1FF00] =	vst v11;
	v11 =	vld [tilespmem:s19+$0x590]  }
0x2f8: {  	[tilespmem:$0x1FF80] =	vst v51;
	v51 =	vld [tilespmem:s19+$0x500]  }
0x2f9: {  	v20 =	vmul.f32 v25, v24;
	v24 =	vld [tilespmem:s19+$0x8500]  }
0x2fa: {  	v32 =	vmul.f32 v48, v32;
	v25 =	vld [tilespmem:s19+$0x510]  }
0x2fb: {  	v48 =	vmul.f32 v54, v53;
	v53 =	vmul.f32 v56, v55;
	v56 =	vld [tilespmem:$0x1FCB0]  }
0x2fc: {  	v60 =	vmul.f32 v60, v59;
	v59 =	vld [tilespmem:$0x1FCC0]  }
0x2fd: {  	v43 =	vmul.f32 v46, v43;
	v46 =	vld [tilespmem:$0x1FCF0]  }
0x2fe: {  	v20 =	vadd.f32 v32, v20;
	v32 =	vmul.f32 v31, v26;
	v26 =	vld [tilespmem:s19+$0x8510]  }
0x2ff: {  	v58 =	vmul.f32 v58, v57;
	v31 =	vld [tilespmem:s19+$0x430]  }
0x300: {  	v48 =	vadd.f32 v53, v48;
	v53 =	vmul.f32 v35, v33;
	v33 =	vld [tilespmem:s19+$0x4A0]  }
0x301: {  	v35 =	vld [tilespmem:s19+$0x84A0];
	v57 =	vadd.f32 v60, v58  }
0x302: {  	v20 =	vadd.f32 v32, v20;
	v32 =	vld [tilespmem:s19+$0x8430]  }
0x303: {  	v34 =	vmul.f32 v37, v34;
	v37 =	vadd.f32 v43, v57;
	v43 =	vld [tilespmem:s19+$0x84D0]  }
0x304: {  	v60 =	vmul.f32 v52, v36;
	v36 =	vld [tilespmem:s19+$0x8420];
	v21 =	vmul.f32 v21, v56  }
0x305: {  	v58 =	vmul.f32 v62, v61;
	v0 =	vmul.f32 v0, v63;
	v63 =	vld [tilespmem:$0x1FCD0]  }
0x306: {  	v61 =	vmul.f32 v4, v3;
	v3 =	vld [tilespmem:s19+$0x8480];
	v20 =	vadd.f32 v21, v20;
	v21 =	vadd.f32 v53, v48  }
0x307: {  	v22 =	vmul.f32 v22, v59;
	v59 =	vmul.f32 v39, v40;
	v39 =	vld [tilespmem:s19+$0x410]  }
0x308: {  	v40 =	vld [tilespmem:s19+$0x440];
	v21 =	vadd.f32 v34, v21  }
0x309: {  	v48 =	vld [tilespmem:s19+$0x4C0];
	v62 =	vadd.f32 v22, v37;
	(xrf2) =	vadd.scan.msk.f32 $0xffff, v20  }
0x30a: {  	v53 =	vld [tilespmem:s19+$0x4D0];
	(xrf2) =	vadd.scan.msk.f32 $0xffff, v21  }
0x30b: {  	v0 =	vadd.f32 v0, v58;
	v4 =	vmul.f32 v41, v63;
	v41 =	vld [tilespmem:$0x1FCE0];
	(xrf2) =	vadd.scan.msk.f32 $0xffff, v62  }
0x30c: {  	v1 =	vmul.f32 v2, v1;
	v9 =	vmul.f32 v10, v9;
	v22 =	vld [tilespmem:s19+$0x480]  }
0x30d: {  	v37 =	vmul.f32 v38, v49;
	v38 =	vmul.f32 v12, v11;
	v0 =	vadd.f32 v60, v0;
	v20 =	vld [tilespmem:s19+$0x84C0]  }
0x30e: {  	v57 =	vmul.f32 v16, v15;
	v5 =	vmul.f32 v6, v5;
	v1 =	vadd.f32 v61, v1;
	v11 =	vld [tilespmem:s19+$0x8490]  }
0x30f: {  	v49 =	vmul.f32 v14, v13;
	v34 =	vld [tilespmem:s19+$0x420];
	v9 =	vadd.f32 v38, v9;
	v0 =	vadd.f32 v4, v0  }
0x310: {  	p0 =	sne.s32 s20, $0x1F000;
	v16 =	vmovc v23;
	v60 =	vmul.f32 v8, v7;
	v1 =	vadd.f32 v37, v1;
	v4 =	vld [tilespmem:s19+$0x490];
	v2 =	vmul.f32 v46, v41  }
.Ltmp1:
0x311: {  	v37 =	vld [tilespmem:s19+$0x8400];
	v63 =	vmul.f32 v45, v42;
	v58 =	vadd.f32 v5, v9;
	(xrf2) =	vadd.scan.msk.f32 $0xffff, v0;
	v0 =	vadd.f32 v57, v49;
	(pc) =	sbr.rel @p0 .LBB2_4-.Ltmp1, $4  }
0x312: {  	v15 =	vmovc v50;
	v38 =	vld [tilespmem:s19+$0x400];
	v62 =	vmul.f32 v43, v53;
	v61 =	vmul.f32 v20, v48;
	v1 =	vadd.f32 v2, v1  }
0x313: {  	v42 =	vld [tilespmem:s19+$0x8440];
	v46 =	vmul.f32 v18, v17;
	v0 =	vadd.f32 v60, v0;
	v2 =	vadd.f32 v59, v58;
	v54, _, _ =	vpop (xrf2)  }
0x314: {  	v43 =	vld [tilespmem:s19+$0x450];
	v18 =	vmov v44;
	v17 =	vmov v47;
	v47 =	vmul.f32 v3, v22;
	(xrf2) =	vadd.scan.msk.f32 $0xffff, v1;
	v21, _, _ =	vpop (xrf2)  }
0x315: {  	s20 =	sadd.s32 $0x1000, s20;
	v41 =	vld [tilespmem:s19+$0x8410];
	v45 =	vadd.f32 v62, v61;
	v48 =	vmul.f32 v11, v4;
	v44 =	vadd.f32 v63, v0;
	(xrf2) =	vadd.scan.msk.f32 $0xffff, v2;
	v22, _, _ =	vpop (xrf2)  }
0x316: {  	v0 =	vld [tilespmem:s19+$0x8450]  }
0x317: {  	v1 =	vld [tilespmem:s19+$0x460]  }
0x318: {  	v4 =	vld [tilespmem:s19+$0x8460]  }
0x319: {  	v7 =	vld [tilespmem:s19+$0x470]  }
0x31a: {  	v6 =	vmul.f32 v35, v33;
	v33 =	vld [tilespmem:s19+$0x8470]  }
0x31b: {  	v10 =	vld [tilespmem:s19+$0x8520]  }
0x31c: {  	v12 =	vld [tilespmem:s19+$0x530]  }
0x31d: {  	v14 =	vld [tilespmem:s19+$0x85E0]  }
0x31e: {  	v50 =	vld [tilespmem:s19+$0x86A0]  }
0x31f: {  	v52 =	vld [tilespmem:s19+$0x6B0]  }
0x320: {  	v53 =	vld [tilespmem:$0x1FF80]  }
0x321: {  	v55 =	vld [tilespmem:s19+$0x86B0]  }
0x322: {  	v57 =	vld [tilespmem:$0x1FF40]  }
0x323: {  	v58 =	vld [tilespmem:$0x1FF50]  }
0x324: {  	v59 =	vld [tilespmem:$0x1FF60]  }
0x325: {  	v60 =	vld [tilespmem:$0x1FF70]  }
0x326: {  	v61 =	vld [tilespmem:s19+$0x8760]  }
0x327: {  	v3 =	vmul.f32 v30, v29;
	v11 =	vmul.f32 v28, v27;
	v62 =	vld [tilespmem:s19+$0x770]  }
0x328: {  	v13 =	vmul.f32 v32, v31;
	v49 =	vmul.f32 v18, v17;
	v17 =	vld [tilespmem:$0x1FF30]  }
0x329: {  	v18 =	vld [tilespmem:s19+$0x8770];
	v2 =	vadd.f32 v46, v45;
	v8 =	vmul.f32 v37, v38;
	v9 =	vmul.f32 v41, v39  }
0x32a: {  	v20 =	vld [tilespmem:$0x1FEF0];
	v5 =	vadd.f32 v48, v47;
	v35 =	vmul.f32 v42, v40;
	v0 =	vmul.f32 v0, v43  }
0x32b: {  	v23 =	vld [tilespmem:$0x1FF00];
	v37 =	vmul.f32 v36, v34;
	v40 =	vmul.f32 v24, v51;
	v8 =	vadd.f32 v9, v8  }
0x32c: {  	v38 =	vld [tilespmem:s19+$0x8530];
	v5 =	vadd.f32 v6, v5;
	v1 =	vmul.f32 v4, v1;
	v0 =	vadd.f32 v0, v35  }
0x32d: {  	v31 =	vld [tilespmem:$0x1FEE0];
	v2 =	vadd.f32 v3, v2;
	v41 =	vmul.f32 v26, v25;
	v39 =	vadd.f32 v37, v8  }
0x32e: {  	(xrf2) =	vadd.scan.msk.f32 $0xffff, v44;
	v47 =	vld [tilespmem:s19+$0x85F0];
	v5 =	vadd.f32 v11, v5;
	v42 =	vmul.f32 v33, v7;
	v0 =	vadd.f32 v1, v0  }
0x32f: {  	v43 =	vld [tilespmem:s19+$0x5F0];
	(xrf2) =	vadd.scan.msk.f32 $0xffff, v2;
	v46 =	vmul.f32 v10, v19;
	v45 =	vadd.f32 v41, v40;
	v44 =	vadd.f32 v13, v39  }
0x330: {  	v48 =	vmul.f32 v16, v15;
	v24 =	vld [tilespmem:$0x1FF10];
	(xrf2) =	vadd.scan.msk.f32 $0xffff, v5;
	v0 =	vadd.f32 v42, v0  }
0x331: {  	v25 =	vld [tilespmem:$0x1FF20];
	v4 =	vmul.f32 v38, v12;
	v51 =	vadd.f32 v46, v45;
	(xrf2) =	vadd.scan.msk.f32 $0xffff, v44  }
0x332: {  	v34 =	vld [tilespmem:$0x1FEA0];
	v5 =	vmul.f32 v14, v53;
	v1 =	vadd.f32 v49, v48;
	(xrf2) =	vadd.scan.msk.f32 $0xffff, v0  }
0x333: {  	v2 =	vmul.f32 v58, v57;
	v38 =	vld [tilespmem:$0x1FEC0];
	v56 =	vadd.f32 v4, v51;
	v4 =	vmul.f32 v60, v59  }
0x334: {  	v35 =	vld [tilespmem:$0x1FEB0];
	v3 =	vmul.f32 v47, v43;
	v1 =	vadd.f32 v5, v1  }
0x335: {  	v63, _, _ =	vpop (xrf2);
	v39 =	vld [tilespmem:$0x1FED0];
	v2 =	vadd.f32 v4, v2;
	v4 =	vmul.f32 v50, v17;
	(xrf2) =	vadd.scan.msk.f32 $0xffff, v56  }
0x336: {  	v29 =	vld [tilespmem:s19+$0x87E0];
	v19, _, _ =	vpop (xrf2);
	v11 =	vmul.f32 v25, v24;
	v1 =	vadd.f32 v3, v1;
	v3 =	vmul.f32 v23, v20  }
0x337: {  	v26 =	vld [tilespmem:s19+$0x7E0];
	v28 =	vmul.f32 v55, v52;
	v27, _, _ =	vpop (xrf2);
	v2 =	vadd.f32 v4, v2  }
0x338: {  	v32 =	vld [tilespmem:s19+$0x7F0];
	v10 =	vmul.f32 v61, v31;
	v30, _, _ =	vpop (xrf2);
	v3 =	vadd.f32 v11, v3;
	(xrf2) =	vadd.scan.msk.f32 $0xffff, v1  }
0x339: {  	v36 =	vld [tilespmem:s19+$0x87F0];
	v5 =	vmul.f32 v18, v62;
	v33, _, _ =	vpop (xrf2);
	v2 =	vadd.f32 v28, v2  }
0x33a: {  	v4 =	vmul.f32 v35, v34;
	v9 =	vmul.f32 v39, v38;
	v37, _, _ =	vpop (xrf2);
	v3 =	vadd.f32 v10, v3  }
0x33b: {  	(xrf2) =	vadd.scan.msk.f32 $0xffff, v2;
	v40, _, _ =	vpop (xrf2)  }
0x33c: {  	v43 =	vmul.f32 v29, v26;
	v42 =	vadd.f32 v9, v4;
	v41 =	vadd.f32 v5, v3;
	v44, _, _ =	vpop (xrf2)  }
0x33d: {  	v45 =	vbroadcast v40, $0xF;
	v5 =	vbroadcast v44, $0xF  }
0x33e: {  	v47 =	vmul.f32 v36, v32;
	v46 =	vbroadcast v37, $0xF;
	v3 =	vadd.f32 v43, v42;
	(xrf2) =	vadd.scan.msk.f32 $0xffff, v41  }
0x33f: {  	v1 =	vbroadcast v33, $0xF;
	v49, _, _ =	vpop (xrf2);
	v48 =	vsel vm0, v45, v5  }
0x340: {  	v3 =	vadd.f32 v47, v3;
	v5 =	vbroadcast v49, $0xF;
	v2 =	vsel vm1, v48, v46  }
0x341: {  	v50 =	vbroadcast v30, $0xF;
	v1 =	vsel vm2, v2, v1  }
0x342: {  	v51 =	vbroadcast v27, $0xF;
	(xrf2) =	vadd.scan.msk.f32 $0xffff, v3;
	v52, _, _ =	vpop (xrf2);
	v1 =	vsel vm3, v1, v5  }
0x343: {  	v53 =	vbroadcast v52, $0xF;
	v1 =	vsel vm4, v1, v50  }
0x344: {  	v0 =	vbroadcast v19, $0xF;
	v1 =	vsel vm5, v1, v51  }
0x345: {  	v55 =	vbroadcast v63, $0xF;
	v56, _, _ =	vpop (xrf2);
	v1 =	vsel vm6, v1, v53  }
0x346: {  	v57 =	vbroadcast v56, $0xF;
	v0 =	vsel vm7, v1, v0  }
0x347: {  	v58 =	vbroadcast v22, $0xF;
	v0 =	vsel vm8, v0, v55  }
0x348: {  	v59 =	vbroadcast v21, $0xF;
	v60, _, _ =	vpop (xrf2);
	v0 =	vsel vm9, v0, v57  }
0x349: {  	v61 =	vbroadcast v60, $0xF;
	v0 =	vsel vm10, v0, v58  }
0x34a: {  	v62 =	vbroadcast v54, $0xF;
	v0 =	vsel vm11, v0, v59  }
0x34b: {  	v0 =	vsel vm12, v0, v61  }
0x34c: {  	v63, _, _ =	vpop (xrf2);
	v0 =	vsel vm13, v0, v62  }
0x34d: {  	v0 =	vsel vm14, v0, v63  }
0x34e: {  	v0 =	vsub.f32 $0.0e+00, v0;
	_ =	sdelay $0x1  }
0x34f: {  	v0 =	vmul.f32 $1.442695020e+00, v0;
	_ =	sdelay $0x1  }
0x350: {  	(erf) = vpow2.f32 v0;
	_ =	sdelay $0x8  }
0x351: {  	v0 =	vpop (erf)  }
0x352: {  	v0 =	vadd.f32 $1.000000000e+00, v0;
	_ =	sdelay $0x1  }
0x353: {  	(erf) = vrcp.f32 v0;
	_ =	sdelay $0x8  }
0x354: {  	s0 =	sadd.s32 $0x10, s18;
	v0 =	vpop (erf)  }
0x355: {  	s30 =	rddreg [dreg:$0x7];
	s1 =	simm.s32 $0x10400;
	[tilespmem:s0+$0x0] =	vst v0  }
0x356: {  	[hbm4b:s30+s2] =	stream.linear.scatter [tilespmem:s1], [sflag:$0x5], $0x200, $0x38;
	[tilespmem:$0x10600] =	vst v63  }
0x357: {  	_ =	swait.ge [sflag:s9], $0x200  }
0x358: {  	s17 =	sadd.s32 $0x1, s17;
	s31 =	rddreg [dreg:$0x8]  }
0x359: {  	p0 =	sne.s32 s17, s31  }
.Ltmp2:
0x35a: {  	_ = 	snop;
	(pc) =	sbr.rel @p0 .LBB2_1-.Ltmp2, $3  }
0x35b: {  	_ =	sdelay $0x1  }
0x35c: {  	[sflag:s9] =	ssyncset.done $0x0  }
0x35d: {  	[sflag:s9] =	ssyncadd.s32 $0xFFFFFE00  }
0x35e: {  	_ =	sfence.sel $0x180000  }
0x35f: {  	[bflag:$0x0] =	sbarrier.arrive $0xFFFF  }
0x360: {  	_ =	strace $0x90000047  }
0x361: {  	s0 =	stileid.u32;
	[bflag:$0x2] =	sbarrier.arrive $0xFFFF  }
0x362: {  	p0 =	sne.s32 s0, $0x0;
	s0 =	rddreg [dreg:$0x4]  }
0x363: {  	s0 =	sadd.s32 @!p0 $0x100000, s0  }
0x364: {  	[sflag:s0] =	ssyncadd.tile.s32 @!p0 $0x1;
	_ =	shalt  }
.Lfunc_end2:
_tile_overlayer_lowered:
.L_overlay_start_2:
0x365: {  	(tag) =	ssettag $0x2  }
0x366: {  	s0 =	rddreg [dreg:$0x0];
	s2 =	stileid.u32  }
0x367: {  	s1 =	rddreg [dreg:$0x1];
	p0 =	sne.s32 s2, $0x0  }
0x368: {  	s3 =	rddreg [dreg:$0x2];
	[bflag:$0x3] =	sbarrier.arrive $0xFFFF;
	s2 =	simm.s32 @!p0 $0x1C05  }
0x369: {  	[timem:s3], [sflag:s2] =	dma.local @!p0 [hbm:s0], s1  }
0x36a: {  	s0 =	simm.s32 @!p0 $0x5  }
0x36b: {  	_ =	swait.ge @!p0 [sflag:s0], s1  }
0x36c: {  	s1 =	ssub.s32 @!p0 $0x0, s1;
	[sflag:s0] =	ssyncset.done @!p0 $0x0  }
0x36d: {  	[sflag:s0] =	ssyncadd.s32 @!p0 s1  }
0x36e: {  	[bflag:$0x3] =	sbarrier.arrive $0xFFFF  }
0x36f: {  	_ =	shalt  }

</sc_bundles>
